<compile_context>
chip_gen: v7x
topology: tpu7x:2x2x1
jax: 0.10.2.dev20260603
libtpu: 0.0.44.dev20260713+nightly
codegen_flags: <defaults>
</compile_context>

<pallas_src>
import functools

import jax
import jax.numpy as jnp
from jax import lax
from jax.experimental import pallas as pl
from jax.experimental.pallas import tpu as pltpu
from jax.experimental.pallas import tpu_sc as plsc

D = 32

_info = plsc.get_sparse_core_info()
_NC, _NS = _info.num_cores, _info.num_subcores
_NW = _NC * _NS

_G = 8
_NRING = 4


def _make_gather(n_samples: int, seq: int):
    per_w = n_samples // _NW
    ngroup = per_w // _G
    nsuper = ngroup // _NRING
    assert nsuper * _NRING * _G == per_w
    mesh = plsc.VectorSubcoreMesh(core_axis_name="c", subcore_axis_name="s")

    seq_p, d_p = 56, 128

    @functools.partial(
        pl.kernel,
        out_type=jax.ShapeDtypeStruct((n_samples, seq_p, d_p), jnp.float32),
        mesh=mesh,
        scratch_types=[
            pltpu.VMEM((per_w, seq), jnp.int32),
            [pltpu.VMEM((_G, seq, D), jnp.float32) for _ in range(_NRING)],
            pltpu.SemaphoreType.DMA((_NRING,)),
            pltpu.SemaphoreType.DMA((_NRING,)),
        ],
        compiler_params=pltpu.CompilerParams(use_tc_tiling_on_sc=False),
    )
    def gather_kernel(idx_hbm, table_hbm, out_hbm, idx_v, rows, in_sem, out_sem):
        wid = lax.axis_index("s") * _NC + lax.axis_index("c")
        r0 = wid * per_w
        pltpu.sync_copy(idx_hbm.at[pl.ds(r0, per_w)], idx_v)

        def fire_group(g, b):
            for k in range(_G):
                pltpu.async_copy(
                    table_hbm.at[idx_v.at[g * _G + k]],
                    rows[b].at[k],
                    in_sem.at[b],
                )

        def drain_group(b):
            for k in range(_G):
                pltpu.make_async_copy(
                    table_hbm.at[idx_v.at[k]],
                    rows[b].at[k],
                    in_sem.at[b],
                ).wait()

        def out_slice(g):
            return out_hbm.at[pl.ds(r0 + g * _G, _G), pl.ds(0, seq), pl.ds(0, D)]

        def wait_out(b):
            pltpu.make_async_copy(rows[b], out_slice(0), out_sem.at[b]).wait()

        def body(sg, carry):
            for b in range(_NRING):
                g = sg * _NRING + b
                drain_group(b)
                pltpu.async_copy(rows[b], out_slice(g), out_sem.at[b])

            @pl.when(sg + 1 < nsuper)
            def _():
                for b in range(_NRING):
                    g = (sg + 1) * _NRING + b
                    wait_out(b)
                    fire_group(g, b)

            return carry

        for b in range(_NRING):
            fire_group(b, b)
        lax.fori_loop(0, nsuper, body, 0)
        for b in range(_NRING):
            wait_out(b)

    return gather_kernel


def kernel(input, embeddings):
    n_samples, seq = input.shape
    out_padded = _make_gather(n_samples, seq)(input.astype(jnp.int32), embeddings)
    return out_padded[:, :seq, :D]

# --- scband reference (transcript-rebuilt; emitter-appended) ---
"""Pipeline reference for scband-pretrained-embedding-34059090657461 (READ-ONLY COPY).

The authoritative reference and input builder live on the scoring server;
editing this copy changes nothing except your own understanding.
"""

import jax, jax.numpy as jnp
import numpy as np


def setup_inputs(seed: int = 0) -> dict:
    key = jax.random.key(seed)
    k_idx, k_emb = jax.random.split(key)
    indices = jax.random.randint(k_idx, (16384, 50), 0, 1000000, dtype=jnp.int64)
    embeddings = jax.random.normal(k_emb, (1000000, 32), dtype=jnp.float32)
    return {"input": indices, "embeddings": embeddings}


def reference(input, embeddings):
    # tf.nn.embedding_lookup(embeddings, input)
    output = jnp.take(embeddings, input, axis=0)
    # Dropout with training=None / inference mode is the identity.
    return output

if __name__ == "__main__":
    import jax
    _d = setup_inputs()
    print(jax.jit(kernel)(*tuple(_d.values())))

</pallas_src>

<mosaic_0001>
#map = affine_map<(d0, d1) -> (0, 0)>
#map1 = affine_map<(d0, d1) -> (0, 0, 0)>
module attributes {stable_mosaic.version = 14 : i64} {
  func.func @gather_kernel(%arg0: i32, %arg1: i32, %arg2: memref<16384x50xi32, #tpu.memory_space<hbm>>, %arg3: memref<1000000x32xf32, #tpu.memory_space<hbm>>, %arg4: memref<16384x56x128xf32, #tpu.memory_space<hbm>>, %arg5: memref<512x50xi32, #tpu.memory_space<vmem>>, %arg6: memref<8x50x32xf32, #tpu.memory_space<vmem>>, %arg7: memref<8x50x32xf32, #tpu.memory_space<vmem>>, %arg8: memref<8x50x32xf32, #tpu.memory_space<vmem>>, %arg9: memref<8x50x32xf32, #tpu.memory_space<vmem>>, %arg10: memref<4x!tpu.dma_semaphore, #tpu.memory_space<semaphore_mem>>, %arg11: memref<4x!tpu.dma_semaphore, #tpu.memory_space<semaphore_mem>>) attributes {dimension_semantics = [#tpu.dimension_semantics<core_parallel>, #tpu.dimension_semantics<subcore_parallel>], iteration_bounds = array<i64: 2, 16>, scalar_prefetch = 0 : i64, scratch_operands = 7 : i64, tpu.core_type = #tpu.core_type<sc_vector_subcore>, window_params = [{transform_indices = #map}, {transform_indices = #map}, {transform_indices = #map1}]} {
    %mul3A = arith.constant 2 : i32
    %mul3A_0 = arith.muli %arg1, %mul3A : i32
    %add3A = arith.addi %mul3A_0, %arg0 : i32
    %mul3A_1 = arith.constant 512 : i32
    %mul3A_2 = arith.muli %add3A, %mul3A_1 : i32
    "tpu.region"() ({
      %run_scoped3A = tpu.sem_alloc : memref<!tpu.dma_semaphore, #tpu.memory_space<semaphore_mem>>
      %dma_start3A_530 = arith.constant 0 : i32
      %dma_start3A_531 = tpu.memref_slice %arg2[%mul3A_2, %dma_start3A_530] : memref<16384x50xi32, #tpu.memory_space<hbm>> -> memref<512x50xi32, #tpu.memory_space<hbm>>
      %dma_start3A_532 = arith.constant 0 : i32
      %dma_start3A_533 = tpu.memref_slice %arg2[%mul3A_2, %dma_start3A_532] : memref<16384x50xi32, #tpu.memory_space<hbm>> -> memref<512x50xi32, #tpu.memory_space<hbm>>
      tpu.enqueue_dma source(%dma_start3A_533 : memref<512x50xi32, #tpu.memory_space<hbm>>) target(%arg5 : memref<512x50xi32, #tpu.memory_space<vmem>>) target_semaphore(%run_scoped3A : memref<!tpu.dma_semaphore, #tpu.memory_space<semaphore_mem>>)
      %dma_wait3A_534 = arith.constant 0 : i32
      %dma_wait3A_535 = tpu.memref_slice %arg2[%mul3A_2, %dma_wait3A_534] : memref<16384x50xi32, #tpu.memory_space<hbm>> -> memref<512x50xi32, #tpu.memory_space<hbm>>
      %dma_wait3A_536 = arith.constant 0 : i32
      %dma_wait3A_537 = tpu.memref_slice %arg2[%mul3A_2, %dma_wait3A_536] : memref<16384x50xi32, #tpu.memory_space<hbm>> -> memref<512x50xi32, #tpu.memory_space<hbm>>
      tpu.wait_dma2 semaphore(%run_scoped3A : memref<!tpu.dma_semaphore, #tpu.memory_space<semaphore_mem>>) src(%dma_wait3A_537 : memref<512x50xi32, #tpu.memory_space<hbm>>) dst(%arg5 : memref<512x50xi32, #tpu.memory_space<vmem>>)
      tpu.yield
    }) : () -> ()
    %dma_start3A = arith.constant 0 : i32
    %dma_start3A_3 = arith.constant 0 : i32
    %dma_start3A_4 = arith.constant 0 : i32
    %dma_start3A_5 = arith.constant 0 : i32
    %dma_start3A_6 = arith.constant 0 : i32
    %dma_start3A_7 = tpu.memref_slice %arg6[%dma_start3A_3, %dma_start3A_5, %dma_start3A_6] : memref<8x50x32xf32, #tpu.memory_space<vmem>> -> memref<1x50x32xf32, #tpu.memory_space<vmem>>
    %dma_start3A_8 = tpu.memref_squeeze %dma_start3A_7 : memref<1x50x32xf32, #tpu.memory_space<vmem>> -> memref<50x32xf32, #tpu.memory_space<vmem>>
    %dma_start3A_9 = arith.constant 0 : i32
    %dma_start3A_10 = tpu.memref_slice %arg5[%dma_start3A, %dma_start3A_9] : memref<512x50xi32, #tpu.memory_space<vmem>> -> memref<1x50xi32, #tpu.memory_space<vmem>>
    %dma_start3A_11 = tpu.memref_squeeze %dma_start3A_10 : memref<1x50xi32, #tpu.memory_space<vmem>> -> memref<50xi32, #tpu.memory_space<vmem>>
    %dma_start3A_12 = arith.constant 0 : i32
    %dma_start3A_13 = arith.constant 0 : i32
    %dma_start3A_14 = tpu.memref_slice %arg3[%dma_start3A_12, %dma_start3A_13] : memref<1000000x32xf32, #tpu.memory_space<hbm>> -> memref<1000000x32xf32, #tpu.memory_space<hbm>>
    %dma_start3A_15 = tpu.memref_slice %arg10[%dma_start3A_4] : memref<4x!tpu.dma_semaphore, #tpu.memory_space<semaphore_mem>> -> memref<1x!tpu.dma_semaphore, #tpu.memory_space<semaphore_mem>>
    %dma_start3A_16 = tpu.memref_squeeze %dma_start3A_15 : memref<1x!tpu.dma_semaphore, #tpu.memory_space<semaphore_mem>> -> memref<!tpu.dma_semaphore, #tpu.memory_space<semaphore_mem>>
    tpu.enqueue_indirect_dma source(%dma_start3A_14 : memref<1000000x32xf32, #tpu.memory_space<hbm>>) target(%dma_start3A_8 : memref<50x32xf32, #tpu.memory_space<vmem>>) offsets(%dma_start3A_11 : memref<50xi32, #tpu.memory_space<vmem>>) semaphore(%dma_start3A_16 : memref<!tpu.dma_semaphore, #tpu.memory_space<semaphore_mem>>)
    %dma_start3A_17 = arith.constant 1 : i32
    %dma_start3A_18 = arith.constant 1 : i32
    %dma_start3A_19 = arith.constant 0 : i32
    %dma_start3A_20 = arith.constant 0 : i32
    %dma_start3A_21 = arith.constant 0 : i32
    %dma_start3A_22 = tpu.memref_slice %arg6[%dma_start3A_18, %dma_start3A_20, %dma_start3A_21] : memref<8x50x32xf32, #tpu.memory_space<vmem>> -> memref<1x50x32xf32, #tpu.memory_space<vmem>>
    %dma_start3A_23 = tpu.memref_squeeze %dma_start3A_22 : memref<1x50x32xf32, #tpu.memory_space<vmem>> -> memref<50x32xf32, #tpu.memory_space<vmem>>
    %dma_start3A_24 = arith.constant 0 : i32
    %dma_start3A_25 = tpu.memref_slice %arg5[%dma_start3A_17, %dma_start3A_24] : memref<512x50xi32, #tpu.memory_space<vmem>> -> memref<1x50xi32, #tpu.memory_space<vmem>>
    %dma_start3A_26 = tpu.memref_squeeze %dma_start3A_25 : memref<1x50xi32, #tpu.memory_space<vmem>> -> memref<50xi32, #tpu.memory_space<vmem>>
    %dma_start3A_27 = arith.constant 0 : i32
    %dma_start3A_28 = arith.constant 0 : i32
    %dma_start3A_29 = tpu.memref_slice %arg3[%dma_start3A_27, %dma_start3A_28] : memref<1000000x32xf32, #tpu.memory_space<hbm>> -> memref<1000000x32xf32, #tpu.memory_space<hbm>>
    %dma_start3A_30 = tpu.memref_slice %arg10[%dma_start3A_19] : memref<4x!tpu.dma_semaphore, #tpu.memory_space<semaphore_mem>> -> memref<1x!tpu.dma_semaphore, #tpu.memory_space<semaphore_mem>>
    %dma_start3A_31 = tpu.memref_squeeze %dma_start3A_30 : memref<1x!tpu.dma_semaphore, #tpu.memory_space<semaphore_mem>> -> memref<!tpu.dma_semaphore, #tpu.memory_space<semaphore_mem>>
    tpu.enqueue_indirect_dma source(%dma_start3A_29 : memref<1000000x32xf32, #tpu.memory_space<hbm>>) target(%dma_start3A_23 : memref<50x32xf32, #tpu.memory_space<vmem>>) offsets(%dma_start3A_26 : memref<50xi32, #tpu.memory_space<vmem>>) semaphore(%dma_start3A_31 : memref<!tpu.dma_semaphore, #tpu.memory_space<semaphore_mem>>)
    %dma_start3A_32 = arith.constant 2 : i32
    %dma_start3A_33 = arith.constant 2 : i32
    %dma_start3A_34 = arith.constant 0 : i32
    %dma_start3A_35 = arith.constant 0 : i32
    %dma_start3A_36 = arith.constant 0 : i32
    %dma_start3A_37 = tpu.memref_slice %arg6[%dma_start3A_33, %dma_start3A_35, %dma_start3A_36] : memref<8x50x32xf32, #tpu.memory_space<vmem>> -> memref<1x50x32xf32, #tpu.memory_space<vmem>>
    %dma_start3A_38 = tpu.memref_squeeze %dma_start3A_37 : memref<1x50x32xf32, #tpu.memory_space<vmem>> -> memref<50x32xf32, #tpu.memory_space<vmem>>
    %dma_start3A_39 = arith.constant 0 : i32
    %dma_start3A_40 = tpu.memref_slice %arg5[%dma_start3A_32, %dma_start3A_39] : memref<512x50xi32, #tpu.memory_space<vmem>> -> memref<1x50xi32, #tpu.memory_space<vmem>>
    %dma_start3A_41 = tpu.memref_squeeze %dma_start3A_40 : memref<1x50xi32, #tpu.memory_space<vmem>> -> memref<50xi32, #tpu.memory_space<vmem>>
    %dma_start3A_42 = arith.constant 0 : i32
    %dma_start3A_43 = arith.constant 0 : i32
    %dma_start3A_44 = tpu.memref_slice %arg3[%dma_start3A_42, %dma_start3A_43] : memref<1000000x32xf32, #tpu.memory_space<hbm>> -> memref<1000000x32xf32, #tpu.memory_space<hbm>>
    %dma_start3A_45 = tpu.memref_slice %arg10[%dma_start3A_34] : memref<4x!tpu.dma_semaphore, #tpu.memory_space<semaphore_mem>> -> memref<1x!tpu.dma_semaphore, #tpu.memory_space<semaphore_mem>>
    %dma_start3A_46 = tpu.memref_squeeze %dma_start3A_45 : memref<1x!tpu.dma_semaphore, #tpu.memory_space<semaphore_mem>> -> memref<!tpu.dma_semaphore, #tpu.memory_space<semaphore_mem>>
    tpu.enqueue_indirect_dma source(%dma_start3A_44 : memref<1000000x32xf32, #tpu.memory_space<hbm>>) target(%dma_start3A_38 : memref<50x32xf32, #tpu.memory_space<vmem>>) offsets(%dma_start3A_41 : memref<50xi32, #tpu.memory_space<vmem>>) semaphore(%dma_start3A_46 : memref<!tpu.dma_semaphore, #tpu.memory_space<semaphore_mem>>)
    %dma_start3A_47 = arith.constant 3 : i32
    %dma_start3A_48 = arith.constant 3 : i32
    %dma_start3A_49 = arith.constant 0 : i32
    %dma_start3A_50 = arith.constant 0 : i32
    %dma_start3A_51 = arith.constant 0 : i32
    %dma_start3A_52 = tpu.memref_slice %arg6[%dma_start3A_48, %dma_start3A_50, %dma_start3A_51] : memref<8x50x32xf32, #tpu.memory_space<vmem>> -> memref<1x50x32xf32, #tpu.memory_space<vmem>>
    %dma_start3A_53 = tpu.memref_squeeze %dma_start3A_52 : memref<1x50x32xf32, #tpu.memory_space<vmem>> -> memref<50x32xf32, #tpu.memory_space<vmem>>
    %dma_start3A_54 = arith.constant 0 : i32
    %dma_start3A_55 = tpu.memref_slice %arg5[%dma_start3A_47, %dma_start3A_54] : memref<512x50xi32, #tpu.memory_space<vmem>> -> memref<1x50xi32, #tpu.memory_space<vmem>>
    %dma_start3A_56 = tpu.memref_squeeze %dma_start3A_55 : memref<1x50xi32, #tpu.memory_space<vmem>> -> memref<50xi32, #tpu.memory_space<vmem>>
    %dma_start3A_57 = arith.constant 0 : i32
    %dma_start3A_58 = arith.constant 0 : i32
    %dma_start3A_59 = tpu.memref_slice %arg3[%dma_start3A_57, %dma_start3A_58] : memref<1000000x32xf32, #tpu.memory_space<hbm>> -> memref<1000000x32xf32, #tpu.memory_space<hbm>>
    %dma_start3A_60 = tpu.memref_slice %arg10[%dma_start3A_49] : memref<4x!tpu.dma_semaphore, #tpu.memory_space<semaphore_mem>> -> memref<1x!tpu.dma_semaphore, #tpu.memory_space<semaphore_mem>>
    %dma_start3A_61 = tpu.memref_squeeze %dma_start3A_60 : memref<1x!tpu.dma_semaphore, #tpu.memory_space<semaphore_mem>> -> memref<!tpu.dma_semaphore, #tpu.memory_space<semaphore_mem>>
    tpu.enqueue_indirect_dma source(%dma_start3A_59 : memref<1000000x32xf32, #tpu.memory_space<hbm>>) target(%dma_start3A_53 : memref<50x32xf32, #tpu.memory_space<vmem>>) offsets(%dma_start3A_56 : memref<50xi32, #tpu.memory_space<vmem>>) semaphore(%dma_start3A_61 : memref<!tpu.dma_semaphore, #tpu.memory_space<semaphore_mem>>)
    %dma_start3A_62 = arith.constant 4 : i32
    %dma_start3A_63 = arith.constant 4 : i32
    %dma_start3A_64 = arith.constant 0 : i32
    %dma_start3A_65 = arith.constant 0 : i32
    %dma_start3A_66 = arith.constant 0 : i32
    %dma_start3A_67 = tpu.memref_slice %arg6[%dma_start3A_63, %dma_start3A_65, %dma_start3A_66] : memref<8x50x32xf32, #tpu.memory_space<vmem>> -> memref<1x50x32xf32, #tpu.memory_space<vmem>>
    %dma_start3A_68 = tpu.memref_squeeze %dma_start3A_67 : memref<1x50x32xf32, #tpu.memory_space<vmem>> -> memref<50x32xf32, #tpu.memory_space<vmem>>
    %dma_start3A_69 = arith.constant 0 : i32
    %dma_start3A_70 = tpu.memref_slice %arg5[%dma_start3A_62, %dma_start3A_69] : memref<512x50xi32, #tpu.memory_space<vmem>> -> memref<1x50xi32, #tpu.memory_space<vmem>>
    %dma_start3A_71 = tpu.memref_squeeze %dma_start3A_70 : memref<1x50xi32, #tpu.memory_space<vmem>> -> memref<50xi32, #tpu.memory_space<vmem>>
    %dma_start3A_72 = arith.constant 0 : i32
    %dma_start3A_73 = arith.constant 0 : i32
    %dma_start3A_74 = tpu.memref_slice %arg3[%dma_start3A_72, %dma_start3A_73] : memref<1000000x32xf32, #tpu.memory_space<hbm>> -> memref<1000000x32xf32, #tpu.memory_space<hbm>>
    %dma_start3A_75 = tpu.memref_slice %arg10[%dma_start3A_64] : memref<4x!tpu.dma_semaphore, #tpu.memory_space<semaphore_mem>> -> memref<1x!tpu.dma_semaphore, #tpu.memory_space<semaphore_mem>>
    %dma_start3A_76 = tpu.memref_squeeze %dma_start3A_75 : memref<1x!tpu.dma_semaphore, #tpu.memory_space<semaphore_mem>> -> memref<!tpu.dma_semaphore, #tpu.memory_space<semaphore_mem>>
    tpu.enqueue_indirect_dma source(%dma_start3A_74 : memref<1000000x32xf32, #tpu.memory_space<hbm>>) target(%dma_start3A_68 : memref<50x32xf32, #tpu.memory_space<vmem>>) offsets(%dma_start3A_71 : memref<50xi32, #tpu.memory_space<vmem>>) semaphore(%dma_start3A_76 : memref<!tpu.dma_semaphore, #tpu.memory_space<semaphore_mem>>)
    %dma_start3A_77 = arith.constant 5 : i32
    %dma_start3A_78 = arith.constant 5 : i32
    %dma_start3A_79 = arith.constant 0 : i32
    %dma_start3A_80 = arith.constant 0 : i32
    %dma_start3A_81 = arith.constant 0 : i32
    %dma_start3A_82 = tpu.memref_slice %arg6[%dma_start3A_78, %dma_start3A_80, %dma_start3A_81] : memref<8x50x32xf32, #tpu.memory_space<vmem>> -> memref<1x50x32xf32, #tpu.memory_space<vmem>>
    %dma_start3A_83 = tpu.memref_squeeze %dma_start3A_82 : memref<1x50x32xf32, #tpu.memory_space<vmem>> -> memref<50x32xf32, #tpu.memory_space<vmem>>
    %dma_start3A_84 = arith.constant 0 : i32
    %dma_start3A_85 = tpu.memref_slice %arg5[%dma_start3A_77, %dma_start3A_84] : memref<512x50xi32, #tpu.memory_space<vmem>> -> memref<1x50xi32, #tpu.memory_space<vmem>>
    %dma_start3A_86 = tpu.memref_squeeze %dma_start3A_85 : memref<1x50xi32, #tpu.memory_space<vmem>> -> memref<50xi32, #tpu.memory_space<vmem>>
    %dma_start3A_87 = arith.constant 0 : i32
    %dma_start3A_88 = arith.constant 0 : i32
    %dma_start3A_89 = tpu.memref_slice %arg3[%dma_start3A_87, %dma_start3A_88] : memref<1000000x32xf32, #tpu.memory_space<hbm>> -> memref<1000000x32xf32, #tpu.memory_space<hbm>>
    %dma_start3A_90 = tpu.memref_slice %arg10[%dma_start3A_79] : memref<4x!tpu.dma_semaphore, #tpu.memory_space<semaphore_mem>> -> memref<1x!tpu.dma_semaphore, #tpu.memory_space<semaphore_mem>>
    %dma_start3A_91 = tpu.memref_squeeze %dma_start3A_90 : memref<1x!tpu.dma_semaphore, #tpu.memory_space<semaphore_mem>> -> memref<!tpu.dma_semaphore, #tpu.memory_space<semaphore_mem>>
    tpu.enqueue_indirect_dma source(%dma_start3A_89 : memref<1000000x32xf32, #tpu.memory_space<hbm>>) target(%dma_start3A_83 : memref<50x32xf32, #tpu.memory_space<vmem>>) offsets(%dma_start3A_86 : memref<50xi32, #tpu.memory_space<vmem>>) semaphore(%dma_start3A_91 : memref<!tpu.dma_semaphore, #tpu.memory_space<semaphore_mem>>)
    %dma_start3A_92 = arith.constant 6 : i32
    %dma_start3A_93 = arith.constant 6 : i32
    %dma_start3A_94 = arith.constant 0 : i32
    %dma_start3A_95 = arith.constant 0 : i32
    %dma_start3A_96 = arith.constant 0 : i32
    %dma_start3A_97 = tpu.memref_slice %arg6[%dma_start3A_93, %dma_start3A_95, %dma_start3A_96] : memref<8x50x32xf32, #tpu.memory_space<vmem>> -> memref<1x50x32xf32, #tpu.memory_space<vmem>>
    %dma_start3A_98 = tpu.memref_squeeze %dma_start3A_97 : memref<1x50x32xf32, #tpu.memory_space<vmem>> -> memref<50x32xf32, #tpu.memory_space<vmem>>
    %dma_start3A_99 = arith.constant 0 : i32
    %dma_start3A_100 = tpu.memref_slice %arg5[%dma_start3A_92, %dma_start3A_99] : memref<512x50xi32, #tpu.memory_space<vmem>> -> memref<1x50xi32, #tpu.memory_space<vmem>>
    %dma_start3A_101 = tpu.memref_squeeze %dma_start3A_100 : memref<1x50xi32, #tpu.memory_space<vmem>> -> memref<50xi32, #tpu.memory_space<vmem>>
    %dma_start3A_102 = arith.constant 0 : i32
    %dma_start3A_103 = arith.constant 0 : i32
    %dma_start3A_104 = tpu.memref_slice %arg3[%dma_start3A_102, %dma_start3A_103] : memref<1000000x32xf32, #tpu.memory_space<hbm>> -> memref<1000000x32xf32, #tpu.memory_space<hbm>>
    %dma_start3A_105 = tpu.memref_slice %arg10[%dma_start3A_94] : memref<4x!tpu.dma_semaphore, #tpu.memory_space<semaphore_mem>> -> memref<1x!tpu.dma_semaphore, #tpu.memory_space<semaphore_mem>>
    %dma_start3A_106 = tpu.memref_squeeze %dma_start3A_105 : memref<1x!tpu.dma_semaphore, #tpu.memory_space<semaphore_mem>> -> memref<!tpu.dma_semaphore, #tpu.memory_space<semaphore_mem>>
    tpu.enqueue_indirect_dma source(%dma_start3A_104 : memref<1000000x32xf32, #tpu.memory_space<hbm>>) target(%dma_start3A_98 : memref<50x32xf32, #tpu.memory_space<vmem>>) offsets(%dma_start3A_101 : memref<50xi32, #tpu.memory_space<vmem>>) semaphore(%dma_start3A_106 : memref<!tpu.dma_semaphore, #tpu.memory_space<semaphore_mem>>)
    %dma_start3A_107 = arith.constant 7 : i32
    %dma_start3A_108 = arith.constant 7 : i32
    %dma_start3A_109 = arith.constant 0 : i32
    %dma_start3A_110 = arith.constant 0 : i32
    %dma_start3A_111 = arith.constant 0 : i32
    %dma_start3A_112 = tpu.memref_slice %arg6[%dma_start3A_108, %dma_start3A_110, %dma_start3A_111] : memref<8x50x32xf32, #tpu.memory_space<vmem>> -> memref<1x50x32xf32, #tpu.memory_space<vmem>>
    %dma_start3A_113 = tpu.memref_squeeze %dma_start3A_112 : memref<1x50x32xf32, #tpu.memory_space<vmem>> -> memref<50x32xf32, #tpu.memory_space<vmem>>
    %dma_start3A_114 = arith.constant 0 : i32
    %dma_start3A_115 = tpu.memref_slice %arg5[%dma_start3A_107, %dma_start3A_114] : memref<512x50xi32, #tpu.memory_space<vmem>> -> memref<1x50xi32, #tpu.memory_space<vmem>>
    %dma_start3A_116 = tpu.memref_squeeze %dma_start3A_115 : memref<1x50xi32, #tpu.memory_space<vmem>> -> memref<50xi32, #tpu.memory_space<vmem>>
    %dma_start3A_117 = arith.constant 0 : i32
    %dma_start3A_118 = arith.constant 0 : i32
    %dma_start3A_119 = tpu.memref_slice %arg3[%dma_start3A_117, %dma_start3A_118] : memref<1000000x32xf32, #tpu.memory_space<hbm>> -> memref<1000000x32xf32, #tpu.memory_space<hbm>>
    %dma_start3A_120 = tpu.memref_slice %arg10[%dma_start3A_109] : memref<4x!tpu.dma_semaphore, #tpu.memory_space<semaphore_mem>> -> memref<1x!tpu.dma_semaphore, #tpu.memory_space<semaphore_mem>>
    %dma_start3A_121 = tpu.memref_squeeze %dma_start3A_120 : memref<1x!tpu.dma_semaphore, #tpu.memory_space<semaphore_mem>> -> memref<!tpu.dma_semaphore, #tpu.memory_space<semaphore_mem>>
    tpu.enqueue_indirect_dma source(%dma_start3A_119 : memref<1000000x32xf32, #tpu.memory_space<hbm>>) target(%dma_start3A_113 : memref<50x32xf32, #tpu.memory_space<vmem>>) offsets(%dma_start3A_116 : memref<50xi32, #tpu.memory_space<vmem>>) semaphore(%dma_start3A_121 : memref<!tpu.dma_semaphore, #tpu.memory_space<semaphore_mem>>)
    %dma_start3A_122 = arith.constant 8 : i32
    %dma_start3A_123 = arith.constant 0 : i32
    %dma_start3A_124 = arith.constant 1 : i32
    %dma_start3A_125 = arith.constant 0 : i32
    %dma_start3A_126 = arith.constant 0 : i32
    %dma_start3A_127 = tpu.memref_slice %arg7[%dma_start3A_123, %dma_start3A_125, %dma_start3A_126] : memref<8x50x32xf32, #tpu.memory_space<vmem>> -> memref<1x50x32xf32, #tpu.memory_space<vmem>>
    %dma_start3A_128 = tpu.memref_squeeze %dma_start3A_127 : memref<1x50x32xf32, #tpu.memory_space<vmem>> -> memref<50x32xf32, #tpu.memory_space<vmem>>
    %dma_start3A_129 = arith.constant 0 : i32
    %dma_start3A_130 = tpu.memref_slice %arg5[%dma_start3A_122, %dma_start3A_129] : memref<512x50xi32, #tpu.memory_space<vmem>> -> memref<1x50xi32, #tpu.memory_space<vmem>>
    %dma_start3A_131 = tpu.memref_squeeze %dma_start3A_130 : memref<1x50xi32, #tpu.memory_space<vmem>> -> memref<50xi32, #tpu.memory_space<vmem>>
    %dma_start3A_132 = arith.constant 0 : i32
    %dma_start3A_133 = arith.constant 0 : i32
    %dma_start3A_134 = tpu.memref_slice %arg3[%dma_start3A_132, %dma_start3A_133] : memref<1000000x32xf32, #tpu.memory_space<hbm>> -> memref<1000000x32xf32, #tpu.memory_space<hbm>>
    %dma_start3A_135 = tpu.memref_slice %arg10[%dma_start3A_124] : memref<4x!tpu.dma_semaphore, #tpu.memory_space<semaphore_mem>> -> memref<1x!tpu.dma_semaphore, #tpu.memory_space<semaphore_mem>>
    %dma_start3A_136 = tpu.memref_squeeze %dma_start3A_135 : memref<1x!tpu.dma_semaphore, #tpu.memory_space<semaphore_mem>> -> memref<!tpu.dma_semaphore, #tpu.memory_space<semaphore_mem>>
    tpu.enqueue_indirect_dma source(%dma_start3A_134 : memref<1000000x32xf32, #tpu.memory_space<hbm>>) target(%dma_start3A_128 : memref<50x32xf32, #tpu.memory_space<vmem>>) offsets(%dma_start3A_131 : memref<50xi32, #tpu.memory_space<vmem>>) semaphore(%dma_start3A_136 : memref<!tpu.dma_semaphore, #tpu.memory_space<semaphore_mem>>)
    %dma_start3A_137 = arith.constant 9 : i32
    %dma_start3A_138 = arith.constant 1 : i32
    %dma_start3A_139 = arith.constant 1 : i32
    %dma_start3A_140 = arith.constant 0 : i32
    %dma_start3A_141 = arith.constant 0 : i32
    %dma_start3A_142 = tpu.memref_slice %arg7[%dma_start3A_138, %dma_start3A_140, %dma_start3A_141] : memref<8x50x32xf32, #tpu.memory_space<vmem>> -> memref<1x50x32xf32, #tpu.memory_space<vmem>>
    %dma_start3A_143 = tpu.memref_squeeze %dma_start3A_142 : memref<1x50x32xf32, #tpu.memory_space<vmem>> -> memref<50x32xf32, #tpu.memory_space<vmem>>
    %dma_start3A_144 = arith.constant 0 : i32
    %dma_start3A_145 = tpu.memref_slice %arg5[%dma_start3A_137, %dma_start3A_144] : memref<512x50xi32, #tpu.memory_space<vmem>> -> memref<1x50xi32, #tpu.memory_space<vmem>>
    %dma_start3A_146 = tpu.memref_squeeze %dma_start3A_145 : memref<1x50xi32, #tpu.memory_space<vmem>> -> memref<50xi32, #tpu.memory_space<vmem>>
    %dma_start3A_147 = arith.constant 0 : i32
    %dma_start3A_148 = arith.constant 0 : i32
    %dma_start3A_149 = tpu.memref_slice %arg3[%dma_start3A_147, %dma_start3A_148] : memref<1000000x32xf32, #tpu.memory_space<hbm>> -> memref<1000000x32xf32, #tpu.memory_space<hbm>>
    %dma_start3A_150 = tpu.memref_slice %arg10[%dma_start3A_139] : memref<4x!tpu.dma_semaphore, #tpu.memory_space<semaphore_mem>> -> memref<1x!tpu.dma_semaphore, #tpu.memory_space<semaphore_mem>>
    %dma_start3A_151 = tpu.memref_squeeze %dma_start3A_150 : memref<1x!tpu.dma_semaphore, #tpu.memory_space<semaphore_mem>> -> memref<!tpu.dma_semaphore, #tpu.memory_space<semaphore_mem>>
    tpu.enqueue_indirect_dma source(%dma_start3A_149 : memref<1000000x32xf32, #tpu.memory_space<hbm>>) target(%dma_start3A_143 : memref<50x32xf32, #tpu.memory_space<vmem>>) offsets(%dma_start3A_146 : memref<50xi32, #tpu.memory_space<vmem>>) semaphore(%dma_start3A_151 : memref<!tpu.dma_semaphore, #tpu.memory_space<semaphore_mem>>)
    %dma_start3A_152 = arith.constant 10 : i32
    %dma_start3A_153 = arith.constant 2 : i32
    %dma_start3A_154 = arith.constant 1 : i32
    %dma_start3A_155 = arith.constant 0 : i32
    %dma_start3A_156 = arith.constant 0 : i32
    %dma_start3A_157 = tpu.memref_slice %arg7[%dma_start3A_153, %dma_start3A_155, %dma_start3A_156] : memref<8x50x32xf32, #tpu.memory_space<vmem>> -> memref<1x50x32xf32, #tpu.memory_space<vmem>>
    %dma_start3A_158 = tpu.memref_squeeze %dma_start3A_157 : memref<1x50x32xf32, #tpu.memory_space<vmem>> -> memref<50x32xf32, #tpu.memory_space<vmem>>
    %dma_start3A_159 = arith.constant 0 : i32
    %dma_start3A_160 = tpu.memref_slice %arg5[%dma_start3A_152, %dma_start3A_159] : memref<512x50xi32, #tpu.memory_space<vmem>> -> memref<1x50xi32, #tpu.memory_space<vmem>>
    %dma_start3A_161 = tpu.memref_squeeze %dma_start3A_160 : memref<1x50xi32, #tpu.memory_space<vmem>> -> memref<50xi32, #tpu.memory_space<vmem>>
    %dma_start3A_162 = arith.constant 0 : i32
    %dma_start3A_163 = arith.constant 0 : i32
    %dma_start3A_164 = tpu.memref_slice %arg3[%dma_start3A_162, %dma_start3A_163] : memref<1000000x32xf32, #tpu.memory_space<hbm>> -> memref<1000000x32xf32, #tpu.memory_space<hbm>>
    %dma_start3A_165 = tpu.memref_slice %arg10[%dma_start3A_154] : memref<4x!tpu.dma_semaphore, #tpu.memory_space<semaphore_mem>> -> memref<1x!tpu.dma_semaphore, #tpu.memory_space<semaphore_mem>>
    %dma_start3A_166 = tpu.memref_squeeze %dma_start3A_165 : memref<1x!tpu.dma_semaphore, #tpu.memory_space<semaphore_mem>> -> memref<!tpu.dma_semaphore, #tpu.memory_space<semaphore_mem>>
    tpu.enqueue_indirect_dma source(%dma_start3A_164 : memref<1000000x32xf32, #tpu.memory_space<hbm>>) target(%dma_start3A_158 : memref<50x32xf32, #tpu.memory_space<vmem>>) offsets(%dma_start3A_161 : memref<50xi32, #tpu.memory_space<vmem>>) semaphore(%dma_start3A_166 : memref<!tpu.dma_semaphore, #tpu.memory_space<semaphore_mem>>)
    %dma_start3A_167 = arith.constant 11 : i32
    %dma_start3A_168 = arith.constant 3 : i32
    %dma_start3A_169 = arith.constant 1 : i32
    %dma_start3A_170 = arith.constant 0 : i32
    %dma_start3A_171 = arith.constant 0 : i32
    %dma_start3A_172 = tpu.memref_slice %arg7[%dma_start3A_168, %dma_start3A_170, %dma_start3A_171] : memref<8x50x32xf32, #tpu.memory_space<vmem>> -> memref<1x50x32xf32, #tpu.memory_space<vmem>>
    %dma_start3A_173 = tpu.memref_squeeze %dma_start3A_172 : memref<1x50x32xf32, #tpu.memory_space<vmem>> -> memref<50x32xf32, #tpu.memory_space<vmem>>
    %dma_start3A_174 = arith.constant 0 : i32
    %dma_start3A_175 = tpu.memref_slice %arg5[%dma_start3A_167, %dma_start3A_174] : memref<512x50xi32, #tpu.memory_space<vmem>> -> memref<1x50xi32, #tpu.memory_space<vmem>>
    %dma_start3A_176 = tpu.memref_squeeze %dma_start3A_175 : memref<1x50xi32, #tpu.memory_space<vmem>> -> memref<50xi32, #tpu.memory_space<vmem>>
    %dma_start3A_177 = arith.constant 0 : i32
    %dma_start3A_178 = arith.constant 0 : i32
    %dma_start3A_179 = tpu.memref_slice %arg3[%dma_start3A_177, %dma_start3A_178] : memref<1000000x32xf32, #tpu.memory_space<hbm>> -> memref<1000000x32xf32, #tpu.memory_space<hbm>>
    %dma_start3A_180 = tpu.memref_slice %arg10[%dma_start3A_169] : memref<4x!tpu.dma_semaphore, #tpu.memory_space<semaphore_mem>> -> memref<1x!tpu.dma_semaphore, #tpu.memory_space<semaphore_mem>>
    %dma_start3A_181 = tpu.memref_squeeze %dma_start3A_180 : memref<1x!tpu.dma_semaphore, #tpu.memory_space<semaphore_mem>> -> memref<!tpu.dma_semaphore, #tpu.memory_space<semaphore_mem>>
    tpu.enqueue_indirect_dma source(%dma_start3A_179 : memref<1000000x32xf32, #tpu.memory_space<hbm>>) target(%dma_start3A_173 : memref<50x32xf32, #tpu.memory_space<vmem>>) offsets(%dma_start3A_176 : memref<50xi32, #tpu.memory_space<vmem>>) semaphore(%dma_start3A_181 : memref<!tpu.dma_semaphore, #tpu.memory_space<semaphore_mem>>)
    %dma_start3A_182 = arith.constant 12 : i32
    %dma_start3A_183 = arith.constant 4 : i32
    %dma_start3A_184 = arith.constant 1 : i32
    %dma_start3A_185 = arith.constant 0 : i32
    %dma_start3A_186 = arith.constant 0 : i32
    %dma_start3A_187 = tpu.memref_slice %arg7[%dma_start3A_183, %dma_start3A_185, %dma_start3A_186] : memref<8x50x32xf32, #tpu.memory_space<vmem>> -> memref<1x50x32xf32, #tpu.memory_space<vmem>>
    %dma_start3A_188 = tpu.memref_squeeze %dma_start3A_187 : memref<1x50x32xf32, #tpu.memory_space<vmem>> -> memref<50x32xf32, #tpu.memory_space<vmem>>
    %dma_start3A_189 = arith.constant 0 : i32
    %dma_start3A_190 = tpu.memref_slice %arg5[%dma_start3A_182, %dma_start3A_189] : memref<512x50xi32, #tpu.memory_space<vmem>> -> memref<1x50xi32, #tpu.memory_space<vmem>>
    %dma_start3A_191 = tpu.memref_squeeze %dma_start3A_190 : memref<1x50xi32, #tpu.memory_space<vmem>> -> memref<50xi32, #tpu.memory_space<vmem>>
    %dma_start3A_192 = arith.constant 0 : i32
    %dma_start3A_193 = arith.constant 0 : i32
    %dma_start3A_194 = tpu.memref_slice %arg3[%dma_start3A_192, %dma_start3A_193] : memref<1000000x32xf32, #tpu.memory_space<hbm>> -> memref<1000000x32xf32, #tpu.memory_space<hbm>>
    %dma_start3A_195 = tpu.memref_slice %arg10[%dma_start3A_184] : memref<4x!tpu.dma_semaphore, #tpu.memory_space<semaphore_mem>> -> memref<1x!tpu.dma_semaphore, #tpu.memory_space<semaphore_mem>>
    %dma_start3A_196 = tpu.memref_squeeze %dma_start3A_195 : memref<1x!tpu.dma_semaphore, #tpu.memory_space<semaphore_mem>> -> memref<!tpu.dma_semaphore, #tpu.memory_space<semaphore_mem>>
    tpu.enqueue_indirect_dma source(%dma_start3A_194 : memref<1000000x32xf32, #tpu.memory_space<hbm>>) target(%dma_start3A_188 : memref<50x32xf32, #tpu.memory_space<vmem>>) offsets(%dma_start3A_191 : memref<50xi32, #tpu.memory_space<vmem>>) semaphore(%dma_start3A_196 : memref<!tpu.dma_semaphore, #tpu.memory_space<semaphore_mem>>)
    %dma_start3A_197 = arith.constant 13 : i32
    %dma_start3A_198 = arith.constant 5 : i32
    %dma_start3A_199 = arith.constant 1 : i32
    %dma_start3A_200 = arith.constant 0 : i32
    %dma_start3A_201 = arith.constant 0 : i32
    %dma_start3A_202 = tpu.memref_slice %arg7[%dma_start3A_198, %dma_start3A_200, %dma_start3A_201] : memref<8x50x32xf32, #tpu.memory_space<vmem>> -> memref<1x50x32xf32, #tpu.memory_space<vmem>>
    %dma_start3A_203 = tpu.memref_squeeze %dma_start3A_202 : memref<1x50x32xf32, #tpu.memory_space<vmem>> -> memref<50x32xf32, #tpu.memory_space<vmem>>
    %dma_start3A_204 = arith.constant 0 : i32
    %dma_start3A_205 = tpu.memref_slice %arg5[%dma_start3A_197, %dma_start3A_204] : memref<512x50xi32, #tpu.memory_space<vmem>> -> memref<1x50xi32, #tpu.memory_space<vmem>>
    %dma_start3A_206 = tpu.memref_squeeze %dma_start3A_205 : memref<1x50xi32, #tpu.memory_space<vmem>> -> memref<50xi32, #tpu.memory_space<vmem>>
    %dma_start3A_207 = arith.constant 0 : i32
    %dma_start3A_208 = arith.constant 0 : i32
    %dma_start3A_209 = tpu.memref_slice %arg3[%dma_start3A_207, %dma_start3A_208] : memref<1000000x32xf32, #tpu.memory_space<hbm>> -> memref<1000000x32xf32, #tpu.memory_space<hbm>>
    %dma_start3A_210 = tpu.memref_slice %arg10[%dma_start3A_199] : memref<4x!tpu.dma_semaphore, #tpu.memory_space<semaphore_mem>> -> memref<1x!tpu.dma_semaphore, #tpu.memory_space<semaphore_mem>>
    %dma_start3A_211 = tpu.memref_squeeze %dma_start3A_210 : memref<1x!tpu.dma_semaphore, #tpu.memory_space<semaphore_mem>> -> memref<!tpu.dma_semaphore, #tpu.memory_space<semaphore_mem>>
    tpu.enqueue_indirect_dma source(%dma_start3A_209 : memref<1000000x32xf32, #tpu.memory_space<hbm>>) target(%dma_start3A_203 : memref<50x32xf32, #tpu.memory_space<vmem>>) offsets(%dma_start3A_206 : memref<50xi32, #tpu.memory_space<vmem>>) semaphore(%dma_start3A_211 : memref<!tpu.dma_semaphore, #tpu.memory_space<semaphore_mem>>)
    %dma_start3A_212 = arith.constant 14 : i32
    %dma_start3A_213 = arith.constant 6 : i32
    %dma_start3A_214 = arith.constant 1 : i32
    %dma_start3A_215 = arith.constant 0 : i32
    %dma_start3A_216 = arith.constant 0 : i32
    %dma_start3A_217 = tpu.memref_slice %arg7[%dma_start3A_213, %dma_start3A_215, %dma_start3A_216] : memref<8x50x32xf32, #tpu.memory_space<vmem>> -> memref<1x50x32xf32, #tpu.memory_space<vmem>>
    %dma_start3A_218 = tpu.memref_squeeze %dma_start3A_217 : memref<1x50x32xf32, #tpu.memory_space<vmem>> -> memref<50x32xf32, #tpu.memory_space<vmem>>
    %dma_start3A_219 = arith.constant 0 : i32
    %dma_start3A_220 = tpu.memref_slice %arg5[%dma_start3A_212, %dma_start3A_219] : memref<512x50xi32, #tpu.memory_space<vmem>> -> memref<1x50xi32, #tpu.memory_space<vmem>>
    %dma_start3A_221 = tpu.memref_squeeze %dma_start3A_220 : memref<1x50xi32, #tpu.memory_space<vmem>> -> memref<50xi32, #tpu.memory_space<vmem>>
    %dma_start3A_222 = arith.constant 0 : i32
    %dma_start3A_223 = arith.constant 0 : i32
    %dma_start3A_224 = tpu.memref_slice %arg3[%dma_start3A_222, %dma_start3A_223] : memref<1000000x32xf32, #tpu.memory_space<hbm>> -> memref<1000000x32xf32, #tpu.memory_space<hbm>>
    %dma_start3A_225 = tpu.memref_slice %arg10[%dma_start3A_214] : memref<4x!tpu.dma_semaphore, #tpu.memory_space<semaphore_mem>> -> memref<1x!tpu.dma_semaphore, #tpu.memory_space<semaphore_mem>>
    %dma_start3A_226 = tpu.memref_squeeze %dma_start3A_225 : memref<1x!tpu.dma_semaphore, #tpu.memory_space<semaphore_mem>> -> memref<!tpu.dma_semaphore, #tpu.memory_space<semaphore_mem>>
    tpu.enqueue_indirect_dma source(%dma_start3A_224 : memref<1000000x32xf32, #tpu.memory_space<hbm>>) target(%dma_start3A_218 : memref<50x32xf32, #tpu.memory_space<vmem>>) offsets(%dma_start3A_221 : memref<50xi32, #tpu.memory_space<vmem>>) semaphore(%dma_start3A_226 : memref<!tpu.dma_semaphore, #tpu.memory_space<semaphore_mem>>)
    %dma_start3A_227 = arith.constant 15 : i32
    %dma_start3A_228 = arith.constant 7 : i32
    %dma_start3A_229 = arith.constant 1 : i32
    %dma_start3A_230 = arith.constant 0 : i32
    %dma_start3A_231 = arith.constant 0 : i32
    %dma_start3A_232 = tpu.memref_slice %arg7[%dma_start3A_228, %dma_start3A_230, %dma_start3A_231] : memref<8x50x32xf32, #tpu.memory_space<vmem>> -> memref<1x50x32xf32, #tpu.memory_space<vmem>>
    %dma_start3A_233 = tpu.memref_squeeze %dma_start3A_232 : memref<1x50x32xf32, #tpu.memory_space<vmem>> -> memref<50x32xf32, #tpu.memory_space<vmem>>
    %dma_start3A_234 = arith.constant 0 : i32
    %dma_start3A_235 = tpu.memref_slice %arg5[%dma_start3A_227, %dma_start3A_234] : memref<512x50xi32, #tpu.memory_space<vmem>> -> memref<1x50xi32, #tpu.memory_space<vmem>>
    %dma_start3A_236 = tpu.memref_squeeze %dma_start3A_235 : memref<1x50xi32, #tpu.memory_space<vmem>> -> memref<50xi32, #tpu.memory_space<vmem>>
    %dma_start3A_237 = arith.constant 0 : i32
    %dma_start3A_238 = arith.constant 0 : i32
    %dma_start3A_239 = tpu.memref_slice %arg3[%dma_start3A_237, %dma_start3A_238] : memref<1000000x32xf32, #tpu.memory_space<hbm>> -> memref<1000000x32xf32, #tpu.memory_space<hbm>>
    %dma_start3A_240 = tpu.memref_slice %arg10[%dma_start3A_229] : memref<4x!tpu.dma_semaphore, #tpu.memory_space<semaphore_mem>> -> memref<1x!tpu.dma_semaphore, #tpu.memory_space<semaphore_mem>>
    %dma_start3A_241 = tpu.memref_squeeze %dma_start3A_240 : memref<1x!tpu.dma_semaphore, #tpu.memory_space<semaphore_mem>> -> memref<!tpu.dma_semaphore, #tpu.memory_space<semaphore_mem>>
    tpu.enqueue_indirect_dma source(%dma_start3A_239 : memref<1000000x32xf32, #tpu.memory_space<hbm>>) target(%dma_start3A_233 : memref<50x32xf32, #tpu.memory_space<vmem>>) offsets(%dma_start3A_236 : memref<50xi32, #tpu.memory_space<vmem>>) semaphore(%dma_start3A_241 : memref<!tpu.dma_semaphore, #tpu.memory_space<semaphore_mem>>)
    %dma_start3A_242 = arith.constant 16 : i32
    %dma_start3A_243 = arith.constant 0 : i32
    %dma_start3A_244 = arith.constant 2 : i32
    %dma_start3A_245 = arith.constant 0 : i32
    %dma_start3A_246 = arith.constant 0 : i32
    %dma_start3A_247 = tpu.memref_slice %arg8[%dma_start3A_243, %dma_start3A_245, %dma_start3A_246] : memref<8x50x32xf32, #tpu.memory_space<vmem>> -> memref<1x50x32xf32, #tpu.memory_space<vmem>>
    %dma_start3A_248 = tpu.memref_squeeze %dma_start3A_247 : memref<1x50x32xf32, #tpu.memory_space<vmem>> -> memref<50x32xf32, #tpu.memory_space<vmem>>
    %dma_start3A_249 = arith.constant 0 : i32
    %dma_start3A_250 = tpu.memref_slice %arg5[%dma_start3A_242, %dma_start3A_249] : memref<512x50xi32, #tpu.memory_space<vmem>> -> memref<1x50xi32, #tpu.memory_space<vmem>>
    %dma_start3A_251 = tpu.memref_squeeze %dma_start3A_250 : memref<1x50xi32, #tpu.memory_space<vmem>> -> memref<50xi32, #tpu.memory_space<vmem>>
    %dma_start3A_252 = arith.constant 0 : i32
    %dma_start3A_253 = arith.constant 0 : i32
    %dma_start3A_254 = tpu.memref_slice %arg3[%dma_start3A_252, %dma_start3A_253] : memref<1000000x32xf32, #tpu.memory_space<hbm>> -> memref<1000000x32xf32, #tpu.memory_space<hbm>>
    %dma_start3A_255 = tpu.memref_slice %arg10[%dma_start3A_244] : memref<4x!tpu.dma_semaphore, #tpu.memory_space<semaphore_mem>> -> memref<1x!tpu.dma_semaphore, #tpu.memory_space<semaphore_mem>>
    %dma_start3A_256 = tpu.memref_squeeze %dma_start3A_255 : memref<1x!tpu.dma_semaphore, #tpu.memory_space<semaphore_mem>> -> memref<!tpu.dma_semaphore, #tpu.memory_space<semaphore_mem>>
    tpu.enqueue_indirect_dma source(%dma_start3A_254 : memref<1000000x32xf32, #tpu.memory_space<hbm>>) target(%dma_start3A_248 : memref<50x32xf32, #tpu.memory_space<vmem>>) offsets(%dma_start3A_251 : memref<50xi32, #tpu.memory_space<vmem>>) semaphore(%dma_start3A_256 : memref<!tpu.dma_semaphore, #tpu.memory_space<semaphore_mem>>)
    %dma_start3A_257 = arith.constant 17 : i32
    %dma_start3A_258 = arith.constant 1 : i32
    %dma_start3A_259 = arith.constant 2 : i32
    %dma_start3A_260 = arith.constant 0 : i32
    %dma_start3A_261 = arith.constant 0 : i32
    %dma_start3A_262 = tpu.memref_slice %arg8[%dma_start3A_258, %dma_start3A_260, %dma_start3A_261] : memref<8x50x32xf32, #tpu.memory_space<vmem>> -> memref<1x50x32xf32, #tpu.memory_space<vmem>>
    %dma_start3A_263 = tpu.memref_squeeze %dma_start3A_262 : memref<1x50x32xf32, #tpu.memory_space<vmem>> -> memref<50x32xf32, #tpu.memory_space<vmem>>
    %dma_start3A_264 = arith.constant 0 : i32
    %dma_start3A_265 = tpu.memref_slice %arg5[%dma_start3A_257, %dma_start3A_264] : memref<512x50xi32, #tpu.memory_space<vmem>> -> memref<1x50xi32, #tpu.memory_space<vmem>>
    %dma_start3A_266 = tpu.memref_squeeze %dma_start3A_265 : memref<1x50xi32, #tpu.memory_space<vmem>> -> memref<50xi32, #tpu.memory_space<vmem>>
    %dma_start3A_267 = arith.constant 0 : i32
    %dma_start3A_268 = arith.constant 0 : i32
    %dma_start3A_269 = tpu.memref_slice %arg3[%dma_start3A_267, %dma_start3A_268] : memref<1000000x32xf32, #tpu.memory_space<hbm>> -> memref<1000000x32xf32, #tpu.memory_space<hbm>>
    %dma_start3A_270 = tpu.memref_slice %arg10[%dma_start3A_259] : memref<4x!tpu.dma_semaphore, #tpu.memory_space<semaphore_mem>> -> memref<1x!tpu.dma_semaphore, #tpu.memory_space<semaphore_mem>>
    %dma_start3A_271 = tpu.memref_squeeze %dma_start3A_270 : memref<1x!tpu.dma_semaphore, #tpu.memory_space<semaphore_mem>> -> memref<!tpu.dma_semaphore, #tpu.memory_space<semaphore_mem>>
    tpu.enqueue_indirect_dma source(%dma_start3A_269 : memref<1000000x32xf32, #tpu.memory_space<hbm>>) target(%dma_start3A_263 : memref<50x32xf32, #tpu.memory_space<vmem>>) offsets(%dma_start3A_266 : memref<50xi32, #tpu.memory_space<vmem>>) semaphore(%dma_start3A_271 : memref<!tpu.dma_semaphore, #tpu.memory_space<semaphore_mem>>)
    %dma_start3A_272 = arith.constant 18 : i32
    %dma_start3A_273 = arith.constant 2 : i32
    %dma_start3A_274 = arith.constant 2 : i32
    %dma_start3A_275 = arith.constant 0 : i32
    %dma_start3A_276 = arith.constant 0 : i32
    %dma_start3A_277 = tpu.memref_slice %arg8[%dma_start3A_273, %dma_start3A_275, %dma_start3A_276] : memref<8x50x32xf32, #tpu.memory_space<vmem>> -> memref<1x50x32xf32, #tpu.memory_space<vmem>>
    %dma_start3A_278 = tpu.memref_squeeze %dma_start3A_277 : memref<1x50x32xf32, #tpu.memory_space<vmem>> -> memref<50x32xf32, #tpu.memory_space<vmem>>
    %dma_start3A_279 = arith.constant 0 : i32
    %dma_start3A_280 = tpu.memref_slice %arg5[%dma_start3A_272, %dma_start3A_279] : memref<512x50xi32, #tpu.memory_space<vmem>> -> memref<1x50xi32, #tpu.memory_space<vmem>>
    %dma_start3A_281 = tpu.memref_squeeze %dma_start3A_280 : memref<1x50xi32, #tpu.memory_space<vmem>> -> memref<50xi32, #tpu.memory_space<vmem>>
    %dma_start3A_282 = arith.constant 0 : i32
    %dma_start3A_283 = arith.constant 0 : i32
    %dma_start3A_284 = tpu.memref_slice %arg3[%dma_start3A_282, %dma_start3A_283] : memref<1000000x32xf32, #tpu.memory_space<hbm>> -> memref<1000000x32xf32, #tpu.memory_space<hbm>>
    %dma_start3A_285 = tpu.memref_slice %arg10[%dma_start3A_274] : memref<4x!tpu.dma_semaphore, #tpu.memory_space<semaphore_mem>> -> memref<1x!tpu.dma_semaphore, #tpu.memory_space<semaphore_mem>>
    %dma_start3A_286 = tpu.memref_squeeze %dma_start3A_285 : memref<1x!tpu.dma_semaphore, #tpu.memory_space<semaphore_mem>> -> memref<!tpu.dma_semaphore, #tpu.memory_space<semaphore_mem>>
    tpu.enqueue_indirect_dma source(%dma_start3A_284 : memref<1000000x32xf32, #tpu.memory_space<hbm>>) target(%dma_start3A_278 : memref<50x32xf32, #tpu.memory_space<vmem>>) offsets(%dma_start3A_281 : memref<50xi32, #tpu.memory_space<vmem>>) semaphore(%dma_start3A_286 : memref<!tpu.dma_semaphore, #tpu.memory_space<semaphore_mem>>)
    %dma_start3A_287 = arith.constant 19 : i32
    %dma_start3A_288 = arith.constant 3 : i32
    %dma_start3A_289 = arith.constant 2 : i32
    %dma_start3A_290 = arith.constant 0 : i32
    %dma_start3A_291 = arith.constant 0 : i32
    %dma_start3A_292 = tpu.memref_slice %arg8[%dma_start3A_288, %dma_start3A_290, %dma_start3A_291] : memref<8x50x32xf32, #tpu.memory_space<vmem>> -> memref<1x50x32xf32, #tpu.memory_space<vmem>>
    %dma_start3A_293 = tpu.memref_squeeze %dma_start3A_292 : memref<1x50x32xf32, #tpu.memory_space<vmem>> -> memref<50x32xf32, #tpu.memory_space<vmem>>
    %dma_start3A_294 = arith.constant 0 : i32
    %dma_start3A_295 = tpu.memref_slice %arg5[%dma_start3A_287, %dma_start3A_294] : memref<512x50xi32, #tpu.memory_space<vmem>> -> memref<1x50xi32, #tpu.memory_space<vmem>>
    %dma_start3A_296 = tpu.memref_squeeze %dma_start3A_295 : memref<1x50xi32, #tpu.memory_space<vmem>> -> memref<50xi32, #tpu.memory_space<vmem>>
    %dma_start3A_297 = arith.constant 0 : i32
    %dma_start3A_298 = arith.constant 0 : i32
    %dma_start3A_299 = tpu.memref_slice %arg3[%dma_start3A_297, %dma_start3A_298] : memref<1000000x32xf32, #tpu.memory_space<hbm>> -> memref<1000000x32xf32, #tpu.memory_space<hbm>>
    %dma_start3A_300 = tpu.memref_slice %arg10[%dma_start3A_289] : memref<4x!tpu.dma_semaphore, #tpu.memory_space<semaphore_mem>> -> memref<1x!tpu.dma_semaphore, #tpu.memory_space<semaphore_mem>>
    %dma_start3A_301 = tpu.memref_squeeze %dma_start3A_300 : memref<1x!tpu.dma_semaphore, #tpu.memory_space<semaphore_mem>> -> memref<!tpu.dma_semaphore, #tpu.memory_space<semaphore_mem>>
    tpu.enqueue_indirect_dma source(%dma_start3A_299 : memref<1000000x32xf32, #tpu.memory_space<hbm>>) target(%dma_start3A_293 : memref<50x32xf32, #tpu.memory_space<vmem>>) offsets(%dma_start3A_296 : memref<50xi32, #tpu.memory_space<vmem>>) semaphore(%dma_start3A_301 : memref<!tpu.dma_semaphore, #tpu.memory_space<semaphore_mem>>)
    %dma_start3A_302 = arith.constant 20 : i32
    %dma_start3A_303 = arith.constant 4 : i32
    %dma_start3A_304 = arith.constant 2 : i32
    %dma_start3A_305 = arith.constant 0 : i32
    %dma_start3A_306 = arith.constant 0 : i32
    %dma_start3A_307 = tpu.memref_slice %arg8[%dma_start3A_303, %dma_start3A_305, %dma_start3A_306] : memref<8x50x32xf32, #tpu.memory_space<vmem>> -> memref<1x50x32xf32, #tpu.memory_space<vmem>>
    %dma_start3A_308 = tpu.memref_squeeze %dma_start3A_307 : memref<1x50x32xf32, #tpu.memory_space<vmem>> -> memref<50x32xf32, #tpu.memory_space<vmem>>
    %dma_start3A_309 = arith.constant 0 : i32
    %dma_start3A_310 = tpu.memref_slice %arg5[%dma_start3A_302, %dma_start3A_309] : memref<512x50xi32, #tpu.memory_space<vmem>> -> memref<1x50xi32, #tpu.memory_space<vmem>>
    %dma_start3A_311 = tpu.memref_squeeze %dma_start3A_310 : memref<1x50xi32, #tpu.memory_space<vmem>> -> memref<50xi32, #tpu.memory_space<vmem>>
    %dma_start3A_312 = arith.constant 0 : i32
    %dma_start3A_313 = arith.constant 0 : i32
    %dma_start3A_314 = tpu.memref_slice %arg3[%dma_start3A_312, %dma_start3A_313] : memref<1000000x32xf32, #tpu.memory_space<hbm>> -> memref<1000000x32xf32, #tpu.memory_space<hbm>>
    %dma_start3A_315 = tpu.memref_slice %arg10[%dma_start3A_304] : memref<4x!tpu.dma_semaphore, #tpu.memory_space<semaphore_mem>> -> memref<1x!tpu.dma_semaphore, #tpu.memory_space<semaphore_mem>>
    %dma_start3A_316 = tpu.memref_squeeze %dma_start3A_315 : memref<1x!tpu.dma_semaphore, #tpu.memory_space<semaphore_mem>> -> memref<!tpu.dma_semaphore, #tpu.memory_space<semaphore_mem>>
    tpu.enqueue_indirect_dma source(%dma_start3A_314 : memref<1000000x32xf32, #tpu.memory_space<hbm>>) target(%dma_start3A_308 : memref<50x32xf32, #tpu.memory_space<vmem>>) offsets(%dma_start3A_311 : memref<50xi32, #tpu.memory_space<vmem>>) semaphore(%dma_start3A_316 : memref<!tpu.dma_semaphore, #tpu.memory_space<semaphore_mem>>)
    %dma_start3A_317 = arith.constant 21 : i32
    %dma_start3A_318 = arith.constant 5 : i32
    %dma_start3A_319 = arith.constant 2 : i32
    %dma_start3A_320 = arith.constant 0 : i32
    %dma_start3A_321 = arith.constant 0 : i32
    %dma_start3A_322 = tpu.memref_slice %arg8[%dma_start3A_318, %dma_start3A_320, %dma_start3A_321] : memref<8x50x32xf32, #tpu.memory_space<vmem>> -> memref<1x50x32xf32, #tpu.memory_space<vmem>>
    %dma_start3A_323 = tpu.memref_squeeze %dma_start3A_322 : memref<1x50x32xf32, #tpu.memory_space<vmem>> -> memref<50x32xf32, #tpu.memory_space<vmem>>
    %dma_start3A_324 = arith.constant 0 : i32
    %dma_start3A_325 = tpu.memref_slice %arg5[%dma_start3A_317, %dma_start3A_324] : memref<512x50xi32, #tpu.memory_space<vmem>> -> memref<1x50xi32, #tpu.memory_space<vmem>>
    %dma_start3A_326 = tpu.memref_squeeze %dma_start3A_325 : memref<1x50xi32, #tpu.memory_space<vmem>> -> memref<50xi32, #tpu.memory_space<vmem>>
    %dma_start3A_327 = arith.constant 0 : i32
    %dma_start3A_328 = arith.constant 0 : i32
    %dma_start3A_329 = tpu.memref_slice %arg3[%dma_start3A_327, %dma_start3A_328] : memref<1000000x32xf32, #tpu.memory_space<hbm>> -> memref<1000000x32xf32, #tpu.memory_space<hbm>>
    %dma_start3A_330 = tpu.memref_slice %arg10[%dma_start3A_319] : memref<4x!tpu.dma_semaphore, #tpu.memory_space<semaphore_mem>> -> memref<1x!tpu.dma_semaphore, #tpu.memory_space<semaphore_mem>>
    %dma_start3A_331 = tpu.memref_squeeze %dma_start3A_330 : memref<1x!tpu.dma_semaphore, #tpu.memory_space<semaphore_mem>> -> memref<!tpu.dma_semaphore, #tpu.memory_space<semaphore_mem>>
    tpu.enqueue_indirect_dma source(%dma_start3A_329 : memref<1000000x32xf32, #tpu.memory_space<hbm>>) target(%dma_start3A_323 : memref<50x32xf32, #tpu.memory_space<vmem>>) offsets(%dma_start3A_326 : memref<50xi32, #tpu.memory_space<vmem>>) semaphore(%dma_start3A_331 : memref<!tpu.dma_semaphore, #tpu.memory_space<semaphore_mem>>)
    %dma_start3A_332 = arith.constant 22 : i32
    %dma_start3A_333 = arith.constant 6 : i32
    %dma_start3A_334 = arith.constant 2 : i32
    %dma_start3A_335 = arith.constant 0 : i32
    %dma_start3A_336 = arith.constant 0 : i32
    %dma_start3A_337 = tpu.memref_slice %arg8[%dma_start3A_333, %dma_start3A_335, %dma_start3A_336] : memref<8x50x32xf32, #tpu.memory_space<vmem>> -> memref<1x50x32xf32, #tpu.memory_space<vmem>>
    %dma_start3A_338 = tpu.memref_squeeze %dma_start3A_337 : memref<1x50x32xf32, #tpu.memory_space<vmem>> -> memref<50x32xf32, #tpu.memory_space<vmem>>
    %dma_start3A_339 = arith.constant 0 : i32
    %dma_start3A_340 = tpu.memref_slice %arg5[%dma_start3A_332, %dma_start3A_339] : memref<512x50xi32, #tpu.memory_space<vmem>> -> memref<1x50xi32, #tpu.memory_space<vmem>>
    %dma_start3A_341 = tpu.memref_squeeze %dma_start3A_340 : memref<1x50xi32, #tpu.memory_space<vmem>> -> memref<50xi32, #tpu.memory_space<vmem>>
    %dma_start3A_342 = arith.constant 0 : i32
    %dma_start3A_343 = arith.constant 0 : i32
    %dma_start3A_344 = tpu.memref_slice %arg3[%dma_start3A_342, %dma_start3A_343] : memref<1000000x32xf32, #tpu.memory_space<hbm>> -> memref<1000000x32xf32, #tpu.memory_space<hbm>>
    %dma_start3A_345 = tpu.memref_slice %arg10[%dma_start3A_334] : memref<4x!tpu.dma_semaphore, #tpu.memory_space<semaphore_mem>> -> memref<1x!tpu.dma_semaphore, #tpu.memory_space<semaphore_mem>>
    %dma_start3A_346 = tpu.memref_squeeze %dma_start3A_345 : memref<1x!tpu.dma_semaphore, #tpu.memory_space<semaphore_mem>> -> memref<!tpu.dma_semaphore, #tpu.memory_space<semaphore_mem>>
    tpu.enqueue_indirect_dma source(%dma_start3A_344 : memref<1000000x32xf32, #tpu.memory_space<hbm>>) target(%dma_start3A_338 : memref<50x32xf32, #tpu.memory_space<vmem>>) offsets(%dma_start3A_341 : memref<50xi32, #tpu.memory_space<vmem>>) semaphore(%dma_start3A_346 : memref<!tpu.dma_semaphore, #tpu.memory_space<semaphore_mem>>)
    %dma_start3A_347 = arith.constant 23 : i32
    %dma_start3A_348 = arith.constant 7 : i32
    %dma_start3A_349 = arith.constant 2 : i32
    %dma_start3A_350 = arith.constant 0 : i32
    %dma_start3A_351 = arith.constant 0 : i32
    %dma_start3A_352 = tpu.memref_slice %arg8[%dma_start3A_348, %dma_start3A_350, %dma_start3A_351] : memref<8x50x32xf32, #tpu.memory_space<vmem>> -> memref<1x50x32xf32, #tpu.memory_space<vmem>>
    %dma_start3A_353 = tpu.memref_squeeze %dma_start3A_352 : memref<1x50x32xf32, #tpu.memory_space<vmem>> -> memref<50x32xf32, #tpu.memory_space<vmem>>
    %dma_start3A_354 = arith.constant 0 : i32
    %dma_start3A_355 = tpu.memref_slice %arg5[%dma_start3A_347, %dma_start3A_354] : memref<512x50xi32, #tpu.memory_space<vmem>> -> memref<1x50xi32, #tpu.memory_space<vmem>>
    %dma_start3A_356 = tpu.memref_squeeze %dma_start3A_355 : memref<1x50xi32, #tpu.memory_space<vmem>> -> memref<50xi32, #tpu.memory_space<vmem>>
    %dma_start3A_357 = arith.constant 0 : i32
    %dma_start3A_358 = arith.constant 0 : i32
    %dma_start3A_359 = tpu.memref_slice %arg3[%dma_start3A_357, %dma_start3A_358] : memref<1000000x32xf32, #tpu.memory_space<hbm>> -> memref<1000000x32xf32, #tpu.memory_space<hbm>>
    %dma_start3A_360 = tpu.memref_slice %arg10[%dma_start3A_349] : memref<4x!tpu.dma_semaphore, #tpu.memory_space<semaphore_mem>> -> memref<1x!tpu.dma_semaphore, #tpu.memory_space<semaphore_mem>>
    %dma_start3A_361 = tpu.memref_squeeze %dma_start3A_360 : memref<1x!tpu.dma_semaphore, #tpu.memory_space<semaphore_mem>> -> memref<!tpu.dma_semaphore, #tpu.memory_space<semaphore_mem>>
    tpu.enqueue_indirect_dma source(%dma_start3A_359 : memref<1000000x32xf32, #tpu.memory_space<hbm>>) target(%dma_start3A_353 : memref<50x32xf32, #tpu.memory_space<vmem>>) offsets(%dma_start3A_356 : memref<50xi32, #tpu.memory_space<vmem>>) semaphore(%dma_start3A_361 : memref<!tpu.dma_semaphore, #tpu.memory_space<semaphore_mem>>)
    %dma_start3A_362 = arith.constant 24 : i32
    %dma_start3A_363 = arith.constant 0 : i32
    %dma_start3A_364 = arith.constant 3 : i32
    %dma_start3A_365 = arith.constant 0 : i32
    %dma_start3A_366 = arith.constant 0 : i32
    %dma_start3A_367 = tpu.memref_slice %arg9[%dma_start3A_363, %dma_start3A_365, %dma_start3A_366] : memref<8x50x32xf32, #tpu.memory_space<vmem>> -> memref<1x50x32xf32, #tpu.memory_space<vmem>>
    %dma_start3A_368 = tpu.memref_squeeze %dma_start3A_367 : memref<1x50x32xf32, #tpu.memory_space<vmem>> -> memref<50x32xf32, #tpu.memory_space<vmem>>
    %dma_start3A_369 = arith.constant 0 : i32
    %dma_start3A_370 = tpu.memref_slice %arg5[%dma_start3A_362, %dma_start3A_369] : memref<512x50xi32, #tpu.memory_space<vmem>> -> memref<1x50xi32, #tpu.memory_space<vmem>>
    %dma_start3A_371 = tpu.memref_squeeze %dma_start3A_370 : memref<1x50xi32, #tpu.memory_space<vmem>> -> memref<50xi32, #tpu.memory_space<vmem>>
    %dma_start3A_372 = arith.constant 0 : i32
    %dma_start3A_373 = arith.constant 0 : i32
    %dma_start3A_374 = tpu.memref_slice %arg3[%dma_start3A_372, %dma_start3A_373] : memref<1000000x32xf32, #tpu.memory_space<hbm>> -> memref<1000000x32xf32, #tpu.memory_space<hbm>>
    %dma_start3A_375 = tpu.memref_slice %arg10[%dma_start3A_364] : memref<4x!tpu.dma_semaphore, #tpu.memory_space<semaphore_mem>> -> memref<1x!tpu.dma_semaphore, #tpu.memory_space<semaphore_mem>>
    %dma_start3A_376 = tpu.memref_squeeze %dma_start3A_375 : memref<1x!tpu.dma_semaphore, #tpu.memory_space<semaphore_mem>> -> memref<!tpu.dma_semaphore, #tpu.memory_space<semaphore_mem>>
    tpu.enqueue_indirect_dma source(%dma_start3A_374 : memref<1000000x32xf32, #tpu.memory_space<hbm>>) target(%dma_start3A_368 : memref<50x32xf32, #tpu.memory_space<vmem>>) offsets(%dma_start3A_371 : memref<50xi32, #tpu.memory_space<vmem>>) semaphore(%dma_start3A_376 : memref<!tpu.dma_semaphore, #tpu.memory_space<semaphore_mem>>)
    %dma_start3A_377 = arith.constant 25 : i32
    %dma_start3A_378 = arith.constant 1 : i32
    %dma_start3A_379 = arith.constant 3 : i32
    %dma_start3A_380 = arith.constant 0 : i32
    %dma_start3A_381 = arith.constant 0 : i32
    %dma_start3A_382 = tpu.memref_slice %arg9[%dma_start3A_378, %dma_start3A_380, %dma_start3A_381] : memref<8x50x32xf32, #tpu.memory_space<vmem>> -> memref<1x50x32xf32, #tpu.memory_space<vmem>>
    %dma_start3A_383 = tpu.memref_squeeze %dma_start3A_382 : memref<1x50x32xf32, #tpu.memory_space<vmem>> -> memref<50x32xf32, #tpu.memory_space<vmem>>
    %dma_start3A_384 = arith.constant 0 : i32
    %dma_start3A_385 = tpu.memref_slice %arg5[%dma_start3A_377, %dma_start3A_384] : memref<512x50xi32, #tpu.memory_space<vmem>> -> memref<1x50xi32, #tpu.memory_space<vmem>>
    %dma_start3A_386 = tpu.memref_squeeze %dma_start3A_385 : memref<1x50xi32, #tpu.memory_space<vmem>> -> memref<50xi32, #tpu.memory_space<vmem>>
    %dma_start3A_387 = arith.constant 0 : i32
    %dma_start3A_388 = arith.constant 0 : i32
    %dma_start3A_389 = tpu.memref_slice %arg3[%dma_start3A_387, %dma_start3A_388] : memref<1000000x32xf32, #tpu.memory_space<hbm>> -> memref<1000000x32xf32, #tpu.memory_space<hbm>>
    %dma_start3A_390 = tpu.memref_slice %arg10[%dma_start3A_379] : memref<4x!tpu.dma_semaphore, #tpu.memory_space<semaphore_mem>> -> memref<1x!tpu.dma_semaphore, #tpu.memory_space<semaphore_mem>>
    %dma_start3A_391 = tpu.memref_squeeze %dma_start3A_390 : memref<1x!tpu.dma_semaphore, #tpu.memory_space<semaphore_mem>> -> memref<!tpu.dma_semaphore, #tpu.memory_space<semaphore_mem>>
    tpu.enqueue_indirect_dma source(%dma_start3A_389 : memref<1000000x32xf32, #tpu.memory_space<hbm>>) target(%dma_start3A_383 : memref<50x32xf32, #tpu.memory_space<vmem>>) offsets(%dma_start3A_386 : memref<50xi32, #tpu.memory_space<vmem>>) semaphore(%dma_start3A_391 : memref<!tpu.dma_semaphore, #tpu.memory_space<semaphore_mem>>)
    %dma_start3A_392 = arith.constant 26 : i32
    %dma_start3A_393 = arith.constant 2 : i32
    %dma_start3A_394 = arith.constant 3 : i32
    %dma_start3A_395 = arith.constant 0 : i32
    %dma_start3A_396 = arith.constant 0 : i32
    %dma_start3A_397 = tpu.memref_slice %arg9[%dma_start3A_393, %dma_start3A_395, %dma_start3A_396] : memref<8x50x32xf32, #tpu.memory_space<vmem>> -> memref<1x50x32xf32, #tpu.memory_space<vmem>>
    %dma_start3A_398 = tpu.memref_squeeze %dma_start3A_397 : memref<1x50x32xf32, #tpu.memory_space<vmem>> -> memref<50x32xf32, #tpu.memory_space<vmem>>
    %dma_start3A_399 = arith.constant 0 : i32
    %dma_start3A_400 = tpu.memref_slice %arg5[%dma_start3A_392, %dma_start3A_399] : memref<512x50xi32, #tpu.memory_space<vmem>> -> memref<1x50xi32, #tpu.memory_space<vmem>>
    %dma_start3A_401 = tpu.memref_squeeze %dma_start3A_400 : memref<1x50xi32, #tpu.memory_space<vmem>> -> memref<50xi32, #tpu.memory_space<vmem>>
    %dma_start3A_402 = arith.constant 0 : i32
    %dma_start3A_403 = arith.constant 0 : i32
    %dma_start3A_404 = tpu.memref_slice %arg3[%dma_start3A_402, %dma_start3A_403] : memref<1000000x32xf32, #tpu.memory_space<hbm>> -> memref<1000000x32xf32, #tpu.memory_space<hbm>>
    %dma_start3A_405 = tpu.memref_slice %arg10[%dma_start3A_394] : memref<4x!tpu.dma_semaphore, #tpu.memory_space<semaphore_mem>> -> memref<1x!tpu.dma_semaphore, #tpu.memory_space<semaphore_mem>>
    %dma_start3A_406 = tpu.memref_squeeze %dma_start3A_405 : memref<1x!tpu.dma_semaphore, #tpu.memory_space<semaphore_mem>> -> memref<!tpu.dma_semaphore, #tpu.memory_space<semaphore_mem>>
    tpu.enqueue_indirect_dma source(%dma_start3A_404 : memref<1000000x32xf32, #tpu.memory_space<hbm>>) target(%dma_start3A_398 : memref<50x32xf32, #tpu.memory_space<vmem>>) offsets(%dma_start3A_401 : memref<50xi32, #tpu.memory_space<vmem>>) semaphore(%dma_start3A_406 : memref<!tpu.dma_semaphore, #tpu.memory_space<semaphore_mem>>)
    %dma_start3A_407 = arith.constant 27 : i32
    %dma_start3A_408 = arith.constant 3 : i32
    %dma_start3A_409 = arith.constant 3 : i32
    %dma_start3A_410 = arith.constant 0 : i32
    %dma_start3A_411 = arith.constant 0 : i32
    %dma_start3A_412 = tpu.memref_slice %arg9[%dma_start3A_408, %dma_start3A_410, %dma_start3A_411] : memref<8x50x32xf32, #tpu.memory_space<vmem>> -> memref<1x50x32xf32, #tpu.memory_space<vmem>>
    %dma_start3A_413 = tpu.memref_squeeze %dma_start3A_412 : memref<1x50x32xf32, #tpu.memory_space<vmem>> -> memref<50x32xf32, #tpu.memory_space<vmem>>
    %dma_start3A_414 = arith.constant 0 : i32
    %dma_start3A_415 = tpu.memref_slice %arg5[%dma_start3A_407, %dma_start3A_414] : memref<512x50xi32, #tpu.memory_space<vmem>> -> memref<1x50xi32, #tpu.memory_space<vmem>>
    %dma_start3A_416 = tpu.memref_squeeze %dma_start3A_415 : memref<1x50xi32, #tpu.memory_space<vmem>> -> memref<50xi32, #tpu.memory_space<vmem>>
    %dma_start3A_417 = arith.constant 0 : i32
    %dma_start3A_418 = arith.constant 0 : i32
    %dma_start3A_419 = tpu.memref_slice %arg3[%dma_start3A_417, %dma_start3A_418] : memref<1000000x32xf32, #tpu.memory_space<hbm>> -> memref<1000000x32xf32, #tpu.memory_space<hbm>>
    %dma_start3A_420 = tpu.memref_slice %arg10[%dma_start3A_409] : memref<4x!tpu.dma_semaphore, #tpu.memory_space<semaphore_mem>> -> memref<1x!tpu.dma_semaphore, #tpu.memory_space<semaphore_mem>>
    %dma_start3A_421 = tpu.memref_squeeze %dma_start3A_420 : memref<1x!tpu.dma_semaphore, #tpu.memory_space<semaphore_mem>> -> memref<!tpu.dma_semaphore, #tpu.memory_space<semaphore_mem>>
    tpu.enqueue_indirect_dma source(%dma_start3A_419 : memref<1000000x32xf32, #tpu.memory_space<hbm>>) target(%dma_start3A_413 : memref<50x32xf32, #tpu.memory_space<vmem>>) offsets(%dma_start3A_416 : memref<50xi32, #tpu.memory_space<vmem>>) semaphore(%dma_start3A_421 : memref<!tpu.dma_semaphore, #tpu.memory_space<semaphore_mem>>)
    %dma_start3A_422 = arith.constant 28 : i32
    %dma_start3A_423 = arith.constant 4 : i32
    %dma_start3A_424 = arith.constant 3 : i32
    %dma_start3A_425 = arith.constant 0 : i32
    %dma_start3A_426 = arith.constant 0 : i32
    %dma_start3A_427 = tpu.memref_slice %arg9[%dma_start3A_423, %dma_start3A_425, %dma_start3A_426] : memref<8x50x32xf32, #tpu.memory_space<vmem>> -> memref<1x50x32xf32, #tpu.memory_space<vmem>>
    %dma_start3A_428 = tpu.memref_squeeze %dma_start3A_427 : memref<1x50x32xf32, #tpu.memory_space<vmem>> -> memref<50x32xf32, #tpu.memory_space<vmem>>
    %dma_start3A_429 = arith.constant 0 : i32
    %dma_start3A_430 = tpu.memref_slice %arg5[%dma_start3A_422, %dma_start3A_429] : memref<512x50xi32, #tpu.memory_space<vmem>> -> memref<1x50xi32, #tpu.memory_space<vmem>>
    %dma_start3A_431 = tpu.memref_squeeze %dma_start3A_430 : memref<1x50xi32, #tpu.memory_space<vmem>> -> memref<50xi32, #tpu.memory_space<vmem>>
    %dma_start3A_432 = arith.constant 0 : i32
    %dma_start3A_433 = arith.constant 0 : i32
    %dma_start3A_434 = tpu.memref_slice %arg3[%dma_start3A_432, %dma_start3A_433] : memref<1000000x32xf32, #tpu.memory_space<hbm>> -> memref<1000000x32xf32, #tpu.memory_space<hbm>>
    %dma_start3A_435 = tpu.memref_slice %arg10[%dma_start3A_424] : memref<4x!tpu.dma_semaphore, #tpu.memory_space<semaphore_mem>> -> memref<1x!tpu.dma_semaphore, #tpu.memory_space<semaphore_mem>>
    %dma_start3A_436 = tpu.memref_squeeze %dma_start3A_435 : memref<1x!tpu.dma_semaphore, #tpu.memory_space<semaphore_mem>> -> memref<!tpu.dma_semaphore, #tpu.memory_space<semaphore_mem>>
    tpu.enqueue_indirect_dma source(%dma_start3A_434 : memref<1000000x32xf32, #tpu.memory_space<hbm>>) target(%dma_start3A_428 : memref<50x32xf32, #tpu.memory_space<vmem>>) offsets(%dma_start3A_431 : memref<50xi32, #tpu.memory_space<vmem>>) semaphore(%dma_start3A_436 : memref<!tpu.dma_semaphore, #tpu.memory_space<semaphore_mem>>)
    %dma_start3A_437 = arith.constant 29 : i32
    %dma_start3A_438 = arith.constant 5 : i32
    %dma_start3A_439 = arith.constant 3 : i32
    %dma_start3A_440 = arith.constant 0 : i32
    %dma_start3A_441 = arith.constant 0 : i32
    %dma_start3A_442 = tpu.memref_slice %arg9[%dma_start3A_438, %dma_start3A_440, %dma_start3A_441] : memref<8x50x32xf32, #tpu.memory_space<vmem>> -> memref<1x50x32xf32, #tpu.memory_space<vmem>>
    %dma_start3A_443 = tpu.memref_squeeze %dma_start3A_442 : memref<1x50x32xf32, #tpu.memory_space<vmem>> -> memref<50x32xf32, #tpu.memory_space<vmem>>
    %dma_start3A_444 = arith.constant 0 : i32
    %dma_start3A_445 = tpu.memref_slice %arg5[%dma_start3A_437, %dma_start3A_444] : memref<512x50xi32, #tpu.memory_space<vmem>> -> memref<1x50xi32, #tpu.memory_space<vmem>>
    %dma_start3A_446 = tpu.memref_squeeze %dma_start3A_445 : memref<1x50xi32, #tpu.memory_space<vmem>> -> memref<50xi32, #tpu.memory_space<vmem>>
    %dma_start3A_447 = arith.constant 0 : i32
    %dma_start3A_448 = arith.constant 0 : i32
    %dma_start3A_449 = tpu.memref_slice %arg3[%dma_start3A_447, %dma_start3A_448] : memref<1000000x32xf32, #tpu.memory_space<hbm>> -> memref<1000000x32xf32, #tpu.memory_space<hbm>>
    %dma_start3A_450 = tpu.memref_slice %arg10[%dma_start3A_439] : memref<4x!tpu.dma_semaphore, #tpu.memory_space<semaphore_mem>> -> memref<1x!tpu.dma_semaphore, #tpu.memory_space<semaphore_mem>>
    %dma_start3A_451 = tpu.memref_squeeze %dma_start3A_450 : memref<1x!tpu.dma_semaphore, #tpu.memory_space<semaphore_mem>> -> memref<!tpu.dma_semaphore, #tpu.memory_space<semaphore_mem>>
    tpu.enqueue_indirect_dma source(%dma_start3A_449 : memref<1000000x32xf32, #tpu.memory_space<hbm>>) target(%dma_start3A_443 : memref<50x32xf32, #tpu.memory_space<vmem>>) offsets(%dma_start3A_446 : memref<50xi32, #tpu.memory_space<vmem>>) semaphore(%dma_start3A_451 : memref<!tpu.dma_semaphore, #tpu.memory_space<semaphore_mem>>)
    %dma_start3A_452 = arith.constant 30 : i32
    %dma_start3A_453 = arith.constant 6 : i32
    %dma_start3A_454 = arith.constant 3 : i32
    %dma_start3A_455 = arith.constant 0 : i32
    %dma_start3A_456 = arith.constant 0 : i32
    %dma_start3A_457 = tpu.memref_slice %arg9[%dma_start3A_453, %dma_start3A_455, %dma_start3A_456] : memref<8x50x32xf32, #tpu.memory_space<vmem>> -> memref<1x50x32xf32, #tpu.memory_space<vmem>>
    %dma_start3A_458 = tpu.memref_squeeze %dma_start3A_457 : memref<1x50x32xf32, #tpu.memory_space<vmem>> -> memref<50x32xf32, #tpu.memory_space<vmem>>
    %dma_start3A_459 = arith.constant 0 : i32
    %dma_start3A_460 = tpu.memref_slice %arg5[%dma_start3A_452, %dma_start3A_459] : memref<512x50xi32, #tpu.memory_space<vmem>> -> memref<1x50xi32, #tpu.memory_space<vmem>>
    %dma_start3A_461 = tpu.memref_squeeze %dma_start3A_460 : memref<1x50xi32, #tpu.memory_space<vmem>> -> memref<50xi32, #tpu.memory_space<vmem>>
    %dma_start3A_462 = arith.constant 0 : i32
    %dma_start3A_463 = arith.constant 0 : i32
    %dma_start3A_464 = tpu.memref_slice %arg3[%dma_start3A_462, %dma_start3A_463] : memref<1000000x32xf32, #tpu.memory_space<hbm>> -> memref<1000000x32xf32, #tpu.memory_space<hbm>>
    %dma_start3A_465 = tpu.memref_slice %arg10[%dma_start3A_454] : memref<4x!tpu.dma_semaphore, #tpu.memory_space<semaphore_mem>> -> memref<1x!tpu.dma_semaphore, #tpu.memory_space<semaphore_mem>>
    %dma_start3A_466 = tpu.memref_squeeze %dma_start3A_465 : memref<1x!tpu.dma_semaphore, #tpu.memory_space<semaphore_mem>> -> memref<!tpu.dma_semaphore, #tpu.memory_space<semaphore_mem>>
    tpu.enqueue_indirect_dma source(%dma_start3A_464 : memref<1000000x32xf32, #tpu.memory_space<hbm>>) target(%dma_start3A_458 : memref<50x32xf32, #tpu.memory_space<vmem>>) offsets(%dma_start3A_461 : memref<50xi32, #tpu.memory_space<vmem>>) semaphore(%dma_start3A_466 : memref<!tpu.dma_semaphore, #tpu.memory_space<semaphore_mem>>)
    %dma_start3A_467 = arith.constant 31 : i32
    %dma_start3A_468 = arith.constant 7 : i32
    %dma_start3A_469 = arith.constant 3 : i32
    %dma_start3A_470 = arith.constant 0 : i32
    %dma_start3A_471 = arith.constant 0 : i32
    %dma_start3A_472 = tpu.memref_slice %arg9[%dma_start3A_468, %dma_start3A_470, %dma_start3A_471] : memref<8x50x32xf32, #tpu.memory_space<vmem>> -> memref<1x50x32xf32, #tpu.memory_space<vmem>>
    %dma_start3A_473 = tpu.memref_squeeze %dma_start3A_472 : memref<1x50x32xf32, #tpu.memory_space<vmem>> -> memref<50x32xf32, #tpu.memory_space<vmem>>
    %dma_start3A_474 = arith.constant 0 : i32
    %dma_start3A_475 = tpu.memref_slice %arg5[%dma_start3A_467, %dma_start3A_474] : memref<512x50xi32, #tpu.memory_space<vmem>> -> memref<1x50xi32, #tpu.memory_space<vmem>>
    %dma_start3A_476 = tpu.memref_squeeze %dma_start3A_475 : memref<1x50xi32, #tpu.memory_space<vmem>> -> memref<50xi32, #tpu.memory_space<vmem>>
    %dma_start3A_477 = arith.constant 0 : i32
    %dma_start3A_478 = arith.constant 0 : i32
    %dma_start3A_479 = tpu.memref_slice %arg3[%dma_start3A_477, %dma_start3A_478] : memref<1000000x32xf32, #tpu.memory_space<hbm>> -> memref<1000000x32xf32, #tpu.memory_space<hbm>>
    %dma_start3A_480 = tpu.memref_slice %arg10[%dma_start3A_469] : memref<4x!tpu.dma_semaphore, #tpu.memory_space<semaphore_mem>> -> memref<1x!tpu.dma_semaphore, #tpu.memory_space<semaphore_mem>>
    %dma_start3A_481 = tpu.memref_squeeze %dma_start3A_480 : memref<1x!tpu.dma_semaphore, #tpu.memory_space<semaphore_mem>> -> memref<!tpu.dma_semaphore, #tpu.memory_space<semaphore_mem>>
    tpu.enqueue_indirect_dma source(%dma_start3A_479 : memref<1000000x32xf32, #tpu.memory_space<hbm>>) target(%dma_start3A_473 : memref<50x32xf32, #tpu.memory_space<vmem>>) offsets(%dma_start3A_476 : memref<50xi32, #tpu.memory_space<vmem>>) semaphore(%dma_start3A_481 : memref<!tpu.dma_semaphore, #tpu.memory_space<semaphore_mem>>)
    %scan3A = arith.constant 0 : i32
    %scan3A_482 = arith.constant 0 : i32
    %scan3A_483 = arith.constant 16 : i32
    %scan3A_484 = arith.addi %scan3A_482, %scan3A_483 : i32
    %scan3A_485 = arith.constant 1 : i32
    scf.for %scan3A_530 = %scan3A_482 to %scan3A_484 step %scan3A_485  : i32 {
      %mul3A_531 = arith.constant 4 : i32
      %mul3A_532 = arith.muli %scan3A_530, %mul3A_531 : i32
      %add3A_533 = arith.constant 0 : i32
      %add3A_534 = arith.addi %mul3A_532, %add3A_533 : i32
      %dma_wait3A_535 = arith.constant 0 : i32
      %dma_wait3A_536 = arith.constant 0 : i32
      %dma_wait3A_537 = arith.constant 0 : i32
      %dma_wait3A_538 = arith.constant 0 : i32
      %dma_wait3A_539 = arith.constant 0 : i32
      %dma_wait3A_540 = tpu.memref_slice %arg6[%dma_wait3A_536, %dma_wait3A_538, %dma_wait3A_539] : memref<8x50x32xf32, #tpu.memory_space<vmem>> -> memref<1x50x32xf32, #tpu.memory_space<vmem>>
      %dma_wait3A_541 = tpu.memref_squeeze %dma_wait3A_540 : memref<1x50x32xf32, #tpu.memory_space<vmem>> -> memref<50x32xf32, #tpu.memory_space<vmem>>
      %dma_wait3A_542 = arith.constant 0 : i32
      %dma_wait3A_543 = tpu.memref_slice %arg5[%dma_wait3A_535, %dma_wait3A_542] : memref<512x50xi32, #tpu.memory_space<vmem>> -> memref<1x50xi32, #tpu.memory_space<vmem>>
      %dma_wait3A_544 = tpu.memref_squeeze %dma_wait3A_543 : memref<1x50xi32, #tpu.memory_space<vmem>> -> memref<50xi32, #tpu.memory_space<vmem>>
      %dma_wait3A_545 = arith.constant 0 : i32
      %dma_wait3A_546 = arith.constant 0 : i32
      %dma_wait3A_547 = tpu.memref_slice %arg3[%dma_wait3A_545, %dma_wait3A_546] : memref<1000000x32xf32, #tpu.memory_space<hbm>> -> memref<1000000x32xf32, #tpu.memory_space<hbm>>
      %dma_wait3A_548 = tpu.memref_slice %arg10[%dma_wait3A_537] : memref<4x!tpu.dma_semaphore, #tpu.memory_space<semaphore_mem>> -> memref<1x!tpu.dma_semaphore, #tpu.memory_space<semaphore_mem>>
      %dma_wait3A_549 = tpu.memref_squeeze %dma_wait3A_548 : memref<1x!tpu.dma_semaphore, #tpu.memory_space<semaphore_mem>> -> memref<!tpu.dma_semaphore, #tpu.memory_space<semaphore_mem>>
      tpu.wait_indirect_dma semaphore(%dma_wait3A_549 : memref<!tpu.dma_semaphore, #tpu.memory_space<semaphore_mem>>) src(%dma_wait3A_547 : memref<1000000x32xf32, #tpu.memory_space<hbm>>) dst(%dma_wait3A_541 : memref<50x32xf32, #tpu.memory_space<vmem>>)
      %dma_wait3A_550 = arith.constant 1 : i32
      %dma_wait3A_551 = arith.constant 1 : i32
      %dma_wait3A_552 = arith.constant 0 : i32
      %dma_wait3A_553 = arith.constant 0 : i32
      %dma_wait3A_554 = arith.constant 0 : i32
      %dma_wait3A_555 = tpu.memref_slice %arg6[%dma_wait3A_551, %dma_wait3A_553, %dma_wait3A_554] : memref<8x50x32xf32, #tpu.memory_space<vmem>> -> memref<1x50x32xf32, #tpu.memory_space<vmem>>
      %dma_wait3A_556 = tpu.memref_squeeze %dma_wait3A_555 : memref<1x50x32xf32, #tpu.memory_space<vmem>> -> memref<50x32xf32, #tpu.memory_space<vmem>>
      %dma_wait3A_557 = arith.constant 0 : i32
      %dma_wait3A_558 = tpu.memref_slice %arg5[%dma_wait3A_550, %dma_wait3A_557] : memref<512x50xi32, #tpu.memory_space<vmem>> -> memref<1x50xi32, #tpu.memory_space<vmem>>
      %dma_wait3A_559 = tpu.memref_squeeze %dma_wait3A_558 : memref<1x50xi32, #tpu.memory_space<vmem>> -> memref<50xi32, #tpu.memory_space<vmem>>
      %dma_wait3A_560 = arith.constant 0 : i32
      %dma_wait3A_561 = arith.constant 0 : i32
      %dma_wait3A_562 = tpu.memref_slice %arg3[%dma_wait3A_560, %dma_wait3A_561] : memref<1000000x32xf32, #tpu.memory_space<hbm>> -> memref<1000000x32xf32, #tpu.memory_space<hbm>>
      %dma_wait3A_563 = tpu.memref_slice %arg10[%dma_wait3A_552] : memref<4x!tpu.dma_semaphore, #tpu.memory_space<semaphore_mem>> -> memref<1x!tpu.dma_semaphore, #tpu.memory_space<semaphore_mem>>
      %dma_wait3A_564 = tpu.memref_squeeze %dma_wait3A_563 : memref<1x!tpu.dma_semaphore, #tpu.memory_space<semaphore_mem>> -> memref<!tpu.dma_semaphore, #tpu.memory_space<semaphore_mem>>
      tpu.wait_indirect_dma semaphore(%dma_wait3A_564 : memref<!tpu.dma_semaphore, #tpu.memory_space<semaphore_mem>>) src(%dma_wait3A_562 : memref<1000000x32xf32, #tpu.memory_space<hbm>>) dst(%dma_wait3A_556 : memref<50x32xf32, #tpu.memory_space<vmem>>)
      %dma_wait3A_565 = arith.constant 2 : i32
      %dma_wait3A_566 = arith.constant 2 : i32
      %dma_wait3A_567 = arith.constant 0 : i32
      %dma_wait3A_568 = arith.constant 0 : i32
      %dma_wait3A_569 = arith.constant 0 : i32
      %dma_wait3A_570 = tpu.memref_slice %arg6[%dma_wait3A_566, %dma_wait3A_568, %dma_wait3A_569] : memref<8x50x32xf32, #tpu.memory_space<vmem>> -> memref<1x50x32xf32, #tpu.memory_space<vmem>>
      %dma_wait3A_571 = tpu.memref_squeeze %dma_wait3A_570 : memref<1x50x32xf32, #tpu.memory_space<vmem>> -> memref<50x32xf32, #tpu.memory_space<vmem>>
      %dma_wait3A_572 = arith.constant 0 : i32
      %dma_wait3A_573 = tpu.memref_slice %arg5[%dma_wait3A_565, %dma_wait3A_572] : memref<512x50xi32, #tpu.memory_space<vmem>> -> memref<1x50xi32, #tpu.memory_space<vmem>>
      %dma_wait3A_574 = tpu.memref_squeeze %dma_wait3A_573 : memref<1x50xi32, #tpu.memory_space<vmem>> -> memref<50xi32, #tpu.memory_space<vmem>>
      %dma_wait3A_575 = arith.constant 0 : i32
      %dma_wait3A_576 = arith.constant 0 : i32
      %dma_wait3A_577 = tpu.memref_slice %arg3[%dma_wait3A_575, %dma_wait3A_576] : memref<1000000x32xf32, #tpu.memory_space<hbm>> -> memref<1000000x32xf32, #tpu.memory_space<hbm>>
      %dma_wait3A_578 = tpu.memref_slice %arg10[%dma_wait3A_567] : memref<4x!tpu.dma_semaphore, #tpu.memory_space<semaphore_mem>> -> memref<1x!tpu.dma_semaphore, #tpu.memory_space<semaphore_mem>>
      %dma_wait3A_579 = tpu.memref_squeeze %dma_wait3A_578 : memref<1x!tpu.dma_semaphore, #tpu.memory_space<semaphore_mem>> -> memref<!tpu.dma_semaphore, #tpu.memory_space<semaphore_mem>>
      tpu.wait_indirect_dma semaphore(%dma_wait3A_579 : memref<!tpu.dma_semaphore, #tpu.memory_space<semaphore_mem>>) src(%dma_wait3A_577 : memref<1000000x32xf32, #tpu.memory_space<hbm>>) dst(%dma_wait3A_571 : memref<50x32xf32, #tpu.memory_space<vmem>>)
      %dma_wait3A_580 = arith.constant 3 : i32
      %dma_wait3A_581 = arith.constant 3 : i32
      %dma_wait3A_582 = arith.constant 0 : i32
      %dma_wait3A_583 = arith.constant 0 : i32
      %dma_wait3A_584 = arith.constant 0 : i32
      %dma_wait3A_585 = tpu.memref_slice %arg6[%dma_wait3A_581, %dma_wait3A_583, %dma_wait3A_584] : memref<8x50x32xf32, #tpu.memory_space<vmem>> -> memref<1x50x32xf32, #tpu.memory_space<vmem>>
      %dma_wait3A_586 = tpu.memref_squeeze %dma_wait3A_585 : memref<1x50x32xf32, #tpu.memory_space<vmem>> -> memref<50x32xf32, #tpu.memory_space<vmem>>
      %dma_wait3A_587 = arith.constant 0 : i32
      %dma_wait3A_588 = tpu.memref_slice %arg5[%dma_wait3A_580, %dma_wait3A_587] : memref<512x50xi32, #tpu.memory_space<vmem>> -> memref<1x50xi32, #tpu.memory_space<vmem>>
      %dma_wait3A_589 = tpu.memref_squeeze %dma_wait3A_588 : memref<1x50xi32, #tpu.memory_space<vmem>> -> memref<50xi32, #tpu.memory_space<vmem>>
      %dma_wait3A_590 = arith.constant 0 : i32
      %dma_wait3A_591 = arith.constant 0 : i32
      %dma_wait3A_592 = tpu.memref_slice %arg3[%dma_wait3A_590, %dma_wait3A_591] : memref<1000000x32xf32, #tpu.memory_space<hbm>> -> memref<1000000x32xf32, #tpu.memory_space<hbm>>
      %dma_wait3A_593 = tpu.memref_slice %arg10[%dma_wait3A_582] : memref<4x!tpu.dma_semaphore, #tpu.memory_space<semaphore_mem>> -> memref<1x!tpu.dma_semaphore, #tpu.memory_space<semaphore_mem>>
      %dma_wait3A_594 = tpu.memref_squeeze %dma_wait3A_593 : memref<1x!tpu.dma_semaphore, #tpu.memory_space<semaphore_mem>> -> memref<!tpu.dma_semaphore, #tpu.memory_space<semaphore_mem>>
      tpu.wait_indirect_dma semaphore(%dma_wait3A_594 : memref<!tpu.dma_semaphore, #tpu.memory_space<semaphore_mem>>) src(%dma_wait3A_592 : memref<1000000x32xf32, #tpu.memory_space<hbm>>) dst(%dma_wait3A_586 : memref<50x32xf32, #tpu.memory_space<vmem>>)
      %dma_wait3A_595 = arith.constant 4 : i32
      %dma_wait3A_596 = arith.constant 4 : i32
      %dma_wait3A_597 = arith.constant 0 : i32
      %dma_wait3A_598 = arith.constant 0 : i32
      %dma_wait3A_599 = arith.constant 0 : i32
      %dma_wait3A_600 = tpu.memref_slice %arg6[%dma_wait3A_596, %dma_wait3A_598, %dma_wait3A_599] : memref<8x50x32xf32, #tpu.memory_space<vmem>> -> memref<1x50x32xf32, #tpu.memory_space<vmem>>
      %dma_wait3A_601 = tpu.memref_squeeze %dma_wait3A_600 : memref<1x50x32xf32, #tpu.memory_space<vmem>> -> memref<50x32xf32, #tpu.memory_space<vmem>>
      %dma_wait3A_602 = arith.constant 0 : i32
      %dma_wait3A_603 = tpu.memref_slice %arg5[%dma_wait3A_595, %dma_wait3A_602] : memref<512x50xi32, #tpu.memory_space<vmem>> -> memref<1x50xi32, #tpu.memory_space<vmem>>
      %dma_wait3A_604 = tpu.memref_squeeze %dma_wait3A_603 : memref<1x50xi32, #tpu.memory_space<vmem>> -> memref<50xi32, #tpu.memory_space<vmem>>
      %dma_wait3A_605 = arith.constant 0 : i32
      %dma_wait3A_606 = arith.constant 0 : i32
      %dma_wait3A_607 = tpu.memref_slice %arg3[%dma_wait3A_605, %dma_wait3A_606] : memref<1000000x32xf32, #tpu.memory_space<hbm>> -> memref<1000000x32xf32, #tpu.memory_space<hbm>>
      %dma_wait3A_608 = tpu.memref_slice %arg10[%dma_wait3A_597] : memref<4x!tpu.dma_semaphore, #tpu.memory_space<semaphore_mem>> -> memref<1x!tpu.dma_semaphore, #tpu.memory_space<semaphore_mem>>
      %dma_wait3A_609 = tpu.memref_squeeze %dma_wait3A_608 : memref<1x!tpu.dma_semaphore, #tpu.memory_space<semaphore_mem>> -> memref<!tpu.dma_semaphore, #tpu.memory_space<semaphore_mem>>
      tpu.wait_indirect_dma semaphore(%dma_wait3A_609 : memref<!tpu.dma_semaphore, #tpu.memory_space<semaphore_mem>>) src(%dma_wait3A_607 : memref<1000000x32xf32, #tpu.memory_space<hbm>>) dst(%dma_wait3A_601 : memref<50x32xf32, #tpu.memory_space<vmem>>)
      %dma_wait3A_610 = arith.constant 5 : i32
      %dma_wait3A_611 = arith.constant 5 : i32
      %dma_wait3A_612 = arith.constant 0 : i32
      %dma_wait3A_613 = arith.constant 0 : i32
      %dma_wait3A_614 = arith.constant 0 : i32
      %dma_wait3A_615 = tpu.memref_slice %arg6[%dma_wait3A_611, %dma_wait3A_613, %dma_wait3A_614] : memref<8x50x32xf32, #tpu.memory_space<vmem>> -> memref<1x50x32xf32, #tpu.memory_space<vmem>>
      %dma_wait3A_616 = tpu.memref_squeeze %dma_wait3A_615 : memref<1x50x32xf32, #tpu.memory_space<vmem>> -> memref<50x32xf32, #tpu.memory_space<vmem>>
      %dma_wait3A_617 = arith.constant 0 : i32
      %dma_wait3A_618 = tpu.memref_slice %arg5[%dma_wait3A_610, %dma_wait3A_617] : memref<512x50xi32, #tpu.memory_space<vmem>> -> memref<1x50xi32, #tpu.memory_space<vmem>>
      %dma_wait3A_619 = tpu.memref_squeeze %dma_wait3A_618 : memref<1x50xi32, #tpu.memory_space<vmem>> -> memref<50xi32, #tpu.memory_space<vmem>>
      %dma_wait3A_620 = arith.constant 0 : i32
      %dma_wait3A_621 = arith.constant 0 : i32
      %dma_wait3A_622 = tpu.memref_slice %arg3[%dma_wait3A_620, %dma_wait3A_621] : memref<1000000x32xf32, #tpu.memory_space<hbm>> -> memref<1000000x32xf32, #tpu.memory_space<hbm>>
      %dma_wait3A_623 = tpu.memref_slice %arg10[%dma_wait3A_612] : memref<4x!tpu.dma_semaphore, #tpu.memory_space<semaphore_mem>> -> memref<1x!tpu.dma_semaphore, #tpu.memory_space<semaphore_mem>>
      %dma_wait3A_624 = tpu.memref_squeeze %dma_wait3A_623 : memref<1x!tpu.dma_semaphore, #tpu.memory_space<semaphore_mem>> -> memref<!tpu.dma_semaphore, #tpu.memory_space<semaphore_mem>>
      tpu.wait_indirect_dma semaphore(%dma_wait3A_624 : memref<!tpu.dma_semaphore, #tpu.memory_space<semaphore_mem>>) src(%dma_wait3A_622 : memref<1000000x32xf32, #tpu.memory_space<hbm>>) dst(%dma_wait3A_616 : memref<50x32xf32, #tpu.memory_space<vmem>>)
      %dma_wait3A_625 = arith.constant 6 : i32
      %dma_wait3A_626 = arith.constant 6 : i32
      %dma_wait3A_627 = arith.constant 0 : i32
      %dma_wait3A_628 = arith.constant 0 : i32
      %dma_wait3A_629 = arith.constant 0 : i32
      %dma_wait3A_630 = tpu.memref_slice %arg6[%dma_wait3A_626, %dma_wait3A_628, %dma_wait3A_629] : memref<8x50x32xf32, #tpu.memory_space<vmem>> -> memref<1x50x32xf32, #tpu.memory_space<vmem>>
      %dma_wait3A_631 = tpu.memref_squeeze %dma_wait3A_630 : memref<1x50x32xf32, #tpu.memory_space<vmem>> -> memref<50x32xf32, #tpu.memory_space<vmem>>
      %dma_wait3A_632 = arith.constant 0 : i32
      %dma_wait3A_633 = tpu.memref_slice %arg5[%dma_wait3A_625, %dma_wait3A_632] : memref<512x50xi32, #tpu.memory_space<vmem>> -> memref<1x50xi32, #tpu.memory_space<vmem>>
      %dma_wait3A_634 = tpu.memref_squeeze %dma_wait3A_633 : memref<1x50xi32, #tpu.memory_space<vmem>> -> memref<50xi32, #tpu.memory_space<vmem>>
      %dma_wait3A_635 = arith.constant 0 : i32
      %dma_wait3A_636 = arith.constant 0 : i32
      %dma_wait3A_637 = tpu.memref_slice %arg3[%dma_wait3A_635, %dma_wait3A_636] : memref<1000000x32xf32, #tpu.memory_space<hbm>> -> memref<1000000x32xf32, #tpu.memory_space<hbm>>
      %dma_wait3A_638 = tpu.memref_slice %arg10[%dma_wait3A_627] : memref<4x!tpu.dma_semaphore, #tpu.memory_space<semaphore_mem>> -> memref<1x!tpu.dma_semaphore, #tpu.memory_space<semaphore_mem>>
      %dma_wait3A_639 = tpu.memref_squeeze %dma_wait3A_638 : memref<1x!tpu.dma_semaphore, #tpu.memory_space<semaphore_mem>> -> memref<!tpu.dma_semaphore, #tpu.memory_space<semaphore_mem>>
      tpu.wait_indirect_dma semaphore(%dma_wait3A_639 : memref<!tpu.dma_semaphore, #tpu.memory_space<semaphore_mem>>) src(%dma_wait3A_637 : memref<1000000x32xf32, #tpu.memory_space<hbm>>) dst(%dma_wait3A_631 : memref<50x32xf32, #tpu.memory_space<vmem>>)
      %dma_wait3A_640 = arith.constant 7 : i32
      %dma_wait3A_641 = arith.constant 7 : i32
      %dma_wait3A_642 = arith.constant 0 : i32
      %dma_wait3A_643 = arith.constant 0 : i32
      %dma_wait3A_644 = arith.constant 0 : i32
      %dma_wait3A_645 = tpu.memref_slice %arg6[%dma_wait3A_641, %dma_wait3A_643, %dma_wait3A_644] : memref<8x50x32xf32, #tpu.memory_space<vmem>> -> memref<1x50x32xf32, #tpu.memory_space<vmem>>
      %dma_wait3A_646 = tpu.memref_squeeze %dma_wait3A_645 : memref<1x50x32xf32, #tpu.memory_space<vmem>> -> memref<50x32xf32, #tpu.memory_space<vmem>>
      %dma_wait3A_647 = arith.constant 0 : i32
      %dma_wait3A_648 = tpu.memref_slice %arg5[%dma_wait3A_640, %dma_wait3A_647] : memref<512x50xi32, #tpu.memory_space<vmem>> -> memref<1x50xi32, #tpu.memory_space<vmem>>
      %dma_wait3A_649 = tpu.memref_squeeze %dma_wait3A_648 : memref<1x50xi32, #tpu.memory_space<vmem>> -> memref<50xi32, #tpu.memory_space<vmem>>
      %dma_wait3A_650 = arith.constant 0 : i32
      %dma_wait3A_651 = arith.constant 0 : i32
      %dma_wait3A_652 = tpu.memref_slice %arg3[%dma_wait3A_650, %dma_wait3A_651] : memref<1000000x32xf32, #tpu.memory_space<hbm>> -> memref<1000000x32xf32, #tpu.memory_space<hbm>>
      %dma_wait3A_653 = tpu.memref_slice %arg10[%dma_wait3A_642] : memref<4x!tpu.dma_semaphore, #tpu.memory_space<semaphore_mem>> -> memref<1x!tpu.dma_semaphore, #tpu.memory_space<semaphore_mem>>
      %dma_wait3A_654 = tpu.memref_squeeze %dma_wait3A_653 : memref<1x!tpu.dma_semaphore, #tpu.memory_space<semaphore_mem>> -> memref<!tpu.dma_semaphore, #tpu.memory_space<semaphore_mem>>
      tpu.wait_indirect_dma semaphore(%dma_wait3A_654 : memref<!tpu.dma_semaphore, #tpu.memory_space<semaphore_mem>>) src(%dma_wait3A_652 : memref<1000000x32xf32, #tpu.memory_space<hbm>>) dst(%dma_wait3A_646 : memref<50x32xf32, #tpu.memory_space<vmem>>)
      %mul3A_655 = arith.constant 8 : i32
      %mul3A_656 = arith.muli %add3A_534, %mul3A_655 : i32
      %add3A_657 = arith.addi %mul3A_2, %mul3A_656 : i32
      %dma_start3A_658 = arith.constant 0 : i32
      %dma_start3A_659 = arith.constant 0 : i32
      %dma_start3A_660 = arith.constant 0 : i32
      %dma_start3A_661 = tpu.memref_slice %arg4[%add3A_657, %dma_start3A_659, %dma_start3A_660] : memref<16384x56x128xf32, #tpu.memory_space<hbm>> -> memref<8x50x32xf32, #tpu.memory_space<hbm>>
      %dma_start3A_662 = tpu.memref_slice %arg11[%dma_start3A_658] : memref<4x!tpu.dma_semaphore, #tpu.memory_space<semaphore_mem>> -> memref<1x!tpu.dma_semaphore, #tpu.memory_space<semaphore_mem>>
      %dma_start3A_663 = tpu.memref_squeeze %dma_start3A_662 : memref<1x!tpu.dma_semaphore, #tpu.memory_space<semaphore_mem>> -> memref<!tpu.dma_semaphore, #tpu.memory_space<semaphore_mem>>
      %dma_start3A_664 = arith.constant 0 : i32
      %dma_start3A_665 = arith.constant 0 : i32
      %dma_start3A_666 = tpu.memref_slice %arg4[%add3A_657, %dma_start3A_664, %dma_start3A_665] : memref<16384x56x128xf32, #tpu.memory_space<hbm>> -> memref<8x50x32xf32, #tpu.memory_space<hbm>>
      tpu.enqueue_dma source(%arg6 : memref<8x50x32xf32, #tpu.memory_space<vmem>>) target(%dma_start3A_666 : memref<8x50x32xf32, #tpu.memory_space<hbm>>) target_semaphore(%dma_start3A_663 : memref<!tpu.dma_semaphore, #tpu.memory_space<semaphore_mem>>)
      %mul3A_667 = arith.constant 4 : i32
      %mul3A_668 = arith.muli %scan3A_530, %mul3A_667 : i32
      %add3A_669 = arith.constant 1 : i32
      %add3A_670 = arith.addi %mul3A_668, %add3A_669 : i32
      %dma_wait3A_671 = arith.constant 0 : i32
      %dma_wait3A_672 = arith.constant 0 : i32
      %dma_wait3A_673 = arith.constant 1 : i32
      %dma_wait3A_674 = arith.constant 0 : i32
      %dma_wait3A_675 = arith.constant 0 : i32
      %dma_wait3A_676 = tpu.memref_slice %arg7[%dma_wait3A_672, %dma_wait3A_674, %dma_wait3A_675] : memref<8x50x32xf32, #tpu.memory_space<vmem>> -> memref<1x50x32xf32, #tpu.memory_space<vmem>>
      %dma_wait3A_677 = tpu.memref_squeeze %dma_wait3A_676 : memref<1x50x32xf32, #tpu.memory_space<vmem>> -> memref<50x32xf32, #tpu.memory_space<vmem>>
      %dma_wait3A_678 = arith.constant 0 : i32
      %dma_wait3A_679 = tpu.memref_slice %arg5[%dma_wait3A_671, %dma_wait3A_678] : memref<512x50xi32, #tpu.memory_space<vmem>> -> memref<1x50xi32, #tpu.memory_space<vmem>>
      %dma_wait3A_680 = tpu.memref_squeeze %dma_wait3A_679 : memref<1x50xi32, #tpu.memory_space<vmem>> -> memref<50xi32, #tpu.memory_space<vmem>>
      %dma_wait3A_681 = arith.constant 0 : i32
      %dma_wait3A_682 = arith.constant 0 : i32
      %dma_wait3A_683 = tpu.memref_slice %arg3[%dma_wait3A_681, %dma_wait3A_682] : memref<1000000x32xf32, #tpu.memory_space<hbm>> -> memref<1000000x32xf32, #tpu.memory_space<hbm>>
      %dma_wait3A_684 = tpu.memref_slice %arg10[%dma_wait3A_673] : memref<4x!tpu.dma_semaphore, #tpu.memory_space<semaphore_mem>> -> memref<1x!tpu.dma_semaphore, #tpu.memory_space<semaphore_mem>>
      %dma_wait3A_685 = tpu.memref_squeeze %dma_wait3A_684 : memref<1x!tpu.dma_semaphore, #tpu.memory_space<semaphore_mem>> -> memref<!tpu.dma_semaphore, #tpu.memory_space<semaphore_mem>>
      tpu.wait_indirect_dma semaphore(%dma_wait3A_685 : memref<!tpu.dma_semaphore, #tpu.memory_space<semaphore_mem>>) src(%dma_wait3A_683 : memref<1000000x32xf32, #tpu.memory_space<hbm>>) dst(%dma_wait3A_677 : memref<50x32xf32, #tpu.memory_space<vmem>>)
      %dma_wait3A_686 = arith.constant 1 : i32
      %dma_wait3A_687 = arith.constant 1 : i32
      %dma_wait3A_688 = arith.constant 1 : i32
      %dma_wait3A_689 = arith.constant 0 : i32
      %dma_wait3A_690 = arith.constant 0 : i32
      %dma_wait3A_691 = tpu.memref_slice %arg7[%dma_wait3A_687, %dma_wait3A_689, %dma_wait3A_690] : memref<8x50x32xf32, #tpu.memory_space<vmem>> -> memref<1x50x32xf32, #tpu.memory_space<vmem>>
      %dma_wait3A_692 = tpu.memref_squeeze %dma_wait3A_691 : memref<1x50x32xf32, #tpu.memory_space<vmem>> -> memref<50x32xf32, #tpu.memory_space<vmem>>
      %dma_wait3A_693 = arith.constant 0 : i32
      %dma_wait3A_694 = tpu.memref_slice %arg5[%dma_wait3A_686, %dma_wait3A_693] : memref<512x50xi32, #tpu.memory_space<vmem>> -> memref<1x50xi32, #tpu.memory_space<vmem>>
      %dma_wait3A_695 = tpu.memref_squeeze %dma_wait3A_694 : memref<1x50xi32, #tpu.memory_space<vmem>> -> memref<50xi32, #tpu.memory_space<vmem>>
      %dma_wait3A_696 = arith.constant 0 : i32
      %dma_wait3A_697 = arith.constant 0 : i32
      %dma_wait3A_698 = tpu.memref_slice %arg3[%dma_wait3A_696, %dma_wait3A_697] : memref<1000000x32xf32, #tpu.memory_space<hbm>> -> memref<1000000x32xf32, #tpu.memory_space<hbm>>
      %dma_wait3A_699 = tpu.memref_slice %arg10[%dma_wait3A_688] : memref<4x!tpu.dma_semaphore, #tpu.memory_space<semaphore_mem>> -> memref<1x!tpu.dma_semaphore, #tpu.memory_space<semaphore_mem>>
      %dma_wait3A_700 = tpu.memref_squeeze %dma_wait3A_699 : memref<1x!tpu.dma_semaphore, #tpu.memory_space<semaphore_mem>> -> memref<!tpu.dma_semaphore, #tpu.memory_space<semaphore_mem>>
      tpu.wait_indirect_dma semaphore(%dma_wait3A_700 : memref<!tpu.dma_semaphore, #tpu.memory_space<semaphore_mem>>) src(%dma_wait3A_698 : memref<1000000x32xf32, #tpu.memory_space<hbm>>) dst(%dma_wait3A_692 : memref<50x32xf32, #tpu.memory_space<vmem>>)
      %dma_wait3A_701 = arith.constant 2 : i32
      %dma_wait3A_702 = arith.constant 2 : i32
      %dma_wait3A_703 = arith.constant 1 : i32
      %dma_wait3A_704 = arith.constant 0 : i32
      %dma_wait3A_705 = arith.constant 0 : i32
      %dma_wait3A_706 = tpu.memref_slice %arg7[%dma_wait3A_702, %dma_wait3A_704, %dma_wait3A_705] : memref<8x50x32xf32, #tpu.memory_space<vmem>> -> memref<1x50x32xf32, #tpu.memory_space<vmem>>
      %dma_wait3A_707 = tpu.memref_squeeze %dma_wait3A_706 : memref<1x50x32xf32, #tpu.memory_space<vmem>> -> memref<50x32xf32, #tpu.memory_space<vmem>>
      %dma_wait3A_708 = arith.constant 0 : i32
      %dma_wait3A_709 = tpu.memref_slice %arg5[%dma_wait3A_701, %dma_wait3A_708] : memref<512x50xi32, #tpu.memory_space<vmem>> -> memref<1x50xi32, #tpu.memory_space<vmem>>
      %dma_wait3A_710 = tpu.memref_squeeze %dma_wait3A_709 : memref<1x50xi32, #tpu.memory_space<vmem>> -> memref<50xi32, #tpu.memory_space<vmem>>
      %dma_wait3A_711 = arith.constant 0 : i32
      %dma_wait3A_712 = arith.constant 0 : i32
      %dma_wait3A_713 = tpu.memref_slice %arg3[%dma_wait3A_711, %dma_wait3A_712] : memref<1000000x32xf32, #tpu.memory_space<hbm>> -> memref<1000000x32xf32, #tpu.memory_space<hbm>>
      %dma_wait3A_714 = tpu.memref_slice %arg10[%dma_wait3A_703] : memref<4x!tpu.dma_semaphore, #tpu.memory_space<semaphore_mem>> -> memref<1x!tpu.dma_semaphore, #tpu.memory_space<semaphore_mem>>
      %dma_wait3A_715 = tpu.memref_squeeze %dma_wait3A_714 : memref<1x!tpu.dma_semaphore, #tpu.memory_space<semaphore_mem>> -> memref<!tpu.dma_semaphore, #tpu.memory_space<semaphore_mem>>
      tpu.wait_indirect_dma semaphore(%dma_wait3A_715 : memref<!tpu.dma_semaphore, #tpu.memory_space<semaphore_mem>>) src(%dma_wait3A_713 : memref<1000000x32xf32, #tpu.memory_space<hbm>>) dst(%dma_wait3A_707 : memref<50x32xf32, #tpu.memory_space<vmem>>)
      %dma_wait3A_716 = arith.constant 3 : i32
      %dma_wait3A_717 = arith.constant 3 : i32
      %dma_wait3A_718 = arith.constant 1 : i32
      %dma_wait3A_719 = arith.constant 0 : i32
      %dma_wait3A_720 = arith.constant 0 : i32
      %dma_wait3A_721 = tpu.memref_slice %arg7[%dma_wait3A_717, %dma_wait3A_719, %dma_wait3A_720] : memref<8x50x32xf32, #tpu.memory_space<vmem>> -> memref<1x50x32xf32, #tpu.memory_space<vmem>>
      %dma_wait3A_722 = tpu.memref_squeeze %dma_wait3A_721 : memref<1x50x32xf32, #tpu.memory_space<vmem>> -> memref<50x32xf32, #tpu.memory_space<vmem>>
      %dma_wait3A_723 = arith.constant 0 : i32
      %dma_wait3A_724 = tpu.memref_slice %arg5[%dma_wait3A_716, %dma_wait3A_723] : memref<512x50xi32, #tpu.memory_space<vmem>> -> memref<1x50xi32, #tpu.memory_space<vmem>>
      %dma_wait3A_725 = tpu.memref_squeeze %dma_wait3A_724 : memref<1x50xi32, #tpu.memory_space<vmem>> -> memref<50xi32, #tpu.memory_space<vmem>>
      %dma_wait3A_726 = arith.constant 0 : i32
      %dma_wait3A_727 = arith.constant 0 : i32
      %dma_wait3A_728 = tpu.memref_slice %arg3[%dma_wait3A_726, %dma_wait3A_727] : memref<1000000x32xf32, #tpu.memory_space<hbm>> -> memref<1000000x32xf32, #tpu.memory_space<hbm>>
      %dma_wait3A_729 = tpu.memref_slice %arg10[%dma_wait3A_718] : memref<4x!tpu.dma_semaphore, #tpu.memory_space<semaphore_mem>> -> memref<1x!tpu.dma_semaphore, #tpu.memory_space<semaphore_mem>>
      %dma_wait3A_730 = tpu.memref_squeeze %dma_wait3A_729 : memref<1x!tpu.dma_semaphore, #tpu.memory_space<semaphore_mem>> -> memref<!tpu.dma_semaphore, #tpu.memory_space<semaphore_mem>>
      tpu.wait_indirect_dma semaphore(%dma_wait3A_730 : memref<!tpu.dma_semaphore, #tpu.memory_space<semaphore_mem>>) src(%dma_wait3A_728 : memref<1000000x32xf32, #tpu.memory_space<hbm>>) dst(%dma_wait3A_722 : memref<50x32xf32, #tpu.memory_space<vmem>>)
      %dma_wait3A_731 = arith.constant 4 : i32
      %dma_wait3A_732 = arith.constant 4 : i32
      %dma_wait3A_733 = arith.constant 1 : i32
      %dma_wait3A_734 = arith.constant 0 : i32
      %dma_wait3A_735 = arith.constant 0 : i32
      %dma_wait3A_736 = tpu.memref_slice %arg7[%dma_wait3A_732, %dma_wait3A_734, %dma_wait3A_735] : memref<8x50x32xf32, #tpu.memory_space<vmem>> -> memref<1x50x32xf32, #tpu.memory_space<vmem>>
      %dma_wait3A_737 = tpu.memref_squeeze %dma_wait3A_736 : memref<1x50x32xf32, #tpu.memory_space<vmem>> -> memref<50x32xf32, #tpu.memory_space<vmem>>
      %dma_wait3A_738 = arith.constant 0 : i32
      %dma_wait3A_739 = tpu.memref_slice %arg5[%dma_wait3A_731, %dma_wait3A_738] : memref<512x50xi32, #tpu.memory_space<vmem>> -> memref<1x50xi32, #tpu.memory_space<vmem>>
      %dma_wait3A_740 = tpu.memref_squeeze %dma_wait3A_739 : memref<1x50xi32, #tpu.memory_space<vmem>> -> memref<50xi32, #tpu.memory_space<vmem>>
      %dma_wait3A_741 = arith.constant 0 : i32
      %dma_wait3A_742 = arith.constant 0 : i32
      %dma_wait3A_743 = tpu.memref_slice %arg3[%dma_wait3A_741, %dma_wait3A_742] : memref<1000000x32xf32, #tpu.memory_space<hbm>> -> memref<1000000x32xf32, #tpu.memory_space<hbm>>
      %dma_wait3A_744 = tpu.memref_slice %arg10[%dma_wait3A_733] : memref<4x!tpu.dma_semaphore, #tpu.memory_space<semaphore_mem>> -> memref<1x!tpu.dma_semaphore, #tpu.memory_space<semaphore_mem>>
      %dma_wait3A_745 = tpu.memref_squeeze %dma_wait3A_744 : memref<1x!tpu.dma_semaphore, #tpu.memory_space<semaphore_mem>> -> memref<!tpu.dma_semaphore, #tpu.memory_space<semaphore_mem>>
      tpu.wait_indirect_dma semaphore(%dma_wait3A_745 : memref<!tpu.dma_semaphore, #tpu.memory_space<semaphore_mem>>) src(%dma_wait3A_743 : memref<1000000x32xf32, #tpu.memory_space<hbm>>) dst(%dma_wait3A_737 : memref<50x32xf32, #tpu.memory_space<vmem>>)
      %dma_wait3A_746 = arith.constant 5 : i32
      %dma_wait3A_747 = arith.constant 5 : i32
      %dma_wait3A_748 = arith.constant 1 : i32
      %dma_wait3A_749 = arith.constant 0 : i32
      %dma_wait3A_750 = arith.constant 0 : i32
      %dma_wait3A_751 = tpu.memref_slice %arg7[%dma_wait3A_747, %dma_wait3A_749, %dma_wait3A_750] : memref<8x50x32xf32, #tpu.memory_space<vmem>> -> memref<1x50x32xf32, #tpu.memory_space<vmem>>
      %dma_wait3A_752 = tpu.memref_squeeze %dma_wait3A_751 : memref<1x50x32xf32, #tpu.memory_space<vmem>> -> memref<50x32xf32, #tpu.memory_space<vmem>>
      %dma_wait3A_753 = arith.constant 0 : i32
      %dma_wait3A_754 = tpu.memref_slice %arg5[%dma_wait3A_746, %dma_wait3A_753] : memref<512x50xi32, #tpu.memory_space<vmem>> -> memref<1x50xi32, #tpu.memory_space<vmem>>
      %dma_wait3A_755 = tpu.memref_squeeze %dma_wait3A_754 : memref<1x50xi32, #tpu.memory_space<vmem>> -> memref<50xi32, #tpu.memory_space<vmem>>
      %dma_wait3A_756 = arith.constant 0 : i32
      %dma_wait3A_757 = arith.constant 0 : i32
      %dma_wait3A_758 = tpu.memref_slice %arg3[%dma_wait3A_756, %dma_wait3A_757] : memref<1000000x32xf32, #tpu.memory_space<hbm>> -> memref<1000000x32xf32, #tpu.memory_space<hbm>>
      %dma_wait3A_759 = tpu.memref_slice %arg10[%dma_wait3A_748] : memref<4x!tpu.dma_semaphore, #tpu.memory_space<semaphore_mem>> -> memref<1x!tpu.dma_semaphore, #tpu.memory_space<semaphore_mem>>
      %dma_wait3A_760 = tpu.memref_squeeze %dma_wait3A_759 : memref<1x!tpu.dma_semaphore, #tpu.memory_space<semaphore_mem>> -> memref<!tpu.dma_semaphore, #tpu.memory_space<semaphore_mem>>
      tpu.wait_indirect_dma semaphore(%dma_wait3A_760 : memref<!tpu.dma_semaphore, #tpu.memory_space<semaphore_mem>>) src(%dma_wait3A_758 : memref<1000000x32xf32, #tpu.memory_space<hbm>>) dst(%dma_wait3A_752 : memref<50x32xf32, #tpu.memory_space<vmem>>)
      %dma_wait3A_761 = arith.constant 6 : i32
      %dma_wait3A_762 = arith.constant 6 : i32
      %dma_wait3A_763 = arith.constant 1 : i32
      %dma_wait3A_764 = arith.constant 0 : i32
      %dma_wait3A_765 = arith.constant 0 : i32
      %dma_wait3A_766 = tpu.memref_slice %arg7[%dma_wait3A_762, %dma_wait3A_764, %dma_wait3A_765] : memref<8x50x32xf32, #tpu.memory_space<vmem>> -> memref<1x50x32xf32, #tpu.memory_space<vmem>>
      %dma_wait3A_767 = tpu.memref_squeeze %dma_wait3A_766 : memref<1x50x32xf32, #tpu.memory_space<vmem>> -> memref<50x32xf32, #tpu.memory_space<vmem>>
      %dma_wait3A_768 = arith.constant 0 : i32
      %dma_wait3A_769 = tpu.memref_slice %arg5[%dma_wait3A_761, %dma_wait3A_768] : memref<512x50xi32, #tpu.memory_space<vmem>> -> memref<1x50xi32, #tpu.memory_space<vmem>>
      %dma_wait3A_770 = tpu.memref_squeeze %dma_wait3A_769 : memref<1x50xi32, #tpu.memory_space<vmem>> -> memref<50xi32, #tpu.memory_space<vmem>>
      %dma_wait3A_771 = arith.constant 0 : i32
      %dma_wait3A_772 = arith.constant 0 : i32
      %dma_wait3A_773 = tpu.memref_slice %arg3[%dma_wait3A_771, %dma_wait3A_772] : memref<1000000x32xf32, #tpu.memory_space<hbm>> -> memref<1000000x32xf32, #tpu.memory_space<hbm>>
      %dma_wait3A_774 = tpu.memref_slice %arg10[%dma_wait3A_763] : memref<4x!tpu.dma_semaphore, #tpu.memory_space<semaphore_mem>> -> memref<1x!tpu.dma_semaphore, #tpu.memory_space<semaphore_mem>>
      %dma_wait3A_775 = tpu.memref_squeeze %dma_wait3A_774 : memref<1x!tpu.dma_semaphore, #tpu.memory_space<semaphore_mem>> -> memref<!tpu.dma_semaphore, #tpu.memory_space<semaphore_mem>>
      tpu.wait_indirect_dma semaphore(%dma_wait3A_775 : memref<!tpu.dma_semaphore, #tpu.memory_space<semaphore_mem>>) src(%dma_wait3A_773 : memref<1000000x32xf32, #tpu.memory_space<hbm>>) dst(%dma_wait3A_767 : memref<50x32xf32, #tpu.memory_space<vmem>>)
      %dma_wait3A_776 = arith.constant 7 : i32
      %dma_wait3A_777 = arith.constant 7 : i32
      %dma_wait3A_778 = arith.constant 1 : i32
      %dma_wait3A_779 = arith.constant 0 : i32
      %dma_wait3A_780 = arith.constant 0 : i32
      %dma_wait3A_781 = tpu.memref_slice %arg7[%dma_wait3A_777, %dma_wait3A_779, %dma_wait3A_780] : memref<8x50x32xf32, #tpu.memory_space<vmem>> -> memref<1x50x32xf32, #tpu.memory_space<vmem>>
      %dma_wait3A_782 = tpu.memref_squeeze %dma_wait3A_781 : memref<1x50x32xf32, #tpu.memory_space<vmem>> -> memref<50x32xf32, #tpu.memory_space<vmem>>
      %dma_wait3A_783 = arith.constant 0 : i32
      %dma_wait3A_784 = tpu.memref_slice %arg5[%dma_wait3A_776, %dma_wait3A_783] : memref<512x50xi32, #tpu.memory_space<vmem>> -> memref<1x50xi32, #tpu.memory_space<vmem>>
      %dma_wait3A_785 = tpu.memref_squeeze %dma_wait3A_784 : memref<1x50xi32, #tpu.memory_space<vmem>> -> memref<50xi32, #tpu.memory_space<vmem>>
      %dma_wait3A_786 = arith.constant 0 : i32
      %dma_wait3A_787 = arith.constant 0 : i32
      %dma_wait3A_788 = tpu.memref_slice %arg3[%dma_wait3A_786, %dma_wait3A_787] : memref<1000000x32xf32, #tpu.memory_space<hbm>> -> memref<1000000x32xf32, #tpu.memory_space<hbm>>
      %dma_wait3A_789 = tpu.memref_slice %arg10[%dma_wait3A_778] : memref<4x!tpu.dma_semaphore, #tpu.memory_space<semaphore_mem>> -> memref<1x!tpu.dma_semaphore, #tpu.memory_space<semaphore_mem>>
      %dma_wait3A_790 = tpu.memref_squeeze %dma_wait3A_789 : memref<1x!tpu.dma_semaphore, #tpu.memory_space<semaphore_mem>> -> memref<!tpu.dma_semaphore, #tpu.memory_space<semaphore_mem>>
      tpu.wait_indirect_dma semaphore(%dma_wait3A_790 : memref<!tpu.dma_semaphore, #tpu.memory_space<semaphore_mem>>) src(%dma_wait3A_788 : memref<1000000x32xf32, #tpu.memory_space<hbm>>) dst(%dma_wait3A_782 : memref<50x32xf32, #tpu.memory_space<vmem>>)
      %mul3A_791 = arith.constant 8 : i32
      %mul3A_792 = arith.muli %add3A_670, %mul3A_791 : i32
      %add3A_793 = arith.addi %mul3A_2, %mul3A_792 : i32
      %dma_start3A_794 = arith.constant 1 : i32
      %dma_start3A_795 = arith.constant 0 : i32
      %dma_start3A_796 = arith.constant 0 : i32
      %dma_start3A_797 = tpu.memref_slice %arg4[%add3A_793, %dma_start3A_795, %dma_start3A_796] : memref<16384x56x128xf32, #tpu.memory_space<hbm>> -> memref<8x50x32xf32, #tpu.memory_space<hbm>>
      %dma_start3A_798 = tpu.memref_slice %arg11[%dma_start3A_794] : memref<4x!tpu.dma_semaphore, #tpu.memory_space<semaphore_mem>> -> memref<1x!tpu.dma_semaphore, #tpu.memory_space<semaphore_mem>>
      %dma_start3A_799 = tpu.memref_squeeze %dma_start3A_798 : memref<1x!tpu.dma_semaphore, #tpu.memory_space<semaphore_mem>> -> memref<!tpu.dma_semaphore, #tpu.memory_space<semaphore_mem>>
      %dma_start3A_800 = arith.constant 0 : i32
      %dma_start3A_801 = arith.constant 0 : i32
      %dma_start3A_802 = tpu.memref_slice %arg4[%add3A_793, %dma_start3A_800, %dma_start3A_801] : memref<16384x56x128xf32, #tpu.memory_space<hbm>> -> memref<8x50x32xf32, #tpu.memory_space<hbm>>
      tpu.enqueue_dma source(%arg7 : memref<8x50x32xf32, #tpu.memory_space<vmem>>) target(%dma_start3A_802 : memref<8x50x32xf32, #tpu.memory_space<hbm>>) target_semaphore(%dma_start3A_799 : memref<!tpu.dma_semaphore, #tpu.memory_space<semaphore_mem>>)
      %mul3A_803 = arith.constant 4 : i32
      %mul3A_804 = arith.muli %scan3A_530, %mul3A_803 : i32
      %add3A_805 = arith.constant 2 : i32
      %add3A_806 = arith.addi %mul3A_804, %add3A_805 : i32
      %dma_wait3A_807 = arith.constant 0 : i32
      %dma_wait3A_808 = arith.constant 0 : i32
      %dma_wait3A_809 = arith.constant 2 : i32
      %dma_wait3A_810 = arith.constant 0 : i32
      %dma_wait3A_811 = arith.constant 0 : i32
      %dma_wait3A_812 = tpu.memref_slice %arg8[%dma_wait3A_808, %dma_wait3A_810, %dma_wait3A_811] : memref<8x50x32xf32, #tpu.memory_space<vmem>> -> memref<1x50x32xf32, #tpu.memory_space<vmem>>
      %dma_wait3A_813 = tpu.memref_squeeze %dma_wait3A_812 : memref<1x50x32xf32, #tpu.memory_space<vmem>> -> memref<50x32xf32, #tpu.memory_space<vmem>>
      %dma_wait3A_814 = arith.constant 0 : i32
      %dma_wait3A_815 = tpu.memref_slice %arg5[%dma_wait3A_807, %dma_wait3A_814] : memref<512x50xi32, #tpu.memory_space<vmem>> -> memref<1x50xi32, #tpu.memory_space<vmem>>
      %dma_wait3A_816 = tpu.memref_squeeze %dma_wait3A_815 : memref<1x50xi32, #tpu.memory_space<vmem>> -> memref<50xi32, #tpu.memory_space<vmem>>
      %dma_wait3A_817 = arith.constant 0 : i32
      %dma_wait3A_818 = arith.constant 0 : i32
      %dma_wait3A_819 = tpu.memref_slice %arg3[%dma_wait3A_817, %dma_wait3A_818] : memref<1000000x32xf32, #tpu.memory_space<hbm>> -> memref<1000000x32xf32, #tpu.memory_space<hbm>>
      %dma_wait3A_820 = tpu.memref_slice %arg10[%dma_wait3A_809] : memref<4x!tpu.dma_semaphore, #tpu.memory_space<semaphore_mem>> -> memref<1x!tpu.dma_semaphore, #tpu.memory_space<semaphore_mem>>
      %dma_wait3A_821 = tpu.memref_squeeze %dma_wait3A_820 : memref<1x!tpu.dma_semaphore, #tpu.memory_space<semaphore_mem>> -> memref<!tpu.dma_semaphore, #tpu.memory_space<semaphore_mem>>
      tpu.wait_indirect_dma semaphore(%dma_wait3A_821 : memref<!tpu.dma_semaphore, #tpu.memory_space<semaphore_mem>>) src(%dma_wait3A_819 : memref<1000000x32xf32, #tpu.memory_space<hbm>>) dst(%dma_wait3A_813 : memref<50x32xf32, #tpu.memory_space<vmem>>)
      %dma_wait3A_822 = arith.constant 1 : i32
      %dma_wait3A_823 = arith.constant 1 : i32
      %dma_wait3A_824 = arith.constant 2 : i32
      %dma_wait3A_825 = arith.constant 0 : i32
      %dma_wait3A_826 = arith.constant 0 : i32
      %dma_wait3A_827 = tpu.memref_slice %arg8[%dma_wait3A_823, %dma_wait3A_825, %dma_wait3A_826] : memref<8x50x32xf32, #tpu.memory_space<vmem>> -> memref<1x50x32xf32, #tpu.memory_space<vmem>>
      %dma_wait3A_828 = tpu.memref_squeeze %dma_wait3A_827 : memref<1x50x32xf32, #tpu.memory_space<vmem>> -> memref<50x32xf32, #tpu.memory_space<vmem>>
      %dma_wait3A_829 = arith.constant 0 : i32
      %dma_wait3A_830 = tpu.memref_slice %arg5[%dma_wait3A_822, %dma_wait3A_829] : memref<512x50xi32, #tpu.memory_space<vmem>> -> memref<1x50xi32, #tpu.memory_space<vmem>>
      %dma_wait3A_831 = tpu.memref_squeeze %dma_wait3A_830 : memref<1x50xi32, #tpu.memory_space<vmem>> -> memref<50xi32, #tpu.memory_space<vmem>>
      %dma_wait3A_832 = arith.constant 0 : i32
      %dma_wait3A_833 = arith.constant 0 : i32
      %dma_wait3A_834 = tpu.memref_slice %arg3[%dma_wait3A_832, %dma_wait3A_833] : memref<1000000x32xf32, #tpu.memory_space<hbm>> -> memref<1000000x32xf32, #tpu.memory_space<hbm>>
      %dma_wait3A_835 = tpu.memref_slice %arg10[%dma_wait3A_824] : memref<4x!tpu.dma_semaphore, #tpu.memory_space<semaphore_mem>> -> memref<1x!tpu.dma_semaphore, #tpu.memory_space<semaphore_mem>>
      %dma_wait3A_836 = tpu.memref_squeeze %dma_wait3A_835 : memref<1x!tpu.dma_semaphore, #tpu.memory_space<semaphore_mem>> -> memref<!tpu.dma_semaphore, #tpu.memory_space<semaphore_mem>>
      tpu.wait_indirect_dma semaphore(%dma_wait3A_836 : memref<!tpu.dma_semaphore, #tpu.memory_space<semaphore_mem>>) src(%dma_wait3A_834 : memref<1000000x32xf32, #tpu.memory_space<hbm>>) dst(%dma_wait3A_828 : memref<50x32xf32, #tpu.memory_space<vmem>>)
      %dma_wait3A_837 = arith.constant 2 : i32
      %dma_wait3A_838 = arith.constant 2 : i32
      %dma_wait3A_839 = arith.constant 2 : i32
      %dma_wait3A_840 = arith.constant 0 : i32
      %dma_wait3A_841 = arith.constant 0 : i32
      %dma_wait3A_842 = tpu.memref_slice %arg8[%dma_wait3A_838, %dma_wait3A_840, %dma_wait3A_841] : memref<8x50x32xf32, #tpu.memory_space<vmem>> -> memref<1x50x32xf32, #tpu.memory_space<vmem>>
      %dma_wait3A_843 = tpu.memref_squeeze %dma_wait3A_842 : memref<1x50x32xf32, #tpu.memory_space<vmem>> -> memref<50x32xf32, #tpu.memory_space<vmem>>
      %dma_wait3A_844 = arith.constant 0 : i32
      %dma_wait3A_845 = tpu.memref_slice %arg5[%dma_wait3A_837, %dma_wait3A_844] : memref<512x50xi32, #tpu.memory_space<vmem>> -> memref<1x50xi32, #tpu.memory_space<vmem>>
      %dma_wait3A_846 = tpu.memref_squeeze %dma_wait3A_845 : memref<1x50xi32, #tpu.memory_space<vmem>> -> memref<50xi32, #tpu.memory_space<vmem>>
      %dma_wait3A_847 = arith.constant 0 : i32
      %dma_wait3A_848 = arith.constant 0 : i32
      %dma_wait3A_849 = tpu.memref_slice %arg3[%dma_wait3A_847, %dma_wait3A_848] : memref<1000000x32xf32, #tpu.memory_space<hbm>> -> memref<1000000x32xf32, #tpu.memory_space<hbm>>
      %dma_wait3A_850 = tpu.memref_slice %arg10[%dma_wait3A_839] : memref<4x!tpu.dma_semaphore, #tpu.memory_space<semaphore_mem>> -> memref<1x!tpu.dma_semaphore, #tpu.memory_space<semaphore_mem>>
      %dma_wait3A_851 = tpu.memref_squeeze %dma_wait3A_850 : memref<1x!tpu.dma_semaphore, #tpu.memory_space<semaphore_mem>> -> memref<!tpu.dma_semaphore, #tpu.memory_space<semaphore_mem>>
      tpu.wait_indirect_dma semaphore(%dma_wait3A_851 : memref<!tpu.dma_semaphore, #tpu.memory_space<semaphore_mem>>) src(%dma_wait3A_849 : memref<1000000x32xf32, #tpu.memory_space<hbm>>) dst(%dma_wait3A_843 : memref<50x32xf32, #tpu.memory_space<vmem>>)
      %dma_wait3A_852 = arith.constant 3 : i32
      %dma_wait3A_853 = arith.constant 3 : i32
      %dma_wait3A_854 = arith.constant 2 : i32
      %dma_wait3A_855 = arith.constant 0 : i32
      %dma_wait3A_856 = arith.constant 0 : i32
      %dma_wait3A_857 = tpu.memref_slice %arg8[%dma_wait3A_853, %dma_wait3A_855, %dma_wait3A_856] : memref<8x50x32xf32, #tpu.memory_space<vmem>> -> memref<1x50x32xf32, #tpu.memory_space<vmem>>
      %dma_wait3A_858 = tpu.memref_squeeze %dma_wait3A_857 : memref<1x50x32xf32, #tpu.memory_space<vmem>> -> memref<50x32xf32, #tpu.memory_space<vmem>>
      %dma_wait3A_859 = arith.constant 0 : i32
      %dma_wait3A_860 = tpu.memref_slice %arg5[%dma_wait3A_852, %dma_wait3A_859] : memref<512x50xi32, #tpu.memory_space<vmem>> -> memref<1x50xi32, #tpu.memory_space<vmem>>
      %dma_wait3A_861 = tpu.memref_squeeze %dma_wait3A_860 : memref<1x50xi32, #tpu.memory_space<vmem>> -> memref<50xi32, #tpu.memory_space<vmem>>
      %dma_wait3A_862 = arith.constant 0 : i32
      %dma_wait3A_863 = arith.constant 0 : i32
      %dma_wait3A_864 = tpu.memref_slice %arg3[%dma_wait3A_862, %dma_wait3A_863] : memref<1000000x32xf32, #tpu.memory_space<hbm>> -> memref<1000000x32xf32, #tpu.memory_space<hbm>>
      %dma_wait3A_865 = tpu.memref_slice %arg10[%dma_wait3A_854] : memref<4x!tpu.dma_semaphore, #tpu.memory_space<semaphore_mem>> -> memref<1x!tpu.dma_semaphore, #tpu.memory_space<semaphore_mem>>
      %dma_wait3A_866 = tpu.memref_squeeze %dma_wait3A_865 : memref<1x!tpu.dma_semaphore, #tpu.memory_space<semaphore_mem>> -> memref<!tpu.dma_semaphore, #tpu.memory_space<semaphore_mem>>
      tpu.wait_indirect_dma semaphore(%dma_wait3A_866 : memref<!tpu.dma_semaphore, #tpu.memory_space<semaphore_mem>>) src(%dma_wait3A_864 : memref<1000000x32xf32, #tpu.memory_space<hbm>>) dst(%dma_wait3A_858 : memref<50x32xf32, #tpu.memory_space<vmem>>)
      %dma_wait3A_867 = arith.constant 4 : i32
      %dma_wait3A_868 = arith.constant 4 : i32
      %dma_wait3A_869 = arith.constant 2 : i32
      %dma_wait3A_870 = arith.constant 0 : i32
      %dma_wait3A_871 = arith.constant 0 : i32
      %dma_wait3A_872 = tpu.memref_slice %arg8[%dma_wait3A_868, %dma_wait3A_870, %dma_wait3A_871] : memref<8x50x32xf32, #tpu.memory_space<vmem>> -> memref<1x50x32xf32, #tpu.memory_space<vmem>>
      %dma_wait3A_873 = tpu.memref_squeeze %dma_wait3A_872 : memref<1x50x32xf32, #tpu.memory_space<vmem>> -> memref<50x32xf32, #tpu.memory_space<vmem>>
      %dma_wait3A_874 = arith.constant 0 : i32
      %dma_wait3A_875 = tpu.memref_slice %arg5[%dma_wait3A_867, %dma_wait3A_874] : memref<512x50xi32, #tpu.memory_space<vmem>> -> memref<1x50xi32, #tpu.memory_space<vmem>>
      %dma_wait3A_876 = tpu.memref_squeeze %dma_wait3A_875 : memref<1x50xi32, #tpu.memory_space<vmem>> -> memref<50xi32, #tpu.memory_space<vmem>>
      %dma_wait3A_877 = arith.constant 0 : i32
      %dma_wait3A_878 = arith.constant 0 : i32
      %dma_wait3A_879 = tpu.memref_slice %arg3[%dma_wait3A_877, %dma_wait3A_878] : memref<1000000x32xf32, #tpu.memory_space<hbm>> -> memref<1000000x32xf32, #tpu.memory_space<hbm>>
      %dma_wait3A_880 = tpu.memref_slice %arg10[%dma_wait3A_869] : memref<4x!tpu.dma_semaphore, #tpu.memory_space<semaphore_mem>> -> memref<1x!tpu.dma_semaphore, #tpu.memory_space<semaphore_mem>>
      %dma_wait3A_881 = tpu.memref_squeeze %dma_wait3A_880 : memref<1x!tpu.dma_semaphore, #tpu.memory_space<semaphore_mem>> -> memref<!tpu.dma_semaphore, #tpu.memory_space<semaphore_mem>>
      tpu.wait_indirect_dma semaphore(%dma_wait3A_881 : memref<!tpu.dma_semaphore, #tpu.memory_space<semaphore_mem>>) src(%dma_wait3A_879 : memref<1000000x32xf32, #tpu.memory_space<hbm>>) dst(%dma_wait3A_873 : memref<50x32xf32, #tpu.memory_space<vmem>>)
      %dma_wait3A_882 = arith.constant 5 : i32
      %dma_wait3A_883 = arith.constant 5 : i32
      %dma_wait3A_884 = arith.constant 2 : i32
      %dma_wait3A_885 = arith.constant 0 : i32
      %dma_wait3A_886 = arith.constant 0 : i32
      %dma_wait3A_887 = tpu.memref_slice %arg8[%dma_wait3A_883, %dma_wait3A_885, %dma_wait3A_886] : memref<8x50x32xf32, #tpu.memory_space<vmem>> -> memref<1x50x32xf32, #tpu.memory_space<vmem>>
      %dma_wait3A_888 = tpu.memref_squeeze %dma_wait3A_887 : memref<1x50x32xf32, #tpu.memory_space<vmem>> -> memref<50x32xf32, #tpu.memory_space<vmem>>
      %dma_wait3A_889 = arith.constant 0 : i32
      %dma_wait3A_890 = tpu.memref_slice %arg5[%dma_wait3A_882, %dma_wait3A_889] : memref<512x50xi32, #tpu.memory_space<vmem>> -> memref<1x50xi32, #tpu.memory_space<vmem>>
      %dma_wait3A_891 = tpu.memref_squeeze %dma_wait3A_890 : memref<1x50xi32, #tpu.memory_space<vmem>> -> memref<50xi32, #tpu.memory_space<vmem>>
      %dma_wait3A_892 = arith.constant 0 : i32
      %dma_wait3A_893 = arith.constant 0 : i32
      %dma_wait3A_894 = tpu.memref_slice %arg3[%dma_wait3A_892, %dma_wait3A_893] : memref<1000000x32xf32, #tpu.memory_space<hbm>> -> memref<1000000x32xf32, #tpu.memory_space<hbm>>
      %dma_wait3A_895 = tpu.memref_slice %arg10[%dma_wait3A_884] : memref<4x!tpu.dma_semaphore, #tpu.memory_space<semaphore_mem>> -> memref<1x!tpu.dma_semaphore, #tpu.memory_space<semaphore_mem>>
      %dma_wait3A_896 = tpu.memref_squeeze %dma_wait3A_895 : memref<1x!tpu.dma_semaphore, #tpu.memory_space<semaphore_mem>> -> memref<!tpu.dma_semaphore, #tpu.memory_space<semaphore_mem>>
      tpu.wait_indirect_dma semaphore(%dma_wait3A_896 : memref<!tpu.dma_semaphore, #tpu.memory_space<semaphore_mem>>) src(%dma_wait3A_894 : memref<1000000x32xf32, #tpu.memory_space<hbm>>) dst(%dma_wait3A_888 : memref<50x32xf32, #tpu.memory_space<vmem>>)
      %dma_wait3A_897 = arith.constant 6 : i32
      %dma_wait3A_898 = arith.constant 6 : i32
      %dma_wait3A_899 = arith.constant 2 : i32
      %dma_wait3A_900 = arith.constant 0 : i32
      %dma_wait3A_901 = arith.constant 0 : i32
      %dma_wait3A_902 = tpu.memref_slice %arg8[%dma_wait3A_898, %dma_wait3A_900, %dma_wait3A_901] : memref<8x50x32xf32, #tpu.memory_space<vmem>> -> memref<1x50x32xf32, #tpu.memory_space<vmem>>
      %dma_wait3A_903 = tpu.memref_squeeze %dma_wait3A_902 : memref<1x50x32xf32, #tpu.memory_space<vmem>> -> memref<50x32xf32, #tpu.memory_space<vmem>>
      %dma_wait3A_904 = arith.constant 0 : i32
      %dma_wait3A_905 = tpu.memref_slice %arg5[%dma_wait3A_897, %dma_wait3A_904] : memref<512x50xi32, #tpu.memory_space<vmem>> -> memref<1x50xi32, #tpu.memory_space<vmem>>
      %dma_wait3A_906 = tpu.memref_squeeze %dma_wait3A_905 : memref<1x50xi32, #tpu.memory_space<vmem>> -> memref<50xi32, #tpu.memory_space<vmem>>
      %dma_wait3A_907 = arith.constant 0 : i32
      %dma_wait3A_908 = arith.constant 0 : i32
      %dma_wait3A_909 = tpu.memref_slice %arg3[%dma_wait3A_907, %dma_wait3A_908] : memref<1000000x32xf32, #tpu.memory_space<hbm>> -> memref<1000000x32xf32, #tpu.memory_space<hbm>>
      %dma_wait3A_910 = tpu.memref_slice %arg10[%dma_wait3A_899] : memref<4x!tpu.dma_semaphore, #tpu.memory_space<semaphore_mem>> -> memref<1x!tpu.dma_semaphore, #tpu.memory_space<semaphore_mem>>
      %dma_wait3A_911 = tpu.memref_squeeze %dma_wait3A_910 : memref<1x!tpu.dma_semaphore, #tpu.memory_space<semaphore_mem>> -> memref<!tpu.dma_semaphore, #tpu.memory_space<semaphore_mem>>
      tpu.wait_indirect_dma semaphore(%dma_wait3A_911 : memref<!tpu.dma_semaphore, #tpu.memory_space<semaphore_mem>>) src(%dma_wait3A_909 : memref<1000000x32xf32, #tpu.memory_space<hbm>>) dst(%dma_wait3A_903 : memref<50x32xf32, #tpu.memory_space<vmem>>)
      %dma_wait3A_912 = arith.constant 7 : i32
      %dma_wait3A_913 = arith.constant 7 : i32
      %dma_wait3A_914 = arith.constant 2 : i32
      %dma_wait3A_915 = arith.constant 0 : i32
      %dma_wait3A_916 = arith.constant 0 : i32
      %dma_wait3A_917 = tpu.memref_slice %arg8[%dma_wait3A_913, %dma_wait3A_915, %dma_wait3A_916] : memref<8x50x32xf32, #tpu.memory_space<vmem>> -> memref<1x50x32xf32, #tpu.memory_space<vmem>>
      %dma_wait3A_918 = tpu.memref_squeeze %dma_wait3A_917 : memref<1x50x32xf32, #tpu.memory_space<vmem>> -> memref<50x32xf32, #tpu.memory_space<vmem>>
      %dma_wait3A_919 = arith.constant 0 : i32
      %dma_wait3A_920 = tpu.memref_slice %arg5[%dma_wait3A_912, %dma_wait3A_919] : memref<512x50xi32, #tpu.memory_space<vmem>> -> memref<1x50xi32, #tpu.memory_space<vmem>>
      %dma_wait3A_921 = tpu.memref_squeeze %dma_wait3A_920 : memref<1x50xi32, #tpu.memory_space<vmem>> -> memref<50xi32, #tpu.memory_space<vmem>>
      %dma_wait3A_922 = arith.constant 0 : i32
      %dma_wait3A_923 = arith.constant 0 : i32
      %dma_wait3A_924 = tpu.memref_slice %arg3[%dma_wait3A_922, %dma_wait3A_923] : memref<1000000x32xf32, #tpu.memory_space<hbm>> -> memref<1000000x32xf32, #tpu.memory_space<hbm>>
      %dma_wait3A_925 = tpu.memref_slice %arg10[%dma_wait3A_914] : memref<4x!tpu.dma_semaphore, #tpu.memory_space<semaphore_mem>> -> memref<1x!tpu.dma_semaphore, #tpu.memory_space<semaphore_mem>>
      %dma_wait3A_926 = tpu.memref_squeeze %dma_wait3A_925 : memref<1x!tpu.dma_semaphore, #tpu.memory_space<semaphore_mem>> -> memref<!tpu.dma_semaphore, #tpu.memory_space<semaphore_mem>>
      tpu.wait_indirect_dma semaphore(%dma_wait3A_926 : memref<!tpu.dma_semaphore, #tpu.memory_space<semaphore_mem>>) src(%dma_wait3A_924 : memref<1000000x32xf32, #tpu.memory_space<hbm>>) dst(%dma_wait3A_918 : memref<50x32xf32, #tpu.memory_space<vmem>>)
      %mul3A_927 = arith.constant 8 : i32
      %mul3A_928 = arith.muli %add3A_806, %mul3A_927 : i32
      %add3A_929 = arith.addi %mul3A_2, %mul3A_928 : i32
      %dma_start3A_930 = arith.constant 2 : i32
      %dma_start3A_931 = arith.constant 0 : i32
      %dma_start3A_932 = arith.constant 0 : i32
      %dma_start3A_933 = tpu.memref_slice %arg4[%add3A_929, %dma_start3A_931, %dma_start3A_932] : memref<16384x56x128xf32, #tpu.memory_space<hbm>> -> memref<8x50x32xf32, #tpu.memory_space<hbm>>
      %dma_start3A_934 = tpu.memref_slice %arg11[%dma_start3A_930] : memref<4x!tpu.dma_semaphore, #tpu.memory_space<semaphore_mem>> -> memref<1x!tpu.dma_semaphore, #tpu.memory_space<semaphore_mem>>
      %dma_start3A_935 = tpu.memref_squeeze %dma_start3A_934 : memref<1x!tpu.dma_semaphore, #tpu.memory_space<semaphore_mem>> -> memref<!tpu.dma_semaphore, #tpu.memory_space<semaphore_mem>>
      %dma_start3A_936 = arith.constant 0 : i32
      %dma_start3A_937 = arith.constant 0 : i32
      %dma_start3A_938 = tpu.memref_slice %arg4[%add3A_929, %dma_start3A_936, %dma_start3A_937] : memref<16384x56x128xf32, #tpu.memory_space<hbm>> -> memref<8x50x32xf32, #tpu.memory_space<hbm>>
      tpu.enqueue_dma source(%arg8 : memref<8x50x32xf32, #tpu.memory_space<vmem>>) target(%dma_start3A_938 : memref<8x50x32xf32, #tpu.memory_space<hbm>>) target_semaphore(%dma_start3A_935 : memref<!tpu.dma_semaphore, #tpu.memory_space<semaphore_mem>>)
      %mul3A_939 = arith.constant 4 : i32
      %mul3A_940 = arith.muli %scan3A_530, %mul3A_939 : i32
      %add3A_941 = arith.constant 3 : i32
      %add3A_942 = arith.addi %mul3A_940, %add3A_941 : i32
      %dma_wait3A_943 = arith.constant 0 : i32
      %dma_wait3A_944 = arith.constant 0 : i32
      %dma_wait3A_945 = arith.constant 3 : i32
      %dma_wait3A_946 = arith.constant 0 : i32
      %dma_wait3A_947 = arith.constant 0 : i32
      %dma_wait3A_948 = tpu.memref_slice %arg9[%dma_wait3A_944, %dma_wait3A_946, %dma_wait3A_947] : memref<8x50x32xf32, #tpu.memory_space<vmem>> -> memref<1x50x32xf32, #tpu.memory_space<vmem>>
      %dma_wait3A_949 = tpu.memref_squeeze %dma_wait3A_948 : memref<1x50x32xf32, #tpu.memory_space<vmem>> -> memref<50x32xf32, #tpu.memory_space<vmem>>
      %dma_wait3A_950 = arith.constant 0 : i32
      %dma_wait3A_951 = tpu.memref_slice %arg5[%dma_wait3A_943, %dma_wait3A_950] : memref<512x50xi32, #tpu.memory_space<vmem>> -> memref<1x50xi32, #tpu.memory_space<vmem>>
      %dma_wait3A_952 = tpu.memref_squeeze %dma_wait3A_951 : memref<1x50xi32, #tpu.memory_space<vmem>> -> memref<50xi32, #tpu.memory_space<vmem>>
      %dma_wait3A_953 = arith.constant 0 : i32
      %dma_wait3A_954 = arith.constant 0 : i32
      %dma_wait3A_955 = tpu.memref_slice %arg3[%dma_wait3A_953, %dma_wait3A_954] : memref<1000000x32xf32, #tpu.memory_space<hbm>> -> memref<1000000x32xf32, #tpu.memory_space<hbm>>
      %dma_wait3A_956 = tpu.memref_slice %arg10[%dma_wait3A_945] : memref<4x!tpu.dma_semaphore, #tpu.memory_space<semaphore_mem>> -> memref<1x!tpu.dma_semaphore, #tpu.memory_space<semaphore_mem>>
      %dma_wait3A_957 = tpu.memref_squeeze %dma_wait3A_956 : memref<1x!tpu.dma_semaphore, #tpu.memory_space<semaphore_mem>> -> memref<!tpu.dma_semaphore, #tpu.memory_space<semaphore_mem>>
      tpu.wait_indirect_dma semaphore(%dma_wait3A_957 : memref<!tpu.dma_semaphore, #tpu.memory_space<semaphore_mem>>) src(%dma_wait3A_955 : memref<1000000x32xf32, #tpu.memory_space<hbm>>) dst(%dma_wait3A_949 : memref<50x32xf32, #tpu.memory_space<vmem>>)
      %dma_wait3A_958 = arith.constant 1 : i32
      %dma_wait3A_959 = arith.constant 1 : i32
      %dma_wait3A_960 = arith.constant 3 : i32
      %dma_wait3A_961 = arith.constant 0 : i32
      %dma_wait3A_962 = arith.constant 0 : i32
      %dma_wait3A_963 = tpu.memref_slice %arg9[%dma_wait3A_959, %dma_wait3A_961, %dma_wait3A_962] : memref<8x50x32xf32, #tpu.memory_space<vmem>> -> memref<1x50x32xf32, #tpu.memory_space<vmem>>
      %dma_wait3A_964 = tpu.memref_squeeze %dma_wait3A_963 : memref<1x50x32xf32, #tpu.memory_space<vmem>> -> memref<50x32xf32, #tpu.memory_space<vmem>>
      %dma_wait3A_965 = arith.constant 0 : i32
      %dma_wait3A_966 = tpu.memref_slice %arg5[%dma_wait3A_958, %dma_wait3A_965] : memref<512x50xi32, #tpu.memory_space<vmem>> -> memref<1x50xi32, #tpu.memory_space<vmem>>
      %dma_wait3A_967 = tpu.memref_squeeze %dma_wait3A_966 : memref<1x50xi32, #tpu.memory_space<vmem>> -> memref<50xi32, #tpu.memory_space<vmem>>
      %dma_wait3A_968 = arith.constant 0 : i32
      %dma_wait3A_969 = arith.constant 0 : i32
      %dma_wait3A_970 = tpu.memref_slice %arg3[%dma_wait3A_968, %dma_wait3A_969] : memref<1000000x32xf32, #tpu.memory_space<hbm>> -> memref<1000000x32xf32, #tpu.memory_space<hbm>>
      %dma_wait3A_971 = tpu.memref_slice %arg10[%dma_wait3A_960] : memref<4x!tpu.dma_semaphore, #tpu.memory_space<semaphore_mem>> -> memref<1x!tpu.dma_semaphore, #tpu.memory_space<semaphore_mem>>
      %dma_wait3A_972 = tpu.memref_squeeze %dma_wait3A_971 : memref<1x!tpu.dma_semaphore, #tpu.memory_space<semaphore_mem>> -> memref<!tpu.dma_semaphore, #tpu.memory_space<semaphore_mem>>
      tpu.wait_indirect_dma semaphore(%dma_wait3A_972 : memref<!tpu.dma_semaphore, #tpu.memory_space<semaphore_mem>>) src(%dma_wait3A_970 : memref<1000000x32xf32, #tpu.memory_space<hbm>>) dst(%dma_wait3A_964 : memref<50x32xf32, #tpu.memory_space<vmem>>)
      %dma_wait3A_973 = arith.constant 2 : i32
      %dma_wait3A_974 = arith.constant 2 : i32
      %dma_wait3A_975 = arith.constant 3 : i32
      %dma_wait3A_976 = arith.constant 0 : i32
      %dma_wait3A_977 = arith.constant 0 : i32
      %dma_wait3A_978 = tpu.memref_slice %arg9[%dma_wait3A_974, %dma_wait3A_976, %dma_wait3A_977] : memref<8x50x32xf32, #tpu.memory_space<vmem>> -> memref<1x50x32xf32, #tpu.memory_space<vmem>>
      %dma_wait3A_979 = tpu.memref_squeeze %dma_wait3A_978 : memref<1x50x32xf32, #tpu.memory_space<vmem>> -> memref<50x32xf32, #tpu.memory_space<vmem>>
      %dma_wait3A_980 = arith.constant 0 : i32
      %dma_wait3A_981 = tpu.memref_slice %arg5[%dma_wait3A_973, %dma_wait3A_980] : memref<512x50xi32, #tpu.memory_space<vmem>> -> memref<1x50xi32, #tpu.memory_space<vmem>>
      %dma_wait3A_982 = tpu.memref_squeeze %dma_wait3A_981 : memref<1x50xi32, #tpu.memory_space<vmem>> -> memref<50xi32, #tpu.memory_space<vmem>>
      %dma_wait3A_983 = arith.constant 0 : i32
      %dma_wait3A_984 = arith.constant 0 : i32
      %dma_wait3A_985 = tpu.memref_slice %arg3[%dma_wait3A_983, %dma_wait3A_984] : memref<1000000x32xf32, #tpu.memory_space<hbm>> -> memref<1000000x32xf32, #tpu.memory_space<hbm>>
      %dma_wait3A_986 = tpu.memref_slice %arg10[%dma_wait3A_975] : memref<4x!tpu.dma_semaphore, #tpu.memory_space<semaphore_mem>> -> memref<1x!tpu.dma_semaphore, #tpu.memory_space<semaphore_mem>>
      %dma_wait3A_987 = tpu.memref_squeeze %dma_wait3A_986 : memref<1x!tpu.dma_semaphore, #tpu.memory_space<semaphore_mem>> -> memref<!tpu.dma_semaphore, #tpu.memory_space<semaphore_mem>>
      tpu.wait_indirect_dma semaphore(%dma_wait3A_987 : memref<!tpu.dma_semaphore, #tpu.memory_space<semaphore_mem>>) src(%dma_wait3A_985 : memref<1000000x32xf32, #tpu.memory_space<hbm>>) dst(%dma_wait3A_979 : memref<50x32xf32, #tpu.memory_space<vmem>>)
      %dma_wait3A_988 = arith.constant 3 : i32
      %dma_wait3A_989 = arith.constant 3 : i32
      %dma_wait3A_990 = arith.constant 3 : i32
      %dma_wait3A_991 = arith.constant 0 : i32
      %dma_wait3A_992 = arith.constant 0 : i32
      %dma_wait3A_993 = tpu.memref_slice %arg9[%dma_wait3A_989, %dma_wait3A_991, %dma_wait3A_992] : memref<8x50x32xf32, #tpu.memory_space<vmem>> -> memref<1x50x32xf32, #tpu.memory_space<vmem>>
      %dma_wait3A_994 = tpu.memref_squeeze %dma_wait3A_993 : memref<1x50x32xf32, #tpu.memory_space<vmem>> -> memref<50x32xf32, #tpu.memory_space<vmem>>
      %dma_wait3A_995 = arith.constant 0 : i32
      %dma_wait3A_996 = tpu.memref_slice %arg5[%dma_wait3A_988, %dma_wait3A_995] : memref<512x50xi32, #tpu.memory_space<vmem>> -> memref<1x50xi32, #tpu.memory_space<vmem>>
      %dma_wait3A_997 = tpu.memref_squeeze %dma_wait3A_996 : memref<1x50xi32, #tpu.memory_space<vmem>> -> memref<50xi32, #tpu.memory_space<vmem>>
      %dma_wait3A_998 = arith.constant 0 : i32
      %dma_wait3A_999 = arith.constant 0 : i32
      %dma_wait3A_1000 = tpu.memref_slice %arg3[%dma_wait3A_998, %dma_wait3A_999] : memref<1000000x32xf32, #tpu.memory_space<hbm>> -> memref<1000000x32xf32, #tpu.memory_space<hbm>>
      %dma_wait3A_1001 = tpu.memref_slice %arg10[%dma_wait3A_990] : memref<4x!tpu.dma_semaphore, #tpu.memory_space<semaphore_mem>> -> memref<1x!tpu.dma_semaphore, #tpu.memory_space<semaphore_mem>>
      %dma_wait3A_1002 = tpu.memref_squeeze %dma_wait3A_1001 : memref<1x!tpu.dma_semaphore, #tpu.memory_space<semaphore_mem>> -> memref<!tpu.dma_semaphore, #tpu.memory_space<semaphore_mem>>
      tpu.wait_indirect_dma semaphore(%dma_wait3A_1002 : memref<!tpu.dma_semaphore, #tpu.memory_space<semaphore_mem>>) src(%dma_wait3A_1000 : memref<1000000x32xf32, #tpu.memory_space<hbm>>) dst(%dma_wait3A_994 : memref<50x32xf32, #tpu.memory_space<vmem>>)
      %dma_wait3A_1003 = arith.constant 4 : i32
      %dma_wait3A_1004 = arith.constant 4 : i32
      %dma_wait3A_1005 = arith.constant 3 : i32
      %dma_wait3A_1006 = arith.constant 0 : i32
      %dma_wait3A_1007 = arith.constant 0 : i32
      %dma_wait3A_1008 = tpu.memref_slice %arg9[%dma_wait3A_1004, %dma_wait3A_1006, %dma_wait3A_1007] : memref<8x50x32xf32, #tpu.memory_space<vmem>> -> memref<1x50x32xf32, #tpu.memory_space<vmem>>
      %dma_wait3A_1009 = tpu.memref_squeeze %dma_wait3A_1008 : memref<1x50x32xf32, #tpu.memory_space<vmem>> -> memref<50x32xf32, #tpu.memory_space<vmem>>
      %dma_wait3A_1010 = arith.constant 0 : i32
      %dma_wait3A_1011 = tpu.memref_slice %arg5[%dma_wait3A_1003, %dma_wait3A_1010] : memref<512x50xi32, #tpu.memory_space<vmem>> -> memref<1x50xi32, #tpu.memory_space<vmem>>
      %dma_wait3A_1012 = tpu.memref_squeeze %dma_wait3A_1011 : memref<1x50xi32, #tpu.memory_space<vmem>> -> memref<50xi32, #tpu.memory_space<vmem>>
      %dma_wait3A_1013 = arith.constant 0 : i32
      %dma_wait3A_1014 = arith.constant 0 : i32
      %dma_wait3A_1015 = tpu.memref_slice %arg3[%dma_wait3A_1013, %dma_wait3A_1014] : memref<1000000x32xf32, #tpu.memory_space<hbm>> -> memref<1000000x32xf32, #tpu.memory_space<hbm>>
      %dma_wait3A_1016 = tpu.memref_slice %arg10[%dma_wait3A_1005] : memref<4x!tpu.dma_semaphore, #tpu.memory_space<semaphore_mem>> -> memref<1x!tpu.dma_semaphore, #tpu.memory_space<semaphore_mem>>
      %dma_wait3A_1017 = tpu.memref_squeeze %dma_wait3A_1016 : memref<1x!tpu.dma_semaphore, #tpu.memory_space<semaphore_mem>> -> memref<!tpu.dma_semaphore, #tpu.memory_space<semaphore_mem>>
      tpu.wait_indirect_dma semaphore(%dma_wait3A_1017 : memref<!tpu.dma_semaphore, #tpu.memory_space<semaphore_mem>>) src(%dma_wait3A_1015 : memref<1000000x32xf32, #tpu.memory_space<hbm>>) dst(%dma_wait3A_1009 : memref<50x32xf32, #tpu.memory_space<vmem>>)
      %dma_wait3A_1018 = arith.constant 5 : i32
      %dma_wait3A_1019 = arith.constant 5 : i32
      %dma_wait3A_1020 = arith.constant 3 : i32
      %dma_wait3A_1021 = arith.constant 0 : i32
      %dma_wait3A_1022 = arith.constant 0 : i32
      %dma_wait3A_1023 = tpu.memref_slice %arg9[%dma_wait3A_1019, %dma_wait3A_1021, %dma_wait3A_1022] : memref<8x50x32xf32, #tpu.memory_space<vmem>> -> memref<1x50x32xf32, #tpu.memory_space<vmem>>
      %dma_wait3A_1024 = tpu.memref_squeeze %dma_wait3A_1023 : memref<1x50x32xf32, #tpu.memory_space<vmem>> -> memref<50x32xf32, #tpu.memory_space<vmem>>
      %dma_wait3A_1025 = arith.constant 0 : i32
      %dma_wait3A_1026 = tpu.memref_slice %arg5[%dma_wait3A_1018, %dma_wait3A_1025] : memref<512x50xi32, #tpu.memory_space<vmem>> -> memref<1x50xi32, #tpu.memory_space<vmem>>
      %dma_wait3A_1027 = tpu.memref_squeeze %dma_wait3A_1026 : memref<1x50xi32, #tpu.memory_space<vmem>> -> memref<50xi32, #tpu.memory_space<vmem>>
      %dma_wait3A_1028 = arith.constant 0 : i32
      %dma_wait3A_1029 = arith.constant 0 : i32
      %dma_wait3A_1030 = tpu.memref_slice %arg3[%dma_wait3A_1028, %dma_wait3A_1029] : memref<1000000x32xf32, #tpu.memory_space<hbm>> -> memref<1000000x32xf32, #tpu.memory_space<hbm>>
      %dma_wait3A_1031 = tpu.memref_slice %arg10[%dma_wait3A_1020] : memref<4x!tpu.dma_semaphore, #tpu.memory_space<semaphore_mem>> -> memref<1x!tpu.dma_semaphore, #tpu.memory_space<semaphore_mem>>
      %dma_wait3A_1032 = tpu.memref_squeeze %dma_wait3A_1031 : memref<1x!tpu.dma_semaphore, #tpu.memory_space<semaphore_mem>> -> memref<!tpu.dma_semaphore, #tpu.memory_space<semaphore_mem>>
      tpu.wait_indirect_dma semaphore(%dma_wait3A_1032 : memref<!tpu.dma_semaphore, #tpu.memory_space<semaphore_mem>>) src(%dma_wait3A_1030 : memref<1000000x32xf32, #tpu.memory_space<hbm>>) dst(%dma_wait3A_1024 : memref<50x32xf32, #tpu.memory_space<vmem>>)
      %dma_wait3A_1033 = arith.constant 6 : i32
      %dma_wait3A_1034 = arith.constant 6 : i32
      %dma_wait3A_1035 = arith.constant 3 : i32
      %dma_wait3A_1036 = arith.constant 0 : i32
      %dma_wait3A_1037 = arith.constant 0 : i32
      %dma_wait3A_1038 = tpu.memref_slice %arg9[%dma_wait3A_1034, %dma_wait3A_1036, %dma_wait3A_1037] : memref<8x50x32xf32, #tpu.memory_space<vmem>> -> memref<1x50x32xf32, #tpu.memory_space<vmem>>
      %dma_wait3A_1039 = tpu.memref_squeeze %dma_wait3A_1038 : memref<1x50x32xf32, #tpu.memory_space<vmem>> -> memref<50x32xf32, #tpu.memory_space<vmem>>
      %dma_wait3A_1040 = arith.constant 0 : i32
      %dma_wait3A_1041 = tpu.memref_slice %arg5[%dma_wait3A_1033, %dma_wait3A_1040] : memref<512x50xi32, #tpu.memory_space<vmem>> -> memref<1x50xi32, #tpu.memory_space<vmem>>
      %dma_wait3A_1042 = tpu.memref_squeeze %dma_wait3A_1041 : memref<1x50xi32, #tpu.memory_space<vmem>> -> memref<50xi32, #tpu.memory_space<vmem>>
      %dma_wait3A_1043 = arith.constant 0 : i32
      %dma_wait3A_1044 = arith.constant 0 : i32
      %dma_wait3A_1045 = tpu.memref_slice %arg3[%dma_wait3A_1043, %dma_wait3A_1044] : memref<1000000x32xf32, #tpu.memory_space<hbm>> -> memref<1000000x32xf32, #tpu.memory_space<hbm>>
      %dma_wait3A_1046 = tpu.memref_slice %arg10[%dma_wait3A_1035] : memref<4x!tpu.dma_semaphore, #tpu.memory_space<semaphore_mem>> -> memref<1x!tpu.dma_semaphore, #tpu.memory_space<semaphore_mem>>
      %dma_wait3A_1047 = tpu.memref_squeeze %dma_wait3A_1046 : memref<1x!tpu.dma_semaphore, #tpu.memory_space<semaphore_mem>> -> memref<!tpu.dma_semaphore, #tpu.memory_space<semaphore_mem>>
      tpu.wait_indirect_dma semaphore(%dma_wait3A_1047 : memref<!tpu.dma_semaphore, #tpu.memory_space<semaphore_mem>>) src(%dma_wait3A_1045 : memref<1000000x32xf32, #tpu.memory_space<hbm>>) dst(%dma_wait3A_1039 : memref<50x32xf32, #tpu.memory_space<vmem>>)
      %dma_wait3A_1048 = arith.constant 7 : i32
      %dma_wait3A_1049 = arith.constant 7 : i32
      %dma_wait3A_1050 = arith.constant 3 : i32
      %dma_wait3A_1051 = arith.constant 0 : i32
      %dma_wait3A_1052 = arith.constant 0 : i32
      %dma_wait3A_1053 = tpu.memref_slice %arg9[%dma_wait3A_1049, %dma_wait3A_1051, %dma_wait3A_1052] : memref<8x50x32xf32, #tpu.memory_space<vmem>> -> memref<1x50x32xf32, #tpu.memory_space<vmem>>
      %dma_wait3A_1054 = tpu.memref_squeeze %dma_wait3A_1053 : memref<1x50x32xf32, #tpu.memory_space<vmem>> -> memref<50x32xf32, #tpu.memory_space<vmem>>
      %dma_wait3A_1055 = arith.constant 0 : i32
      %dma_wait3A_1056 = tpu.memref_slice %arg5[%dma_wait3A_1048, %dma_wait3A_1055] : memref<512x50xi32, #tpu.memory_space<vmem>> -> memref<1x50xi32, #tpu.memory_space<vmem>>
      %dma_wait3A_1057 = tpu.memref_squeeze %dma_wait3A_1056 : memref<1x50xi32, #tpu.memory_space<vmem>> -> memref<50xi32, #tpu.memory_space<vmem>>
      %dma_wait3A_1058 = arith.constant 0 : i32
      %dma_wait3A_1059 = arith.constant 0 : i32
      %dma_wait3A_1060 = tpu.memref_slice %arg3[%dma_wait3A_1058, %dma_wait3A_1059] : memref<1000000x32xf32, #tpu.memory_space<hbm>> -> memref<1000000x32xf32, #tpu.memory_space<hbm>>
      %dma_wait3A_1061 = tpu.memref_slice %arg10[%dma_wait3A_1050] : memref<4x!tpu.dma_semaphore, #tpu.memory_space<semaphore_mem>> -> memref<1x!tpu.dma_semaphore, #tpu.memory_space<semaphore_mem>>
      %dma_wait3A_1062 = tpu.memref_squeeze %dma_wait3A_1061 : memref<1x!tpu.dma_semaphore, #tpu.memory_space<semaphore_mem>> -> memref<!tpu.dma_semaphore, #tpu.memory_space<semaphore_mem>>
      tpu.wait_indirect_dma semaphore(%dma_wait3A_1062 : memref<!tpu.dma_semaphore, #tpu.memory_space<semaphore_mem>>) src(%dma_wait3A_1060 : memref<1000000x32xf32, #tpu.memory_space<hbm>>) dst(%dma_wait3A_1054 : memref<50x32xf32, #tpu.memory_space<vmem>>)
      %mul3A_1063 = arith.constant 8 : i32
      %mul3A_1064 = arith.muli %add3A_942, %mul3A_1063 : i32
      %add3A_1065 = arith.addi %mul3A_2, %mul3A_1064 : i32
      %dma_start3A_1066 = arith.constant 3 : i32
      %dma_start3A_1067 = arith.constant 0 : i32
      %dma_start3A_1068 = arith.constant 0 : i32
      %dma_start3A_1069 = tpu.memref_slice %arg4[%add3A_1065, %dma_start3A_1067, %dma_start3A_1068] : memref<16384x56x128xf32, #tpu.memory_space<hbm>> -> memref<8x50x32xf32, #tpu.memory_space<hbm>>
      %dma_start3A_1070 = tpu.memref_slice %arg11[%dma_start3A_1066] : memref<4x!tpu.dma_semaphore, #tpu.memory_space<semaphore_mem>> -> memref<1x!tpu.dma_semaphore, #tpu.memory_space<semaphore_mem>>
      %dma_start3A_1071 = tpu.memref_squeeze %dma_start3A_1070 : memref<1x!tpu.dma_semaphore, #tpu.memory_space<semaphore_mem>> -> memref<!tpu.dma_semaphore, #tpu.memory_space<semaphore_mem>>
      %dma_start3A_1072 = arith.constant 0 : i32
      %dma_start3A_1073 = arith.constant 0 : i32
      %dma_start3A_1074 = tpu.memref_slice %arg4[%add3A_1065, %dma_start3A_1072, %dma_start3A_1073] : memref<16384x56x128xf32, #tpu.memory_space<hbm>> -> memref<8x50x32xf32, #tpu.memory_space<hbm>>
      tpu.enqueue_dma source(%arg9 : memref<8x50x32xf32, #tpu.memory_space<vmem>>) target(%dma_start3A_1074 : memref<8x50x32xf32, #tpu.memory_space<hbm>>) target_semaphore(%dma_start3A_1071 : memref<!tpu.dma_semaphore, #tpu.memory_space<semaphore_mem>>)
      %add3A_1075 = arith.constant 1 : i32
      %add3A_1076 = arith.addi %scan3A_530, %add3A_1075 : i32
      %lt3A = arith.constant 16 : i32
      %lt3A_1077 = arith.cmpi slt, %add3A_1076, %lt3A : i32
      %convert_element_type3A = arith.extui %lt3A_1077 : i1 to i32
      %cond3A = arith.constant 0 : i32
      %cond3A_1078 = arith.cmpi ne, %convert_element_type3A, %cond3A : i32
      scf.if %cond3A_1078 {
        %add3A_1079 = arith.constant 1 : i32
        %add3A_1080 = arith.addi %scan3A_530, %add3A_1079 : i32
        %mul3A_1081 = arith.constant 4 : i32
        %mul3A_1082 = arith.muli %add3A_1080, %mul3A_1081 : i32
        %add3A_1083 = arith.constant 0 : i32
        %add3A_1084 = arith.addi %mul3A_1082, %add3A_1083 : i32
        %add3A_1085 = arith.constant 0 : i32
        %add3A_1086 = arith.addi %mul3A_2, %add3A_1085 : i32
        %dma_wait3A_1087 = arith.constant 0 : i32
        %dma_wait3A_1088 = arith.constant 0 : i32
        %dma_wait3A_1089 = arith.constant 0 : i32
        %dma_wait3A_1090 = tpu.memref_slice %arg4[%add3A_1086, %dma_wait3A_1088, %dma_wait3A_1089] : memref<16384x56x128xf32, #tpu.memory_space<hbm>> -> memref<8x50x32xf32, #tpu.memory_space<hbm>>
        %dma_wait3A_1091 = tpu.memref_slice %arg11[%dma_wait3A_1087] : memref<4x!tpu.dma_semaphore, #tpu.memory_space<semaphore_mem>> -> memref<1x!tpu.dma_semaphore, #tpu.memory_space<semaphore_mem>>
        %dma_wait3A_1092 = tpu.memref_squeeze %dma_wait3A_1091 : memref<1x!tpu.dma_semaphore, #tpu.memory_space<semaphore_mem>> -> memref<!tpu.dma_semaphore, #tpu.memory_space<semaphore_mem>>
        %dma_wait3A_1093 = arith.constant 0 : i32
        %dma_wait3A_1094 = arith.constant 0 : i32
        %dma_wait3A_1095 = tpu.memref_slice %arg4[%add3A_1086, %dma_wait3A_1093, %dma_wait3A_1094] : memref<16384x56x128xf32, #tpu.memory_space<hbm>> -> memref<8x50x32xf32, #tpu.memory_space<hbm>>
        tpu.wait_dma2 semaphore(%dma_wait3A_1092 : memref<!tpu.dma_semaphore, #tpu.memory_space<semaphore_mem>>) src(%arg6 : memref<8x50x32xf32, #tpu.memory_space<vmem>>) dst(%dma_wait3A_1095 : memref<8x50x32xf32, #tpu.memory_space<hbm>>)
        %mul3A_1096 = arith.constant 8 : i32
        %mul3A_1097 = arith.muli %add3A_1084, %mul3A_1096 : i32
        %add3A_1098 = arith.constant 0 : i32
        %add3A_1099 = arith.addi %mul3A_1097, %add3A_1098 : i32
        %dma_start3A_1100 = arith.constant 0 : i32
        %dma_start3A_1101 = arith.constant 0 : i32
        %dma_start3A_1102 = arith.constant 0 : i32
        %dma_start3A_1103 = arith.constant 0 : i32
        %dma_start3A_1104 = tpu.memref_slice %arg6[%dma_start3A_1100, %dma_start3A_1102, %dma_start3A_1103] : memref<8x50x32xf32, #tpu.memory_space<vmem>> -> memref<1x50x32xf32, #tpu.memory_space<vmem>>
        %dma_start3A_1105 = tpu.memref_squeeze %dma_start3A_1104 : memref<1x50x32xf32, #tpu.memory_space<vmem>> -> memref<50x32xf32, #tpu.memory_space<vmem>>
        %dma_start3A_1106 = arith.constant 0 : i32
        %dma_start3A_1107 = tpu.memref_slice %arg5[%add3A_1099, %dma_start3A_1106] : memref<512x50xi32, #tpu.memory_space<vmem>> -> memref<1x50xi32, #tpu.memory_space<vmem>>
        %dma_start3A_1108 = tpu.memref_squeeze %dma_start3A_1107 : memref<1x50xi32, #tpu.memory_space<vmem>> -> memref<50xi32, #tpu.memory_space<vmem>>
        %dma_start3A_1109 = arith.constant 0 : i32
        %dma_start3A_1110 = arith.constant 0 : i32
        %dma_start3A_1111 = tpu.memref_slice %arg3[%dma_start3A_1109, %dma_start3A_1110] : memref<1000000x32xf32, #tpu.memory_space<hbm>> -> memref<1000000x32xf32, #tpu.memory_space<hbm>>
        %dma_start3A_1112 = tpu.memref_slice %arg10[%dma_start3A_1101] : memref<4x!tpu.dma_semaphore, #tpu.memory_space<semaphore_mem>> -> memref<1x!tpu.dma_semaphore, #tpu.memory_space<semaphore_mem>>
        %dma_start3A_1113 = tpu.memref_squeeze %dma_start3A_1112 : memref<1x!tpu.dma_semaphore, #tpu.memory_space<semaphore_mem>> -> memref<!tpu.dma_semaphore, #tpu.memory_space<semaphore_mem>>
        tpu.enqueue_indirect_dma source(%dma_start3A_1111 : memref<1000000x32xf32, #tpu.memory_space<hbm>>) target(%dma_start3A_1105 : memref<50x32xf32, #tpu.memory_space<vmem>>) offsets(%dma_start3A_1108 : memref<50xi32, #tpu.memory_space<vmem>>) semaphore(%dma_start3A_1113 : memref<!tpu.dma_semaphore, #tpu.memory_space<semaphore_mem>>)
        %mul3A_1114 = arith.constant 8 : i32
        %mul3A_1115 = arith.muli %add3A_1084, %mul3A_1114 : i32
        %add3A_1116 = arith.constant 1 : i32
        %add3A_1117 = arith.addi %mul3A_1115, %add3A_1116 : i32
        %dma_start3A_1118 = arith.constant 1 : i32
        %dma_start3A_1119 = arith.constant 0 : i32
        %dma_start3A_1120 = arith.constant 0 : i32
        %dma_start3A_1121 = arith.constant 0 : i32
        %dma_start3A_1122 = tpu.memref_slice %arg6[%dma_start3A_1118, %dma_start3A_1120, %dma_start3A_1121] : memref<8x50x32xf32, #tpu.memory_space<vmem>> -> memref<1x50x32xf32, #tpu.memory_space<vmem>>
        %dma_start3A_1123 = tpu.memref_squeeze %dma_start3A_1122 : memref<1x50x32xf32, #tpu.memory_space<vmem>> -> memref<50x32xf32, #tpu.memory_space<vmem>>
        %dma_start3A_1124 = arith.constant 0 : i32
        %dma_start3A_1125 = tpu.memref_slice %arg5[%add3A_1117, %dma_start3A_1124] : memref<512x50xi32, #tpu.memory_space<vmem>> -> memref<1x50xi32, #tpu.memory_space<vmem>>
        %dma_start3A_1126 = tpu.memref_squeeze %dma_start3A_1125 : memref<1x50xi32, #tpu.memory_space<vmem>> -> memref<50xi32, #tpu.memory_space<vmem>>
        %dma_start3A_1127 = arith.constant 0 : i32
        %dma_start3A_1128 = arith.constant 0 : i32
        %dma_start3A_1129 = tpu.memref_slice %arg3[%dma_start3A_1127, %dma_start3A_1128] : memref<1000000x32xf32, #tpu.memory_space<hbm>> -> memref<1000000x32xf32, #tpu.memory_space<hbm>>
        %dma_start3A_1130 = tpu.memref_slice %arg10[%dma_start3A_1119] : memref<4x!tpu.dma_semaphore, #tpu.memory_space<semaphore_mem>> -> memref<1x!tpu.dma_semaphore, #tpu.memory_space<semaphore_mem>>
        %dma_start3A_1131 = tpu.memref_squeeze %dma_start3A_1130 : memref<1x!tpu.dma_semaphore, #tpu.memory_space<semaphore_mem>> -> memref<!tpu.dma_semaphore, #tpu.memory_space<semaphore_mem>>
        tpu.enqueue_indirect_dma source(%dma_start3A_1129 : memref<1000000x32xf32, #tpu.memory_space<hbm>>) target(%dma_start3A_1123 : memref<50x32xf32, #tpu.memory_space<vmem>>) offsets(%dma_start3A_1126 : memref<50xi32, #tpu.memory_space<vmem>>) semaphore(%dma_start3A_1131 : memref<!tpu.dma_semaphore, #tpu.memory_space<semaphore_mem>>)
        %mul3A_1132 = arith.constant 8 : i32
        %mul3A_1133 = arith.muli %add3A_1084, %mul3A_1132 : i32
        %add3A_1134 = arith.constant 2 : i32
        %add3A_1135 = arith.addi %mul3A_1133, %add3A_1134 : i32
        %dma_start3A_1136 = arith.constant 2 : i32
        %dma_start3A_1137 = arith.constant 0 : i32
        %dma_start3A_1138 = arith.constant 0 : i32
        %dma_start3A_1139 = arith.constant 0 : i32
        %dma_start3A_1140 = tpu.memref_slice %arg6[%dma_start3A_1136, %dma_start3A_1138, %dma_start3A_1139] : memref<8x50x32xf32, #tpu.memory_space<vmem>> -> memref<1x50x32xf32, #tpu.memory_space<vmem>>
        %dma_start3A_1141 = tpu.memref_squeeze %dma_start3A_1140 : memref<1x50x32xf32, #tpu.memory_space<vmem>> -> memref<50x32xf32, #tpu.memory_space<vmem>>
        %dma_start3A_1142 = arith.constant 0 : i32
        %dma_start3A_1143 = tpu.memref_slice %arg5[%add3A_1135, %dma_start3A_1142] : memref<512x50xi32, #tpu.memory_space<vmem>> -> memref<1x50xi32, #tpu.memory_space<vmem>>
        %dma_start3A_1144 = tpu.memref_squeeze %dma_start3A_1143 : memref<1x50xi32, #tpu.memory_space<vmem>> -> memref<50xi32, #tpu.memory_space<vmem>>
        %dma_start3A_1145 = arith.constant 0 : i32
        %dma_start3A_1146 = arith.constant 0 : i32
        %dma_start3A_1147 = tpu.memref_slice %arg3[%dma_start3A_1145, %dma_start3A_1146] : memref<1000000x32xf32, #tpu.memory_space<hbm>> -> memref<1000000x32xf32, #tpu.memory_space<hbm>>
        %dma_start3A_1148 = tpu.memref_slice %arg10[%dma_start3A_1137] : memref<4x!tpu.dma_semaphore, #tpu.memory_space<semaphore_mem>> -> memref<1x!tpu.dma_semaphore, #tpu.memory_space<semaphore_mem>>
        %dma_start3A_1149 = tpu.memref_squeeze %dma_start3A_1148 : memref<1x!tpu.dma_semaphore, #tpu.memory_space<semaphore_mem>> -> memref<!tpu.dma_semaphore, #tpu.memory_space<semaphore_mem>>
        tpu.enqueue_indirect_dma source(%dma_start3A_1147 : memref<1000000x32xf32, #tpu.memory_space<hbm>>) target(%dma_start3A_1141 : memref<50x32xf32, #tpu.memory_space<vmem>>) offsets(%dma_start3A_1144 : memref<50xi32, #tpu.memory_space<vmem>>) semaphore(%dma_start3A_1149 : memref<!tpu.dma_semaphore, #tpu.memory_space<semaphore_mem>>)
        %mul3A_1150 = arith.constant 8 : i32
        %mul3A_1151 = arith.muli %add3A_1084, %mul3A_1150 : i32
        %add3A_1152 = arith.constant 3 : i32
        %add3A_1153 = arith.addi %mul3A_1151, %add3A_1152 : i32
        %dma_start3A_1154 = arith.constant 3 : i32
        %dma_start3A_1155 = arith.constant 0 : i32
        %dma_start3A_1156 = arith.constant 0 : i32
        %dma_start3A_1157 = arith.constant 0 : i32
        %dma_start3A_1158 = tpu.memref_slice %arg6[%dma_start3A_1154, %dma_start3A_1156, %dma_start3A_1157] : memref<8x50x32xf32, #tpu.memory_space<vmem>> -> memref<1x50x32xf32, #tpu.memory_space<vmem>>
        %dma_start3A_1159 = tpu.memref_squeeze %dma_start3A_1158 : memref<1x50x32xf32, #tpu.memory_space<vmem>> -> memref<50x32xf32, #tpu.memory_space<vmem>>
        %dma_start3A_1160 = arith.constant 0 : i32
        %dma_start3A_1161 = tpu.memref_slice %arg5[%add3A_1153, %dma_start3A_1160] : memref<512x50xi32, #tpu.memory_space<vmem>> -> memref<1x50xi32, #tpu.memory_space<vmem>>
        %dma_start3A_1162 = tpu.memref_squeeze %dma_start3A_1161 : memref<1x50xi32, #tpu.memory_space<vmem>> -> memref<50xi32, #tpu.memory_space<vmem>>
        %dma_start3A_1163 = arith.constant 0 : i32
        %dma_start3A_1164 = arith.constant 0 : i32
        %dma_start3A_1165 = tpu.memref_slice %arg3[%dma_start3A_1163, %dma_start3A_1164] : memref<1000000x32xf32, #tpu.memory_space<hbm>> -> memref<1000000x32xf32, #tpu.memory_space<hbm>>
        %dma_start3A_1166 = tpu.memref_slice %arg10[%dma_start3A_1155] : memref<4x!tpu.dma_semaphore, #tpu.memory_space<semaphore_mem>> -> memref<1x!tpu.dma_semaphore, #tpu.memory_space<semaphore_mem>>
        %dma_start3A_1167 = tpu.memref_squeeze %dma_start3A_1166 : memref<1x!tpu.dma_semaphore, #tpu.memory_space<semaphore_mem>> -> memref<!tpu.dma_semaphore, #tpu.memory_space<semaphore_mem>>
        tpu.enqueue_indirect_dma source(%dma_start3A_1165 : memref<1000000x32xf32, #tpu.memory_space<hbm>>) target(%dma_start3A_1159 : memref<50x32xf32, #tpu.memory_space<vmem>>) offsets(%dma_start3A_1162 : memref<50xi32, #tpu.memory_space<vmem>>) semaphore(%dma_start3A_1167 : memref<!tpu.dma_semaphore, #tpu.memory_space<semaphore_mem>>)
        %mul3A_1168 = arith.constant 8 : i32
        %mul3A_1169 = arith.muli %add3A_1084, %mul3A_1168 : i32
        %add3A_1170 = arith.constant 4 : i32
        %add3A_1171 = arith.addi %mul3A_1169, %add3A_1170 : i32
        %dma_start3A_1172 = arith.constant 4 : i32
        %dma_start3A_1173 = arith.constant 0 : i32
        %dma_start3A_1174 = arith.constant 0 : i32
        %dma_start3A_1175 = arith.constant 0 : i32
        %dma_start3A_1176 = tpu.memref_slice %arg6[%dma_start3A_1172, %dma_start3A_1174, %dma_start3A_1175] : memref<8x50x32xf32, #tpu.memory_space<vmem>> -> memref<1x50x32xf32, #tpu.memory_space<vmem>>
        %dma_start3A_1177 = tpu.memref_squeeze %dma_start3A_1176 : memref<1x50x32xf32, #tpu.memory_space<vmem>> -> memref<50x32xf32, #tpu.memory_space<vmem>>
        %dma_start3A_1178 = arith.constant 0 : i32
        %dma_start3A_1179 = tpu.memref_slice %arg5[%add3A_1171, %dma_start3A_1178] : memref<512x50xi32, #tpu.memory_space<vmem>> -> memref<1x50xi32, #tpu.memory_space<vmem>>
        %dma_start3A_1180 = tpu.memref_squeeze %dma_start3A_1179 : memref<1x50xi32, #tpu.memory_space<vmem>> -> memref<50xi32, #tpu.memory_space<vmem>>
        %dma_start3A_1181 = arith.constant 0 : i32
        %dma_start3A_1182 = arith.constant 0 : i32
        %dma_start3A_1183 = tpu.memref_slice %arg3[%dma_start3A_1181, %dma_start3A_1182] : memref<1000000x32xf32, #tpu.memory_space<hbm>> -> memref<1000000x32xf32, #tpu.memory_space<hbm>>
        %dma_start3A_1184 = tpu.memref_slice %arg10[%dma_start3A_1173] : memref<4x!tpu.dma_semaphore, #tpu.memory_space<semaphore_mem>> -> memref<1x!tpu.dma_semaphore, #tpu.memory_space<semaphore_mem>>
        %dma_start3A_1185 = tpu.memref_squeeze %dma_start3A_1184 : memref<1x!tpu.dma_semaphore, #tpu.memory_space<semaphore_mem>> -> memref<!tpu.dma_semaphore, #tpu.memory_space<semaphore_mem>>
        tpu.enqueue_indirect_dma source(%dma_start3A_1183 : memref<1000000x32xf32, #tpu.memory_space<hbm>>) target(%dma_start3A_1177 : memref<50x32xf32, #tpu.memory_space<vmem>>) offsets(%dma_start3A_1180 : memref<50xi32, #tpu.memory_space<vmem>>) semaphore(%dma_start3A_1185 : memref<!tpu.dma_semaphore, #tpu.memory_space<semaphore_mem>>)
        %mul3A_1186 = arith.constant 8 : i32
        %mul3A_1187 = arith.muli %add3A_1084, %mul3A_1186 : i32
        %add3A_1188 = arith.constant 5 : i32
        %add3A_1189 = arith.addi %mul3A_1187, %add3A_1188 : i32
        %dma_start3A_1190 = arith.constant 5 : i32
        %dma_start3A_1191 = arith.constant 0 : i32
        %dma_start3A_1192 = arith.constant 0 : i32
        %dma_start3A_1193 = arith.constant 0 : i32
        %dma_start3A_1194 = tpu.memref_slice %arg6[%dma_start3A_1190, %dma_start3A_1192, %dma_start3A_1193] : memref<8x50x32xf32, #tpu.memory_space<vmem>> -> memref<1x50x32xf32, #tpu.memory_space<vmem>>
        %dma_start3A_1195 = tpu.memref_squeeze %dma_start3A_1194 : memref<1x50x32xf32, #tpu.memory_space<vmem>> -> memref<50x32xf32, #tpu.memory_space<vmem>>
        %dma_start3A_1196 = arith.constant 0 : i32
        %dma_start3A_1197 = tpu.memref_slice %arg5[%add3A_1189, %dma_start3A_1196] : memref<512x50xi32, #tpu.memory_space<vmem>> -> memref<1x50xi32, #tpu.memory_space<vmem>>
        %dma_start3A_1198 = tpu.memref_squeeze %dma_start3A_1197 : memref<1x50xi32, #tpu.memory_space<vmem>> -> memref<50xi32, #tpu.memory_space<vmem>>
        %dma_start3A_1199 = arith.constant 0 : i32
        %dma_start3A_1200 = arith.constant 0 : i32
        %dma_start3A_1201 = tpu.memref_slice %arg3[%dma_start3A_1199, %dma_start3A_1200] : memref<1000000x32xf32, #tpu.memory_space<hbm>> -> memref<1000000x32xf32, #tpu.memory_space<hbm>>
        %dma_start3A_1202 = tpu.memref_slice %arg10[%dma_start3A_1191] : memref<4x!tpu.dma_semaphore, #tpu.memory_space<semaphore_mem>> -> memref<1x!tpu.dma_semaphore, #tpu.memory_space<semaphore_mem>>
        %dma_start3A_1203 = tpu.memref_squeeze %dma_start3A_1202 : memref<1x!tpu.dma_semaphore, #tpu.memory_space<semaphore_mem>> -> memref<!tpu.dma_semaphore, #tpu.memory_space<semaphore_mem>>
        tpu.enqueue_indirect_dma source(%dma_start3A_1201 : memref<1000000x32xf32, #tpu.memory_space<hbm>>) target(%dma_start3A_1195 : memref<50x32xf32, #tpu.memory_space<vmem>>) offsets(%dma_start3A_1198 : memref<50xi32, #tpu.memory_space<vmem>>) semaphore(%dma_start3A_1203 : memref<!tpu.dma_semaphore, #tpu.memory_space<semaphore_mem>>)
        %mul3A_1204 = arith.constant 8 : i32
        %mul3A_1205 = arith.muli %add3A_1084, %mul3A_1204 : i32
        %add3A_1206 = arith.constant 6 : i32
        %add3A_1207 = arith.addi %mul3A_1205, %add3A_1206 : i32
        %dma_start3A_1208 = arith.constant 6 : i32
        %dma_start3A_1209 = arith.constant 0 : i32
        %dma_start3A_1210 = arith.constant 0 : i32
        %dma_start3A_1211 = arith.constant 0 : i32
        %dma_start3A_1212 = tpu.memref_slice %arg6[%dma_start3A_1208, %dma_start3A_1210, %dma_start3A_1211] : memref<8x50x32xf32, #tpu.memory_space<vmem>> -> memref<1x50x32xf32, #tpu.memory_space<vmem>>
        %dma_start3A_1213 = tpu.memref_squeeze %dma_start3A_1212 : memref<1x50x32xf32, #tpu.memory_space<vmem>> -> memref<50x32xf32, #tpu.memory_space<vmem>>
        %dma_start3A_1214 = arith.constant 0 : i32
        %dma_start3A_1215 = tpu.memref_slice %arg5[%add3A_1207, %dma_start3A_1214] : memref<512x50xi32, #tpu.memory_space<vmem>> -> memref<1x50xi32, #tpu.memory_space<vmem>>
        %dma_start3A_1216 = tpu.memref_squeeze %dma_start3A_1215 : memref<1x50xi32, #tpu.memory_space<vmem>> -> memref<50xi32, #tpu.memory_space<vmem>>
        %dma_start3A_1217 = arith.constant 0 : i32
        %dma_start3A_1218 = arith.constant 0 : i32
        %dma_start3A_1219 = tpu.memref_slice %arg3[%dma_start3A_1217, %dma_start3A_1218] : memref<1000000x32xf32, #tpu.memory_space<hbm>> -> memref<1000000x32xf32, #tpu.memory_space<hbm>>
        %dma_start3A_1220 = tpu.memref_slice %arg10[%dma_start3A_1209] : memref<4x!tpu.dma_semaphore, #tpu.memory_space<semaphore_mem>> -> memref<1x!tpu.dma_semaphore, #tpu.memory_space<semaphore_mem>>
        %dma_start3A_1221 = tpu.memref_squeeze %dma_start3A_1220 : memref<1x!tpu.dma_semaphore, #tpu.memory_space<semaphore_mem>> -> memref<!tpu.dma_semaphore, #tpu.memory_space<semaphore_mem>>
        tpu.enqueue_indirect_dma source(%dma_start3A_1219 : memref<1000000x32xf32, #tpu.memory_space<hbm>>) target(%dma_start3A_1213 : memref<50x32xf32, #tpu.memory_space<vmem>>) offsets(%dma_start3A_1216 : memref<50xi32, #tpu.memory_space<vmem>>) semaphore(%dma_start3A_1221 : memref<!tpu.dma_semaphore, #tpu.memory_space<semaphore_mem>>)
        %mul3A_1222 = arith.constant 8 : i32
        %mul3A_1223 = arith.muli %add3A_1084, %mul3A_1222 : i32
        %add3A_1224 = arith.constant 7 : i32
        %add3A_1225 = arith.addi %mul3A_1223, %add3A_1224 : i32
        %dma_start3A_1226 = arith.constant 7 : i32
        %dma_start3A_1227 = arith.constant 0 : i32
        %dma_start3A_1228 = arith.constant 0 : i32
        %dma_start3A_1229 = arith.constant 0 : i32
        %dma_start3A_1230 = tpu.memref_slice %arg6[%dma_start3A_1226, %dma_start3A_1228, %dma_start3A_1229] : memref<8x50x32xf32, #tpu.memory_space<vmem>> -> memref<1x50x32xf32, #tpu.memory_space<vmem>>
        %dma_start3A_1231 = tpu.memref_squeeze %dma_start3A_1230 : memref<1x50x32xf32, #tpu.memory_space<vmem>> -> memref<50x32xf32, #tpu.memory_space<vmem>>
        %dma_start3A_1232 = arith.constant 0 : i32
        %dma_start3A_1233 = tpu.memref_slice %arg5[%add3A_1225, %dma_start3A_1232] : memref<512x50xi32, #tpu.memory_space<vmem>> -> memref<1x50xi32, #tpu.memory_space<vmem>>
        %dma_start3A_1234 = tpu.memref_squeeze %dma_start3A_1233 : memref<1x50xi32, #tpu.memory_space<vmem>> -> memref<50xi32, #tpu.memory_space<vmem>>
        %dma_start3A_1235 = arith.constant 0 : i32
        %dma_start3A_1236 = arith.constant 0 : i32
        %dma_start3A_1237 = tpu.memref_slice %arg3[%dma_start3A_1235, %dma_start3A_1236] : memref<1000000x32xf32, #tpu.memory_space<hbm>> -> memref<1000000x32xf32, #tpu.memory_space<hbm>>
        %dma_start3A_1238 = tpu.memref_slice %arg10[%dma_start3A_1227] : memref<4x!tpu.dma_semaphore, #tpu.memory_space<semaphore_mem>> -> memref<1x!tpu.dma_semaphore, #tpu.memory_space<semaphore_mem>>
        %dma_start3A_1239 = tpu.memref_squeeze %dma_start3A_1238 : memref<1x!tpu.dma_semaphore, #tpu.memory_space<semaphore_mem>> -> memref<!tpu.dma_semaphore, #tpu.memory_space<semaphore_mem>>
        tpu.enqueue_indirect_dma source(%dma_start3A_1237 : memref<1000000x32xf32, #tpu.memory_space<hbm>>) target(%dma_start3A_1231 : memref<50x32xf32, #tpu.memory_space<vmem>>) offsets(%dma_start3A_1234 : memref<50xi32, #tpu.memory_space<vmem>>) semaphore(%dma_start3A_1239 : memref<!tpu.dma_semaphore, #tpu.memory_space<semaphore_mem>>)
        %add3A_1240 = arith.constant 1 : i32
        %add3A_1241 = arith.addi %scan3A_530, %add3A_1240 : i32
        %mul3A_1242 = arith.constant 4 : i32
        %mul3A_1243 = arith.muli %add3A_1241, %mul3A_1242 : i32
        %add3A_1244 = arith.constant 1 : i32
        %add3A_1245 = arith.addi %mul3A_1243, %add3A_1244 : i32
        %add3A_1246 = arith.constant 0 : i32
        %add3A_1247 = arith.addi %mul3A_2, %add3A_1246 : i32
        %dma_wait3A_1248 = arith.constant 1 : i32
        %dma_wait3A_1249 = arith.constant 0 : i32
        %dma_wait3A_1250 = arith.constant 0 : i32
        %dma_wait3A_1251 = tpu.memref_slice %arg4[%add3A_1247, %dma_wait3A_1249, %dma_wait3A_1250] : memref<16384x56x128xf32, #tpu.memory_space<hbm>> -> memref<8x50x32xf32, #tpu.memory_space<hbm>>
        %dma_wait3A_1252 = tpu.memref_slice %arg11[%dma_wait3A_1248] : memref<4x!tpu.dma_semaphore, #tpu.memory_space<semaphore_mem>> -> memref<1x!tpu.dma_semaphore, #tpu.memory_space<semaphore_mem>>
        %dma_wait3A_1253 = tpu.memref_squeeze %dma_wait3A_1252 : memref<1x!tpu.dma_semaphore, #tpu.memory_space<semaphore_mem>> -> memref<!tpu.dma_semaphore, #tpu.memory_space<semaphore_mem>>
        %dma_wait3A_1254 = arith.constant 0 : i32
        %dma_wait3A_1255 = arith.constant 0 : i32
        %dma_wait3A_1256 = tpu.memref_slice %arg4[%add3A_1247, %dma_wait3A_1254, %dma_wait3A_1255] : memref<16384x56x128xf32, #tpu.memory_space<hbm>> -> memref<8x50x32xf32, #tpu.memory_space<hbm>>
        tpu.wait_dma2 semaphore(%dma_wait3A_1253 : memref<!tpu.dma_semaphore, #tpu.memory_space<semaphore_mem>>) src(%arg7 : memref<8x50x32xf32, #tpu.memory_space<vmem>>) dst(%dma_wait3A_1256 : memref<8x50x32xf32, #tpu.memory_space<hbm>>)
        %mul3A_1257 = arith.constant 8 : i32
        %mul3A_1258 = arith.muli %add3A_1245, %mul3A_1257 : i32
        %add3A_1259 = arith.constant 0 : i32
        %add3A_1260 = arith.addi %mul3A_1258, %add3A_1259 : i32
        %dma_start3A_1261 = arith.constant 0 : i32
        %dma_start3A_1262 = arith.constant 1 : i32
        %dma_start3A_1263 = arith.constant 0 : i32
        %dma_start3A_1264 = arith.constant 0 : i32
        %dma_start3A_1265 = tpu.memref_slice %arg7[%dma_start3A_1261, %dma_start3A_1263, %dma_start3A_1264] : memref<8x50x32xf32, #tpu.memory_space<vmem>> -> memref<1x50x32xf32, #tpu.memory_space<vmem>>
        %dma_start3A_1266 = tpu.memref_squeeze %dma_start3A_1265 : memref<1x50x32xf32, #tpu.memory_space<vmem>> -> memref<50x32xf32, #tpu.memory_space<vmem>>
        %dma_start3A_1267 = arith.constant 0 : i32
        %dma_start3A_1268 = tpu.memref_slice %arg5[%add3A_1260, %dma_start3A_1267] : memref<512x50xi32, #tpu.memory_space<vmem>> -> memref<1x50xi32, #tpu.memory_space<vmem>>
        %dma_start3A_1269 = tpu.memref_squeeze %dma_start3A_1268 : memref<1x50xi32, #tpu.memory_space<vmem>> -> memref<50xi32, #tpu.memory_space<vmem>>
        %dma_start3A_1270 = arith.constant 0 : i32
        %dma_start3A_1271 = arith.constant 0 : i32
        %dma_start3A_1272 = tpu.memref_slice %arg3[%dma_start3A_1270, %dma_start3A_1271] : memref<1000000x32xf32, #tpu.memory_space<hbm>> -> memref<1000000x32xf32, #tpu.memory_space<hbm>>
        %dma_start3A_1273 = tpu.memref_slice %arg10[%dma_start3A_1262] : memref<4x!tpu.dma_semaphore, #tpu.memory_space<semaphore_mem>> -> memref<1x!tpu.dma_semaphore, #tpu.memory_space<semaphore_mem>>
        %dma_start3A_1274 = tpu.memref_squeeze %dma_start3A_1273 : memref<1x!tpu.dma_semaphore, #tpu.memory_space<semaphore_mem>> -> memref<!tpu.dma_semaphore, #tpu.memory_space<semaphore_mem>>
        tpu.enqueue_indirect_dma source(%dma_start3A_1272 : memref<1000000x32xf32, #tpu.memory_space<hbm>>) target(%dma_start3A_1266 : memref<50x32xf32, #tpu.memory_space<vmem>>) offsets(%dma_start3A_1269 : memref<50xi32, #tpu.memory_space<vmem>>) semaphore(%dma_start3A_1274 : memref<!tpu.dma_semaphore, #tpu.memory_space<semaphore_mem>>)
        %mul3A_1275 = arith.constant 8 : i32
        %mul3A_1276 = arith.muli %add3A_1245, %mul3A_1275 : i32
        %add3A_1277 = arith.constant 1 : i32
        %add3A_1278 = arith.addi %mul3A_1276, %add3A_1277 : i32
        %dma_start3A_1279 = arith.constant 1 : i32
        %dma_start3A_1280 = arith.constant 1 : i32
        %dma_start3A_1281 = arith.constant 0 : i32
        %dma_start3A_1282 = arith.constant 0 : i32
        %dma_start3A_1283 = tpu.memref_slice %arg7[%dma_start3A_1279, %dma_start3A_1281, %dma_start3A_1282] : memref<8x50x32xf32, #tpu.memory_space<vmem>> -> memref<1x50x32xf32, #tpu.memory_space<vmem>>
        %dma_start3A_1284 = tpu.memref_squeeze %dma_start3A_1283 : memref<1x50x32xf32, #tpu.memory_space<vmem>> -> memref<50x32xf32, #tpu.memory_space<vmem>>
        %dma_start3A_1285 = arith.constant 0 : i32
        %dma_start3A_1286 = tpu.memref_slice %arg5[%add3A_1278, %dma_start3A_1285] : memref<512x50xi32, #tpu.memory_space<vmem>> -> memref<1x50xi32, #tpu.memory_space<vmem>>
        %dma_start3A_1287 = tpu.memref_squeeze %dma_start3A_1286 : memref<1x50xi32, #tpu.memory_space<vmem>> -> memref<50xi32, #tpu.memory_space<vmem>>
        %dma_start3A_1288 = arith.constant 0 : i32
        %dma_start3A_1289 = arith.constant 0 : i32
        %dma_start3A_1290 = tpu.memref_slice %arg3[%dma_start3A_1288, %dma_start3A_1289] : memref<1000000x32xf32, #tpu.memory_space<hbm>> -> memref<1000000x32xf32, #tpu.memory_space<hbm>>
        %dma_start3A_1291 = tpu.memref_slice %arg10[%dma_start3A_1280] : memref<4x!tpu.dma_semaphore, #tpu.memory_space<semaphore_mem>> -> memref<1x!tpu.dma_semaphore, #tpu.memory_space<semaphore_mem>>
        %dma_start3A_1292 = tpu.memref_squeeze %dma_start3A_1291 : memref<1x!tpu.dma_semaphore, #tpu.memory_space<semaphore_mem>> -> memref<!tpu.dma_semaphore, #tpu.memory_space<semaphore_mem>>
        tpu.enqueue_indirect_dma source(%dma_start3A_1290 : memref<1000000x32xf32, #tpu.memory_space<hbm>>) target(%dma_start3A_1284 : memref<50x32xf32, #tpu.memory_space<vmem>>) offsets(%dma_start3A_1287 : memref<50xi32, #tpu.memory_space<vmem>>) semaphore(%dma_start3A_1292 : memref<!tpu.dma_semaphore, #tpu.memory_space<semaphore_mem>>)
        %mul3A_1293 = arith.constant 8 : i32
        %mul3A_1294 = arith.muli %add3A_1245, %mul3A_1293 : i32
        %add3A_1295 = arith.constant 2 : i32
        %add3A_1296 = arith.addi %mul3A_1294, %add3A_1295 : i32
        %dma_start3A_1297 = arith.constant 2 : i32
        %dma_start3A_1298 = arith.constant 1 : i32
        %dma_start3A_1299 = arith.constant 0 : i32
        %dma_start3A_1300 = arith.constant 0 : i32
        %dma_start3A_1301 = tpu.memref_slice %arg7[%dma_start3A_1297, %dma_start3A_1299, %dma_start3A_1300] : memref<8x50x32xf32, #tpu.memory_space<vmem>> -> memref<1x50x32xf32, #tpu.memory_space<vmem>>
        %dma_start3A_1302 = tpu.memref_squeeze %dma_start3A_1301 : memref<1x50x32xf32, #tpu.memory_space<vmem>> -> memref<50x32xf32, #tpu.memory_space<vmem>>
        %dma_start3A_1303 = arith.constant 0 : i32
        %dma_start3A_1304 = tpu.memref_slice %arg5[%add3A_1296, %dma_start3A_1303] : memref<512x50xi32, #tpu.memory_space<vmem>> -> memref<1x50xi32, #tpu.memory_space<vmem>>
        %dma_start3A_1305 = tpu.memref_squeeze %dma_start3A_1304 : memref<1x50xi32, #tpu.memory_space<vmem>> -> memref<50xi32, #tpu.memory_space<vmem>>
        %dma_start3A_1306 = arith.constant 0 : i32
        %dma_start3A_1307 = arith.constant 0 : i32
        %dma_start3A_1308 = tpu.memref_slice %arg3[%dma_start3A_1306, %dma_start3A_1307] : memref<1000000x32xf32, #tpu.memory_space<hbm>> -> memref<1000000x32xf32, #tpu.memory_space<hbm>>
        %dma_start3A_1309 = tpu.memref_slice %arg10[%dma_start3A_1298] : memref<4x!tpu.dma_semaphore, #tpu.memory_space<semaphore_mem>> -> memref<1x!tpu.dma_semaphore, #tpu.memory_space<semaphore_mem>>
        %dma_start3A_1310 = tpu.memref_squeeze %dma_start3A_1309 : memref<1x!tpu.dma_semaphore, #tpu.memory_space<semaphore_mem>> -> memref<!tpu.dma_semaphore, #tpu.memory_space<semaphore_mem>>
        tpu.enqueue_indirect_dma source(%dma_start3A_1308 : memref<1000000x32xf32, #tpu.memory_space<hbm>>) target(%dma_start3A_1302 : memref<50x32xf32, #tpu.memory_space<vmem>>) offsets(%dma_start3A_1305 : memref<50xi32, #tpu.memory_space<vmem>>) semaphore(%dma_start3A_1310 : memref<!tpu.dma_semaphore, #tpu.memory_space<semaphore_mem>>)
        %mul3A_1311 = arith.constant 8 : i32
        %mul3A_1312 = arith.muli %add3A_1245, %mul3A_1311 : i32
        %add3A_1313 = arith.constant 3 : i32
        %add3A_1314 = arith.addi %mul3A_1312, %add3A_1313 : i32
        %dma_start3A_1315 = arith.constant 3 : i32
        %dma_start3A_1316 = arith.constant 1 : i32
        %dma_start3A_1317 = arith.constant 0 : i32
        %dma_start3A_1318 = arith.constant 0 : i32
        %dma_start3A_1319 = tpu.memref_slice %arg7[%dma_start3A_1315, %dma_start3A_1317, %dma_start3A_1318] : memref<8x50x32xf32, #tpu.memory_space<vmem>> -> memref<1x50x32xf32, #tpu.memory_space<vmem>>
        %dma_start3A_1320 = tpu.memref_squeeze %dma_start3A_1319 : memref<1x50x32xf32, #tpu.memory_space<vmem>> -> memref<50x32xf32, #tpu.memory_space<vmem>>
        %dma_start3A_1321 = arith.constant 0 : i32
        %dma_start3A_1322 = tpu.memref_slice %arg5[%add3A_1314, %dma_start3A_1321] : memref<512x50xi32, #tpu.memory_space<vmem>> -> memref<1x50xi32, #tpu.memory_space<vmem>>
        %dma_start3A_1323 = tpu.memref_squeeze %dma_start3A_1322 : memref<1x50xi32, #tpu.memory_space<vmem>> -> memref<50xi32, #tpu.memory_space<vmem>>
        %dma_start3A_1324 = arith.constant 0 : i32
        %dma_start3A_1325 = arith.constant 0 : i32
        %dma_start3A_1326 = tpu.memref_slice %arg3[%dma_start3A_1324, %dma_start3A_1325] : memref<1000000x32xf32, #tpu.memory_space<hbm>> -> memref<1000000x32xf32, #tpu.memory_space<hbm>>
        %dma_start3A_1327 = tpu.memref_slice %arg10[%dma_start3A_1316] : memref<4x!tpu.dma_semaphore, #tpu.memory_space<semaphore_mem>> -> memref<1x!tpu.dma_semaphore, #tpu.memory_space<semaphore_mem>>
        %dma_start3A_1328 = tpu.memref_squeeze %dma_start3A_1327 : memref<1x!tpu.dma_semaphore, #tpu.memory_space<semaphore_mem>> -> memref<!tpu.dma_semaphore, #tpu.memory_space<semaphore_mem>>
        tpu.enqueue_indirect_dma source(%dma_start3A_1326 : memref<1000000x32xf32, #tpu.memory_space<hbm>>) target(%dma_start3A_1320 : memref<50x32xf32, #tpu.memory_space<vmem>>) offsets(%dma_start3A_1323 : memref<50xi32, #tpu.memory_space<vmem>>) semaphore(%dma_start3A_1328 : memref<!tpu.dma_semaphore, #tpu.memory_space<semaphore_mem>>)
        %mul3A_1329 = arith.constant 8 : i32
        %mul3A_1330 = arith.muli %add3A_1245, %mul3A_1329 : i32
        %add3A_1331 = arith.constant 4 : i32
        %add3A_1332 = arith.addi %mul3A_1330, %add3A_1331 : i32
        %dma_start3A_1333 = arith.constant 4 : i32
        %dma_start3A_1334 = arith.constant 1 : i32
        %dma_start3A_1335 = arith.constant 0 : i32
        %dma_start3A_1336 = arith.constant 0 : i32
        %dma_start3A_1337 = tpu.memref_slice %arg7[%dma_start3A_1333, %dma_start3A_1335, %dma_start3A_1336] : memref<8x50x32xf32, #tpu.memory_space<vmem>> -> memref<1x50x32xf32, #tpu.memory_space<vmem>>
        %dma_start3A_1338 = tpu.memref_squeeze %dma_start3A_1337 : memref<1x50x32xf32, #tpu.memory_space<vmem>> -> memref<50x32xf32, #tpu.memory_space<vmem>>
        %dma_start3A_1339 = arith.constant 0 : i32
        %dma_start3A_1340 = tpu.memref_slice %arg5[%add3A_1332, %dma_start3A_1339] : memref<512x50xi32, #tpu.memory_space<vmem>> -> memref<1x50xi32, #tpu.memory_space<vmem>>
        %dma_start3A_1341 = tpu.memref_squeeze %dma_start3A_1340 : memref<1x50xi32, #tpu.memory_space<vmem>> -> memref<50xi32, #tpu.memory_space<vmem>>
        %dma_start3A_1342 = arith.constant 0 : i32
        %dma_start3A_1343 = arith.constant 0 : i32
        %dma_start3A_1344 = tpu.memref_slice %arg3[%dma_start3A_1342, %dma_start3A_1343] : memref<1000000x32xf32, #tpu.memory_space<hbm>> -> memref<1000000x32xf32, #tpu.memory_space<hbm>>
        %dma_start3A_1345 = tpu.memref_slice %arg10[%dma_start3A_1334] : memref<4x!tpu.dma_semaphore, #tpu.memory_space<semaphore_mem>> -> memref<1x!tpu.dma_semaphore, #tpu.memory_space<semaphore_mem>>
        %dma_start3A_1346 = tpu.memref_squeeze %dma_start3A_1345 : memref<1x!tpu.dma_semaphore, #tpu.memory_space<semaphore_mem>> -> memref<!tpu.dma_semaphore, #tpu.memory_space<semaphore_mem>>
        tpu.enqueue_indirect_dma source(%dma_start3A_1344 : memref<1000000x32xf32, #tpu.memory_space<hbm>>) target(%dma_start3A_1338 : memref<50x32xf32, #tpu.memory_space<vmem>>) offsets(%dma_start3A_1341 : memref<50xi32, #tpu.memory_space<vmem>>) semaphore(%dma_start3A_1346 : memref<!tpu.dma_semaphore, #tpu.memory_space<semaphore_mem>>)
        %mul3A_1347 = arith.constant 8 : i32
        %mul3A_1348 = arith.muli %add3A_1245, %mul3A_1347 : i32
        %add3A_1349 = arith.constant 5 : i32
        %add3A_1350 = arith.addi %mul3A_1348, %add3A_1349 : i32
        %dma_start3A_1351 = arith.constant 5 : i32
        %dma_start3A_1352 = arith.constant 1 : i32
        %dma_start3A_1353 = arith.constant 0 : i32
        %dma_start3A_1354 = arith.constant 0 : i32
        %dma_start3A_1355 = tpu.memref_slice %arg7[%dma_start3A_1351, %dma_start3A_1353, %dma_start3A_1354] : memref<8x50x32xf32, #tpu.memory_space<vmem>> -> memref<1x50x32xf32, #tpu.memory_space<vmem>>
        %dma_start3A_1356 = tpu.memref_squeeze %dma_start3A_1355 : memref<1x50x32xf32, #tpu.memory_space<vmem>> -> memref<50x32xf32, #tpu.memory_space<vmem>>
        %dma_start3A_1357 = arith.constant 0 : i32
        %dma_start3A_1358 = tpu.memref_slice %arg5[%add3A_1350, %dma_start3A_1357] : memref<512x50xi32, #tpu.memory_space<vmem>> -> memref<1x50xi32, #tpu.memory_space<vmem>>
        %dma_start3A_1359 = tpu.memref_squeeze %dma_start3A_1358 : memref<1x50xi32, #tpu.memory_space<vmem>> -> memref<50xi32, #tpu.memory_space<vmem>>
        %dma_start3A_1360 = arith.constant 0 : i32
        %dma_start3A_1361 = arith.constant 0 : i32
        %dma_start3A_1362 = tpu.memref_slice %arg3[%dma_start3A_1360, %dma_start3A_1361] : memref<1000000x32xf32, #tpu.memory_space<hbm>> -> memref<1000000x32xf32, #tpu.memory_space<hbm>>
        %dma_start3A_1363 = tpu.memref_slice %arg10[%dma_start3A_1352] : memref<4x!tpu.dma_semaphore, #tpu.memory_space<semaphore_mem>> -> memref<1x!tpu.dma_semaphore, #tpu.memory_space<semaphore_mem>>
        %dma_start3A_1364 = tpu.memref_squeeze %dma_start3A_1363 : memref<1x!tpu.dma_semaphore, #tpu.memory_space<semaphore_mem>> -> memref<!tpu.dma_semaphore, #tpu.memory_space<semaphore_mem>>
        tpu.enqueue_indirect_dma source(%dma_start3A_1362 : memref<1000000x32xf32, #tpu.memory_space<hbm>>) target(%dma_start3A_1356 : memref<50x32xf32, #tpu.memory_space<vmem>>) offsets(%dma_start3A_1359 : memref<50xi32, #tpu.memory_space<vmem>>) semaphore(%dma_start3A_1364 : memref<!tpu.dma_semaphore, #tpu.memory_space<semaphore_mem>>)
        %mul3A_1365 = arith.constant 8 : i32
        %mul3A_1366 = arith.muli %add3A_1245, %mul3A_1365 : i32
        %add3A_1367 = arith.constant 6 : i32
        %add3A_1368 = arith.addi %mul3A_1366, %add3A_1367 : i32
        %dma_start3A_1369 = arith.constant 6 : i32
        %dma_start3A_1370 = arith.constant 1 : i32
        %dma_start3A_1371 = arith.constant 0 : i32
        %dma_start3A_1372 = arith.constant 0 : i32
        %dma_start3A_1373 = tpu.memref_slice %arg7[%dma_start3A_1369, %dma_start3A_1371, %dma_start3A_1372] : memref<8x50x32xf32, #tpu.memory_space<vmem>> -> memref<1x50x32xf32, #tpu.memory_space<vmem>>
        %dma_start3A_1374 = tpu.memref_squeeze %dma_start3A_1373 : memref<1x50x32xf32, #tpu.memory_space<vmem>> -> memref<50x32xf32, #tpu.memory_space<vmem>>
        %dma_start3A_1375 = arith.constant 0 : i32
        %dma_start3A_1376 = tpu.memref_slice %arg5[%add3A_1368, %dma_start3A_1375] : memref<512x50xi32, #tpu.memory_space<vmem>> -> memref<1x50xi32, #tpu.memory_space<vmem>>
        %dma_start3A_1377 = tpu.memref_squeeze %dma_start3A_1376 : memref<1x50xi32, #tpu.memory_space<vmem>> -> memref<50xi32, #tpu.memory_space<vmem>>
        %dma_start3A_1378 = arith.constant 0 : i32
        %dma_start3A_1379 = arith.constant 0 : i32
        %dma_start3A_1380 = tpu.memref_slice %arg3[%dma_start3A_1378, %dma_start3A_1379] : memref<1000000x32xf32, #tpu.memory_space<hbm>> -> memref<1000000x32xf32, #tpu.memory_space<hbm>>
        %dma_start3A_1381 = tpu.memref_slice %arg10[%dma_start3A_1370] : memref<4x!tpu.dma_semaphore, #tpu.memory_space<semaphore_mem>> -> memref<1x!tpu.dma_semaphore, #tpu.memory_space<semaphore_mem>>
        %dma_start3A_1382 = tpu.memref_squeeze %dma_start3A_1381 : memref<1x!tpu.dma_semaphore, #tpu.memory_space<semaphore_mem>> -> memref<!tpu.dma_semaphore, #tpu.memory_space<semaphore_mem>>
        tpu.enqueue_indirect_dma source(%dma_start3A_1380 : memref<1000000x32xf32, #tpu.memory_space<hbm>>) target(%dma_start3A_1374 : memref<50x32xf32, #tpu.memory_space<vmem>>) offsets(%dma_start3A_1377 : memref<50xi32, #tpu.memory_space<vmem>>) semaphore(%dma_start3A_1382 : memref<!tpu.dma_semaphore, #tpu.memory_space<semaphore_mem>>)
        %mul3A_1383 = arith.constant 8 : i32
        %mul3A_1384 = arith.muli %add3A_1245, %mul3A_1383 : i32
        %add3A_1385 = arith.constant 7 : i32
        %add3A_1386 = arith.addi %mul3A_1384, %add3A_1385 : i32
        %dma_start3A_1387 = arith.constant 7 : i32
        %dma_start3A_1388 = arith.constant 1 : i32
        %dma_start3A_1389 = arith.constant 0 : i32
        %dma_start3A_1390 = arith.constant 0 : i32
        %dma_start3A_1391 = tpu.memref_slice %arg7[%dma_start3A_1387, %dma_start3A_1389, %dma_start3A_1390] : memref<8x50x32xf32, #tpu.memory_space<vmem>> -> memref<1x50x32xf32, #tpu.memory_space<vmem>>
        %dma_start3A_1392 = tpu.memref_squeeze %dma_start3A_1391 : memref<1x50x32xf32, #tpu.memory_space<vmem>> -> memref<50x32xf32, #tpu.memory_space<vmem>>
        %dma_start3A_1393 = arith.constant 0 : i32
        %dma_start3A_1394 = tpu.memref_slice %arg5[%add3A_1386, %dma_start3A_1393] : memref<512x50xi32, #tpu.memory_space<vmem>> -> memref<1x50xi32, #tpu.memory_space<vmem>>
        %dma_start3A_1395 = tpu.memref_squeeze %dma_start3A_1394 : memref<1x50xi32, #tpu.memory_space<vmem>> -> memref<50xi32, #tpu.memory_space<vmem>>
        %dma_start3A_1396 = arith.constant 0 : i32
        %dma_start3A_1397 = arith.constant 0 : i32
        %dma_start3A_1398 = tpu.memref_slice %arg3[%dma_start3A_1396, %dma_start3A_1397] : memref<1000000x32xf32, #tpu.memory_space<hbm>> -> memref<1000000x32xf32, #tpu.memory_space<hbm>>
        %dma_start3A_1399 = tpu.memref_slice %arg10[%dma_start3A_1388] : memref<4x!tpu.dma_semaphore, #tpu.memory_space<semaphore_mem>> -> memref<1x!tpu.dma_semaphore, #tpu.memory_space<semaphore_mem>>
        %dma_start3A_1400 = tpu.memref_squeeze %dma_start3A_1399 : memref<1x!tpu.dma_semaphore, #tpu.memory_space<semaphore_mem>> -> memref<!tpu.dma_semaphore, #tpu.memory_space<semaphore_mem>>
        tpu.enqueue_indirect_dma source(%dma_start3A_1398 : memref<1000000x32xf32, #tpu.memory_space<hbm>>) target(%dma_start3A_1392 : memref<50x32xf32, #tpu.memory_space<vmem>>) offsets(%dma_start3A_1395 : memref<50xi32, #tpu.memory_space<vmem>>) semaphore(%dma_start3A_1400 : memref<!tpu.dma_semaphore, #tpu.memory_space<semaphore_mem>>)
        %add3A_1401 = arith.constant 1 : i32
        %add3A_1402 = arith.addi %scan3A_530, %add3A_1401 : i32
        %mul3A_1403 = arith.constant 4 : i32
        %mul3A_1404 = arith.muli %add3A_1402, %mul3A_1403 : i32
        %add3A_1405 = arith.constant 2 : i32
        %add3A_1406 = arith.addi %mul3A_1404, %add3A_1405 : i32
        %add3A_1407 = arith.constant 0 : i32
        %add3A_1408 = arith.addi %mul3A_2, %add3A_1407 : i32
        %dma_wait3A_1409 = arith.constant 2 : i32
        %dma_wait3A_1410 = arith.constant 0 : i32
        %dma_wait3A_1411 = arith.constant 0 : i32
        %dma_wait3A_1412 = tpu.memref_slice %arg4[%add3A_1408, %dma_wait3A_1410, %dma_wait3A_1411] : memref<16384x56x128xf32, #tpu.memory_space<hbm>> -> memref<8x50x32xf32, #tpu.memory_space<hbm>>
        %dma_wait3A_1413 = tpu.memref_slice %arg11[%dma_wait3A_1409] : memref<4x!tpu.dma_semaphore, #tpu.memory_space<semaphore_mem>> -> memref<1x!tpu.dma_semaphore, #tpu.memory_space<semaphore_mem>>
        %dma_wait3A_1414 = tpu.memref_squeeze %dma_wait3A_1413 : memref<1x!tpu.dma_semaphore, #tpu.memory_space<semaphore_mem>> -> memref<!tpu.dma_semaphore, #tpu.memory_space<semaphore_mem>>
        %dma_wait3A_1415 = arith.constant 0 : i32
        %dma_wait3A_1416 = arith.constant 0 : i32
        %dma_wait3A_1417 = tpu.memref_slice %arg4[%add3A_1408, %dma_wait3A_1415, %dma_wait3A_1416] : memref<16384x56x128xf32, #tpu.memory_space<hbm>> -> memref<8x50x32xf32, #tpu.memory_space<hbm>>
        tpu.wait_dma2 semaphore(%dma_wait3A_1414 : memref<!tpu.dma_semaphore, #tpu.memory_space<semaphore_mem>>) src(%arg8 : memref<8x50x32xf32, #tpu.memory_space<vmem>>) dst(%dma_wait3A_1417 : memref<8x50x32xf32, #tpu.memory_space<hbm>>)
        %mul3A_1418 = arith.constant 8 : i32
        %mul3A_1419 = arith.muli %add3A_1406, %mul3A_1418 : i32
        %add3A_1420 = arith.constant 0 : i32
        %add3A_1421 = arith.addi %mul3A_1419, %add3A_1420 : i32
        %dma_start3A_1422 = arith.constant 0 : i32
        %dma_start3A_1423 = arith.constant 2 : i32
        %dma_start3A_1424 = arith.constant 0 : i32
        %dma_start3A_1425 = arith.constant 0 : i32
        %dma_start3A_1426 = tpu.memref_slice %arg8[%dma_start3A_1422, %dma_start3A_1424, %dma_start3A_1425] : memref<8x50x32xf32, #tpu.memory_space<vmem>> -> memref<1x50x32xf32, #tpu.memory_space<vmem>>
        %dma_start3A_1427 = tpu.memref_squeeze %dma_start3A_1426 : memref<1x50x32xf32, #tpu.memory_space<vmem>> -> memref<50x32xf32, #tpu.memory_space<vmem>>
        %dma_start3A_1428 = arith.constant 0 : i32
        %dma_start3A_1429 = tpu.memref_slice %arg5[%add3A_1421, %dma_start3A_1428] : memref<512x50xi32, #tpu.memory_space<vmem>> -> memref<1x50xi32, #tpu.memory_space<vmem>>
        %dma_start3A_1430 = tpu.memref_squeeze %dma_start3A_1429 : memref<1x50xi32, #tpu.memory_space<vmem>> -> memref<50xi32, #tpu.memory_space<vmem>>
        %dma_start3A_1431 = arith.constant 0 : i32
        %dma_start3A_1432 = arith.constant 0 : i32
        %dma_start3A_1433 = tpu.memref_slice %arg3[%dma_start3A_1431, %dma_start3A_1432] : memref<1000000x32xf32, #tpu.memory_space<hbm>> -> memref<1000000x32xf32, #tpu.memory_space<hbm>>
        %dma_start3A_1434 = tpu.memref_slice %arg10[%dma_start3A_1423] : memref<4x!tpu.dma_semaphore, #tpu.memory_space<semaphore_mem>> -> memref<1x!tpu.dma_semaphore, #tpu.memory_space<semaphore_mem>>
        %dma_start3A_1435 = tpu.memref_squeeze %dma_start3A_1434 : memref<1x!tpu.dma_semaphore, #tpu.memory_space<semaphore_mem>> -> memref<!tpu.dma_semaphore, #tpu.memory_space<semaphore_mem>>
        tpu.enqueue_indirect_dma source(%dma_start3A_1433 : memref<1000000x32xf32, #tpu.memory_space<hbm>>) target(%dma_start3A_1427 : memref<50x32xf32, #tpu.memory_space<vmem>>) offsets(%dma_start3A_1430 : memref<50xi32, #tpu.memory_space<vmem>>) semaphore(%dma_start3A_1435 : memref<!tpu.dma_semaphore, #tpu.memory_space<semaphore_mem>>)
        %mul3A_1436 = arith.constant 8 : i32
        %mul3A_1437 = arith.muli %add3A_1406, %mul3A_1436 : i32
        %add3A_1438 = arith.constant 1 : i32
        %add3A_1439 = arith.addi %mul3A_1437, %add3A_1438 : i32
        %dma_start3A_1440 = arith.constant 1 : i32
        %dma_start3A_1441 = arith.constant 2 : i32
        %dma_start3A_1442 = arith.constant 0 : i32
        %dma_start3A_1443 = arith.constant 0 : i32
        %dma_start3A_1444 = tpu.memref_slice %arg8[%dma_start3A_1440, %dma_start3A_1442, %dma_start3A_1443] : memref<8x50x32xf32, #tpu.memory_space<vmem>> -> memref<1x50x32xf32, #tpu.memory_space<vmem>>
        %dma_start3A_1445 = tpu.memref_squeeze %dma_start3A_1444 : memref<1x50x32xf32, #tpu.memory_space<vmem>> -> memref<50x32xf32, #tpu.memory_space<vmem>>
        %dma_start3A_1446 = arith.constant 0 : i32
        %dma_start3A_1447 = tpu.memref_slice %arg5[%add3A_1439, %dma_start3A_1446] : memref<512x50xi32, #tpu.memory_space<vmem>> -> memref<1x50xi32, #tpu.memory_space<vmem>>
        %dma_start3A_1448 = tpu.memref_squeeze %dma_start3A_1447 : memref<1x50xi32, #tpu.memory_space<vmem>> -> memref<50xi32, #tpu.memory_space<vmem>>
        %dma_start3A_1449 = arith.constant 0 : i32
        %dma_start3A_1450 = arith.constant 0 : i32
        %dma_start3A_1451 = tpu.memref_slice %arg3[%dma_start3A_1449, %dma_start3A_1450] : memref<1000000x32xf32, #tpu.memory_space<hbm>> -> memref<1000000x32xf32, #tpu.memory_space<hbm>>
        %dma_start3A_1452 = tpu.memref_slice %arg10[%dma_start3A_1441] : memref<4x!tpu.dma_semaphore, #tpu.memory_space<semaphore_mem>> -> memref<1x!tpu.dma_semaphore, #tpu.memory_space<semaphore_mem>>
        %dma_start3A_1453 = tpu.memref_squeeze %dma_start3A_1452 : memref<1x!tpu.dma_semaphore, #tpu.memory_space<semaphore_mem>> -> memref<!tpu.dma_semaphore, #tpu.memory_space<semaphore_mem>>
        tpu.enqueue_indirect_dma source(%dma_start3A_1451 : memref<1000000x32xf32, #tpu.memory_space<hbm>>) target(%dma_start3A_1445 : memref<50x32xf32, #tpu.memory_space<vmem>>) offsets(%dma_start3A_1448 : memref<50xi32, #tpu.memory_space<vmem>>) semaphore(%dma_start3A_1453 : memref<!tpu.dma_semaphore, #tpu.memory_space<semaphore_mem>>)
        %mul3A_1454 = arith.constant 8 : i32
        %mul3A_1455 = arith.muli %add3A_1406, %mul3A_1454 : i32
        %add3A_1456 = arith.constant 2 : i32
        %add3A_1457 = arith.addi %mul3A_1455, %add3A_1456 : i32
        %dma_start3A_1458 = arith.constant 2 : i32
        %dma_start3A_1459 = arith.constant 2 : i32
        %dma_start3A_1460 = arith.constant 0 : i32
        %dma_start3A_1461 = arith.constant 0 : i32
        %dma_start3A_1462 = tpu.memref_slice %arg8[%dma_start3A_1458, %dma_start3A_1460, %dma_start3A_1461] : memref<8x50x32xf32, #tpu.memory_space<vmem>> -> memref<1x50x32xf32, #tpu.memory_space<vmem>>
        %dma_start3A_1463 = tpu.memref_squeeze %dma_start3A_1462 : memref<1x50x32xf32, #tpu.memory_space<vmem>> -> memref<50x32xf32, #tpu.memory_space<vmem>>
        %dma_start3A_1464 = arith.constant 0 : i32
        %dma_start3A_1465 = tpu.memref_slice %arg5[%add3A_1457, %dma_start3A_1464] : memref<512x50xi32, #tpu.memory_space<vmem>> -> memref<1x50xi32, #tpu.memory_space<vmem>>
        %dma_start3A_1466 = tpu.memref_squeeze %dma_start3A_1465 : memref<1x50xi32, #tpu.memory_space<vmem>> -> memref<50xi32, #tpu.memory_space<vmem>>
        %dma_start3A_1467 = arith.constant 0 : i32
        %dma_start3A_1468 = arith.constant 0 : i32
        %dma_start3A_1469 = tpu.memref_slice %arg3[%dma_start3A_1467, %dma_start3A_1468] : memref<1000000x32xf32, #tpu.memory_space<hbm>> -> memref<1000000x32xf32, #tpu.memory_space<hbm>>
        %dma_start3A_1470 = tpu.memref_slice %arg10[%dma_start3A_1459] : memref<4x!tpu.dma_semaphore, #tpu.memory_space<semaphore_mem>> -> memref<1x!tpu.dma_semaphore, #tpu.memory_space<semaphore_mem>>
        %dma_start3A_1471 = tpu.memref_squeeze %dma_start3A_1470 : memref<1x!tpu.dma_semaphore, #tpu.memory_space<semaphore_mem>> -> memref<!tpu.dma_semaphore, #tpu.memory_space<semaphore_mem>>
        tpu.enqueue_indirect_dma source(%dma_start3A_1469 : memref<1000000x32xf32, #tpu.memory_space<hbm>>) target(%dma_start3A_1463 : memref<50x32xf32, #tpu.memory_space<vmem>>) offsets(%dma_start3A_1466 : memref<50xi32, #tpu.memory_space<vmem>>) semaphore(%dma_start3A_1471 : memref<!tpu.dma_semaphore, #tpu.memory_space<semaphore_mem>>)
        %mul3A_1472 = arith.constant 8 : i32
        %mul3A_1473 = arith.muli %add3A_1406, %mul3A_1472 : i32
        %add3A_1474 = arith.constant 3 : i32
        %add3A_1475 = arith.addi %mul3A_1473, %add3A_1474 : i32
        %dma_start3A_1476 = arith.constant 3 : i32
        %dma_start3A_1477 = arith.constant 2 : i32
        %dma_start3A_1478 = arith.constant 0 : i32
        %dma_start3A_1479 = arith.constant 0 : i32
        %dma_start3A_1480 = tpu.memref_slice %arg8[%dma_start3A_1476, %dma_start3A_1478, %dma_start3A_1479] : memref<8x50x32xf32, #tpu.memory_space<vmem>> -> memref<1x50x32xf32, #tpu.memory_space<vmem>>
        %dma_start3A_1481 = tpu.memref_squeeze %dma_start3A_1480 : memref<1x50x32xf32, #tpu.memory_space<vmem>> -> memref<50x32xf32, #tpu.memory_space<vmem>>
        %dma_start3A_1482 = arith.constant 0 : i32
        %dma_start3A_1483 = tpu.memref_slice %arg5[%add3A_1475, %dma_start3A_1482] : memref<512x50xi32, #tpu.memory_space<vmem>> -> memref<1x50xi32, #tpu.memory_space<vmem>>
        %dma_start3A_1484 = tpu.memref_squeeze %dma_start3A_1483 : memref<1x50xi32, #tpu.memory_space<vmem>> -> memref<50xi32, #tpu.memory_space<vmem>>
        %dma_start3A_1485 = arith.constant 0 : i32
        %dma_start3A_1486 = arith.constant 0 : i32
        %dma_start3A_1487 = tpu.memref_slice %arg3[%dma_start3A_1485, %dma_start3A_1486] : memref<1000000x32xf32, #tpu.memory_space<hbm>> -> memref<1000000x32xf32, #tpu.memory_space<hbm>>
        %dma_start3A_1488 = tpu.memref_slice %arg10[%dma_start3A_1477] : memref<4x!tpu.dma_semaphore, #tpu.memory_space<semaphore_mem>> -> memref<1x!tpu.dma_semaphore, #tpu.memory_space<semaphore_mem>>
        %dma_start3A_1489 = tpu.memref_squeeze %dma_start3A_1488 : memref<1x!tpu.dma_semaphore, #tpu.memory_space<semaphore_mem>> -> memref<!tpu.dma_semaphore, #tpu.memory_space<semaphore_mem>>
        tpu.enqueue_indirect_dma source(%dma_start3A_1487 : memref<1000000x32xf32, #tpu.memory_space<hbm>>) target(%dma_start3A_1481 : memref<50x32xf32, #tpu.memory_space<vmem>>) offsets(%dma_start3A_1484 : memref<50xi32, #tpu.memory_space<vmem>>) semaphore(%dma_start3A_1489 : memref<!tpu.dma_semaphore, #tpu.memory_space<semaphore_mem>>)
        %mul3A_1490 = arith.constant 8 : i32
        %mul3A_1491 = arith.muli %add3A_1406, %mul3A_1490 : i32
        %add3A_1492 = arith.constant 4 : i32
        %add3A_1493 = arith.addi %mul3A_1491, %add3A_1492 : i32
        %dma_start3A_1494 = arith.constant 4 : i32
        %dma_start3A_1495 = arith.constant 2 : i32
        %dma_start3A_1496 = arith.constant 0 : i32
        %dma_start3A_1497 = arith.constant 0 : i32
        %dma_start3A_1498 = tpu.memref_slice %arg8[%dma_start3A_1494, %dma_start3A_1496, %dma_start3A_1497] : memref<8x50x32xf32, #tpu.memory_space<vmem>> -> memref<1x50x32xf32, #tpu.memory_space<vmem>>
        %dma_start3A_1499 = tpu.memref_squeeze %dma_start3A_1498 : memref<1x50x32xf32, #tpu.memory_space<vmem>> -> memref<50x32xf32, #tpu.memory_space<vmem>>
        %dma_start3A_1500 = arith.constant 0 : i32
        %dma_start3A_1501 = tpu.memref_slice %arg5[%add3A_1493, %dma_start3A_1500] : memref<512x50xi32, #tpu.memory_space<vmem>> -> memref<1x50xi32, #tpu.memory_space<vmem>>
        %dma_start3A_1502 = tpu.memref_squeeze %dma_start3A_1501 : memref<1x50xi32, #tpu.memory_space<vmem>> -> memref<50xi32, #tpu.memory_space<vmem>>
        %dma_start3A_1503 = arith.constant 0 : i32
        %dma_start3A_1504 = arith.constant 0 : i32
        %dma_start3A_1505 = tpu.memref_slice %arg3[%dma_start3A_1503, %dma_start3A_1504] : memref<1000000x32xf32, #tpu.memory_space<hbm>> -> memref<1000000x32xf32, #tpu.memory_space<hbm>>
        %dma_start3A_1506 = tpu.memref_slice %arg10[%dma_start3A_1495] : memref<4x!tpu.dma_semaphore, #tpu.memory_space<semaphore_mem>> -> memref<1x!tpu.dma_semaphore, #tpu.memory_space<semaphore_mem>>
        %dma_start3A_1507 = tpu.memref_squeeze %dma_start3A_1506 : memref<1x!tpu.dma_semaphore, #tpu.memory_space<semaphore_mem>> -> memref<!tpu.dma_semaphore, #tpu.memory_space<semaphore_mem>>
        tpu.enqueue_indirect_dma source(%dma_start3A_1505 : memref<1000000x32xf32, #tpu.memory_space<hbm>>) target(%dma_start3A_1499 : memref<50x32xf32, #tpu.memory_space<vmem>>) offsets(%dma_start3A_1502 : memref<50xi32, #tpu.memory_space<vmem>>) semaphore(%dma_start3A_1507 : memref<!tpu.dma_semaphore, #tpu.memory_space<semaphore_mem>>)
        %mul3A_1508 = arith.constant 8 : i32
        %mul3A_1509 = arith.muli %add3A_1406, %mul3A_1508 : i32
        %add3A_1510 = arith.constant 5 : i32
        %add3A_1511 = arith.addi %mul3A_1509, %add3A_1510 : i32
        %dma_start3A_1512 = arith.constant 5 : i32
        %dma_start3A_1513 = arith.constant 2 : i32
        %dma_start3A_1514 = arith.constant 0 : i32
        %dma_start3A_1515 = arith.constant 0 : i32
        %dma_start3A_1516 = tpu.memref_slice %arg8[%dma_start3A_1512, %dma_start3A_1514, %dma_start3A_1515] : memref<8x50x32xf32, #tpu.memory_space<vmem>> -> memref<1x50x32xf32, #tpu.memory_space<vmem>>
        %dma_start3A_1517 = tpu.memref_squeeze %dma_start3A_1516 : memref<1x50x32xf32, #tpu.memory_space<vmem>> -> memref<50x32xf32, #tpu.memory_space<vmem>>
        %dma_start3A_1518 = arith.constant 0 : i32
        %dma_start3A_1519 = tpu.memref_slice %arg5[%add3A_1511, %dma_start3A_1518] : memref<512x50xi32, #tpu.memory_space<vmem>> -> memref<1x50xi32, #tpu.memory_space<vmem>>
        %dma_start3A_1520 = tpu.memref_squeeze %dma_start3A_1519 : memref<1x50xi32, #tpu.memory_space<vmem>> -> memref<50xi32, #tpu.memory_space<vmem>>
        %dma_start3A_1521 = arith.constant 0 : i32
        %dma_start3A_1522 = arith.constant 0 : i32
        %dma_start3A_1523 = tpu.memref_slice %arg3[%dma_start3A_1521, %dma_start3A_1522] : memref<1000000x32xf32, #tpu.memory_space<hbm>> -> memref<1000000x32xf32, #tpu.memory_space<hbm>>
        %dma_start3A_1524 = tpu.memref_slice %arg10[%dma_start3A_1513] : memref<4x!tpu.dma_semaphore, #tpu.memory_space<semaphore_mem>> -> memref<1x!tpu.dma_semaphore, #tpu.memory_space<semaphore_mem>>
        %dma_start3A_1525 = tpu.memref_squeeze %dma_start3A_1524 : memref<1x!tpu.dma_semaphore, #tpu.memory_space<semaphore_mem>> -> memref<!tpu.dma_semaphore, #tpu.memory_space<semaphore_mem>>
        tpu.enqueue_indirect_dma source(%dma_start3A_1523 : memref<1000000x32xf32, #tpu.memory_space<hbm>>) target(%dma_start3A_1517 : memref<50x32xf32, #tpu.memory_space<vmem>>) offsets(%dma_start3A_1520 : memref<50xi32, #tpu.memory_space<vmem>>) semaphore(%dma_start3A_1525 : memref<!tpu.dma_semaphore, #tpu.memory_space<semaphore_mem>>)
        %mul3A_1526 = arith.constant 8 : i32
        %mul3A_1527 = arith.muli %add3A_1406, %mul3A_1526 : i32
        %add3A_1528 = arith.constant 6 : i32
        %add3A_1529 = arith.addi %mul3A_1527, %add3A_1528 : i32
        %dma_start3A_1530 = arith.constant 6 : i32
        %dma_start3A_1531 = arith.constant 2 : i32
        %dma_start3A_1532 = arith.constant 0 : i32
        %dma_start3A_1533 = arith.constant 0 : i32
        %dma_start3A_1534 = tpu.memref_slice %arg8[%dma_start3A_1530, %dma_start3A_1532, %dma_start3A_1533] : memref<8x50x32xf32, #tpu.memory_space<vmem>> -> memref<1x50x32xf32, #tpu.memory_space<vmem>>
        %dma_start3A_1535 = tpu.memref_squeeze %dma_start3A_1534 : memref<1x50x32xf32, #tpu.memory_space<vmem>> -> memref<50x32xf32, #tpu.memory_space<vmem>>
        %dma_start3A_1536 = arith.constant 0 : i32
        %dma_start3A_1537 = tpu.memref_slice %arg5[%add3A_1529, %dma_start3A_1536] : memref<512x50xi32, #tpu.memory_space<vmem>> -> memref<1x50xi32, #tpu.memory_space<vmem>>
        %dma_start3A_1538 = tpu.memref_squeeze %dma_start3A_1537 : memref<1x50xi32, #tpu.memory_space<vmem>> -> memref<50xi32, #tpu.memory_space<vmem>>
        %dma_start3A_1539 = arith.constant 0 : i32
        %dma_start3A_1540 = arith.constant 0 : i32
        %dma_start3A_1541 = tpu.memref_slice %arg3[%dma_start3A_1539, %dma_start3A_1540] : memref<1000000x32xf32, #tpu.memory_space<hbm>> -> memref<1000000x32xf32, #tpu.memory_space<hbm>>
        %dma_start3A_1542 = tpu.memref_slice %arg10[%dma_start3A_1531] : memref<4x!tpu.dma_semaphore, #tpu.memory_space<semaphore_mem>> -> memref<1x!tpu.dma_semaphore, #tpu.memory_space<semaphore_mem>>
        %dma_start3A_1543 = tpu.memref_squeeze %dma_start3A_1542 : memref<1x!tpu.dma_semaphore, #tpu.memory_space<semaphore_mem>> -> memref<!tpu.dma_semaphore, #tpu.memory_space<semaphore_mem>>
        tpu.enqueue_indirect_dma source(%dma_start3A_1541 : memref<1000000x32xf32, #tpu.memory_space<hbm>>) target(%dma_start3A_1535 : memref<50x32xf32, #tpu.memory_space<vmem>>) offsets(%dma_start3A_1538 : memref<50xi32, #tpu.memory_space<vmem>>) semaphore(%dma_start3A_1543 : memref<!tpu.dma_semaphore, #tpu.memory_space<semaphore_mem>>)
        %mul3A_1544 = arith.constant 8 : i32
        %mul3A_1545 = arith.muli %add3A_1406, %mul3A_1544 : i32
        %add3A_1546 = arith.constant 7 : i32
        %add3A_1547 = arith.addi %mul3A_1545, %add3A_1546 : i32
        %dma_start3A_1548 = arith.constant 7 : i32
        %dma_start3A_1549 = arith.constant 2 : i32
        %dma_start3A_1550 = arith.constant 0 : i32
        %dma_start3A_1551 = arith.constant 0 : i32
        %dma_start3A_1552 = tpu.memref_slice %arg8[%dma_start3A_1548, %dma_start3A_1550, %dma_start3A_1551] : memref<8x50x32xf32, #tpu.memory_space<vmem>> -> memref<1x50x32xf32, #tpu.memory_space<vmem>>
        %dma_start3A_1553 = tpu.memref_squeeze %dma_start3A_1552 : memref<1x50x32xf32, #tpu.memory_space<vmem>> -> memref<50x32xf32, #tpu.memory_space<vmem>>
        %dma_start3A_1554 = arith.constant 0 : i32
        %dma_start3A_1555 = tpu.memref_slice %arg5[%add3A_1547, %dma_start3A_1554] : memref<512x50xi32, #tpu.memory_space<vmem>> -> memref<1x50xi32, #tpu.memory_space<vmem>>
        %dma_start3A_1556 = tpu.memref_squeeze %dma_start3A_1555 : memref<1x50xi32, #tpu.memory_space<vmem>> -> memref<50xi32, #tpu.memory_space<vmem>>
        %dma_start3A_1557 = arith.constant 0 : i32
        %dma_start3A_1558 = arith.constant 0 : i32
        %dma_start3A_1559 = tpu.memref_slice %arg3[%dma_start3A_1557, %dma_start3A_1558] : memref<1000000x32xf32, #tpu.memory_space<hbm>> -> memref<1000000x32xf32, #tpu.memory_space<hbm>>
        %dma_start3A_1560 = tpu.memref_slice %arg10[%dma_start3A_1549] : memref<4x!tpu.dma_semaphore, #tpu.memory_space<semaphore_mem>> -> memref<1x!tpu.dma_semaphore, #tpu.memory_space<semaphore_mem>>
        %dma_start3A_1561 = tpu.memref_squeeze %dma_start3A_1560 : memref<1x!tpu.dma_semaphore, #tpu.memory_space<semaphore_mem>> -> memref<!tpu.dma_semaphore, #tpu.memory_space<semaphore_mem>>
        tpu.enqueue_indirect_dma source(%dma_start3A_1559 : memref<1000000x32xf32, #tpu.memory_space<hbm>>) target(%dma_start3A_1553 : memref<50x32xf32, #tpu.memory_space<vmem>>) offsets(%dma_start3A_1556 : memref<50xi32, #tpu.memory_space<vmem>>) semaphore(%dma_start3A_1561 : memref<!tpu.dma_semaphore, #tpu.memory_space<semaphore_mem>>)
        %add3A_1562 = arith.constant 1 : i32
        %add3A_1563 = arith.addi %scan3A_530, %add3A_1562 : i32
        %mul3A_1564 = arith.constant 4 : i32
        %mul3A_1565 = arith.muli %add3A_1563, %mul3A_1564 : i32
        %add3A_1566 = arith.constant 3 : i32
        %add3A_1567 = arith.addi %mul3A_1565, %add3A_1566 : i32
        %add3A_1568 = arith.constant 0 : i32
        %add3A_1569 = arith.addi %mul3A_2, %add3A_1568 : i32
        %dma_wait3A_1570 = arith.constant 3 : i32
        %dma_wait3A_1571 = arith.constant 0 : i32
        %dma_wait3A_1572 = arith.constant 0 : i32
        %dma_wait3A_1573 = tpu.memref_slice %arg4[%add3A_1569, %dma_wait3A_1571, %dma_wait3A_1572] : memref<16384x56x128xf32, #tpu.memory_space<hbm>> -> memref<8x50x32xf32, #tpu.memory_space<hbm>>
        %dma_wait3A_1574 = tpu.memref_slice %arg11[%dma_wait3A_1570] : memref<4x!tpu.dma_semaphore, #tpu.memory_space<semaphore_mem>> -> memref<1x!tpu.dma_semaphore, #tpu.memory_space<semaphore_mem>>
        %dma_wait3A_1575 = tpu.memref_squeeze %dma_wait3A_1574 : memref<1x!tpu.dma_semaphore, #tpu.memory_space<semaphore_mem>> -> memref<!tpu.dma_semaphore, #tpu.memory_space<semaphore_mem>>
        %dma_wait3A_1576 = arith.constant 0 : i32
        %dma_wait3A_1577 = arith.constant 0 : i32
        %dma_wait3A_1578 = tpu.memref_slice %arg4[%add3A_1569, %dma_wait3A_1576, %dma_wait3A_1577] : memref<16384x56x128xf32, #tpu.memory_space<hbm>> -> memref<8x50x32xf32, #tpu.memory_space<hbm>>
        tpu.wait_dma2 semaphore(%dma_wait3A_1575 : memref<!tpu.dma_semaphore, #tpu.memory_space<semaphore_mem>>) src(%arg9 : memref<8x50x32xf32, #tpu.memory_space<vmem>>) dst(%dma_wait3A_1578 : memref<8x50x32xf32, #tpu.memory_space<hbm>>)
        %mul3A_1579 = arith.constant 8 : i32
        %mul3A_1580 = arith.muli %add3A_1567, %mul3A_1579 : i32
        %add3A_1581 = arith.constant 0 : i32
        %add3A_1582 = arith.addi %mul3A_1580, %add3A_1581 : i32
        %dma_start3A_1583 = arith.constant 0 : i32
        %dma_start3A_1584 = arith.constant 3 : i32
        %dma_start3A_1585 = arith.constant 0 : i32
        %dma_start3A_1586 = arith.constant 0 : i32
        %dma_start3A_1587 = tpu.memref_slice %arg9[%dma_start3A_1583, %dma_start3A_1585, %dma_start3A_1586] : memref<8x50x32xf32, #tpu.memory_space<vmem>> -> memref<1x50x32xf32, #tpu.memory_space<vmem>>
        %dma_start3A_1588 = tpu.memref_squeeze %dma_start3A_1587 : memref<1x50x32xf32, #tpu.memory_space<vmem>> -> memref<50x32xf32, #tpu.memory_space<vmem>>
        %dma_start3A_1589 = arith.constant 0 : i32
        %dma_start3A_1590 = tpu.memref_slice %arg5[%add3A_1582, %dma_start3A_1589] : memref<512x50xi32, #tpu.memory_space<vmem>> -> memref<1x50xi32, #tpu.memory_space<vmem>>
        %dma_start3A_1591 = tpu.memref_squeeze %dma_start3A_1590 : memref<1x50xi32, #tpu.memory_space<vmem>> -> memref<50xi32, #tpu.memory_space<vmem>>
        %dma_start3A_1592 = arith.constant 0 : i32
        %dma_start3A_1593 = arith.constant 0 : i32
        %dma_start3A_1594 = tpu.memref_slice %arg3[%dma_start3A_1592, %dma_start3A_1593] : memref<1000000x32xf32, #tpu.memory_space<hbm>> -> memref<1000000x32xf32, #tpu.memory_space<hbm>>
        %dma_start3A_1595 = tpu.memref_slice %arg10[%dma_start3A_1584] : memref<4x!tpu.dma_semaphore, #tpu.memory_space<semaphore_mem>> -> memref<1x!tpu.dma_semaphore, #tpu.memory_space<semaphore_mem>>
        %dma_start3A_1596 = tpu.memref_squeeze %dma_start3A_1595 : memref<1x!tpu.dma_semaphore, #tpu.memory_space<semaphore_mem>> -> memref<!tpu.dma_semaphore, #tpu.memory_space<semaphore_mem>>
        tpu.enqueue_indirect_dma source(%dma_start3A_1594 : memref<1000000x32xf32, #tpu.memory_space<hbm>>) target(%dma_start3A_1588 : memref<50x32xf32, #tpu.memory_space<vmem>>) offsets(%dma_start3A_1591 : memref<50xi32, #tpu.memory_space<vmem>>) semaphore(%dma_start3A_1596 : memref<!tpu.dma_semaphore, #tpu.memory_space<semaphore_mem>>)
        %mul3A_1597 = arith.constant 8 : i32
        %mul3A_1598 = arith.muli %add3A_1567, %mul3A_1597 : i32
        %add3A_1599 = arith.constant 1 : i32
        %add3A_1600 = arith.addi %mul3A_1598, %add3A_1599 : i32
        %dma_start3A_1601 = arith.constant 1 : i32
        %dma_start3A_1602 = arith.constant 3 : i32
        %dma_start3A_1603 = arith.constant 0 : i32
        %dma_start3A_1604 = arith.constant 0 : i32
        %dma_start3A_1605 = tpu.memref_slice %arg9[%dma_start3A_1601, %dma_start3A_1603, %dma_start3A_1604] : memref<8x50x32xf32, #tpu.memory_space<vmem>> -> memref<1x50x32xf32, #tpu.memory_space<vmem>>
        %dma_start3A_1606 = tpu.memref_squeeze %dma_start3A_1605 : memref<1x50x32xf32, #tpu.memory_space<vmem>> -> memref<50x32xf32, #tpu.memory_space<vmem>>
        %dma_start3A_1607 = arith.constant 0 : i32
        %dma_start3A_1608 = tpu.memref_slice %arg5[%add3A_1600, %dma_start3A_1607] : memref<512x50xi32, #tpu.memory_space<vmem>> -> memref<1x50xi32, #tpu.memory_space<vmem>>
        %dma_start3A_1609 = tpu.memref_squeeze %dma_start3A_1608 : memref<1x50xi32, #tpu.memory_space<vmem>> -> memref<50xi32, #tpu.memory_space<vmem>>
        %dma_start3A_1610 = arith.constant 0 : i32
        %dma_start3A_1611 = arith.constant 0 : i32
        %dma_start3A_1612 = tpu.memref_slice %arg3[%dma_start3A_1610, %dma_start3A_1611] : memref<1000000x32xf32, #tpu.memory_space<hbm>> -> memref<1000000x32xf32, #tpu.memory_space<hbm>>
        %dma_start3A_1613 = tpu.memref_slice %arg10[%dma_start3A_1602] : memref<4x!tpu.dma_semaphore, #tpu.memory_space<semaphore_mem>> -> memref<1x!tpu.dma_semaphore, #tpu.memory_space<semaphore_mem>>
        %dma_start3A_1614 = tpu.memref_squeeze %dma_start3A_1613 : memref<1x!tpu.dma_semaphore, #tpu.memory_space<semaphore_mem>> -> memref<!tpu.dma_semaphore, #tpu.memory_space<semaphore_mem>>
        tpu.enqueue_indirect_dma source(%dma_start3A_1612 : memref<1000000x32xf32, #tpu.memory_space<hbm>>) target(%dma_start3A_1606 : memref<50x32xf32, #tpu.memory_space<vmem>>) offsets(%dma_start3A_1609 : memref<50xi32, #tpu.memory_space<vmem>>) semaphore(%dma_start3A_1614 : memref<!tpu.dma_semaphore, #tpu.memory_space<semaphore_mem>>)
        %mul3A_1615 = arith.constant 8 : i32
        %mul3A_1616 = arith.muli %add3A_1567, %mul3A_1615 : i32
        %add3A_1617 = arith.constant 2 : i32
        %add3A_1618 = arith.addi %mul3A_1616, %add3A_1617 : i32
        %dma_start3A_1619 = arith.constant 2 : i32
        %dma_start3A_1620 = arith.constant 3 : i32
        %dma_start3A_1621 = arith.constant 0 : i32
        %dma_start3A_1622 = arith.constant 0 : i32
        %dma_start3A_1623 = tpu.memref_slice %arg9[%dma_start3A_1619, %dma_start3A_1621, %dma_start3A_1622] : memref<8x50x32xf32, #tpu.memory_space<vmem>> -> memref<1x50x32xf32, #tpu.memory_space<vmem>>
        %dma_start3A_1624 = tpu.memref_squeeze %dma_start3A_1623 : memref<1x50x32xf32, #tpu.memory_space<vmem>> -> memref<50x32xf32, #tpu.memory_space<vmem>>
        %dma_start3A_1625 = arith.constant 0 : i32
        %dma_start3A_1626 = tpu.memref_slice %arg5[%add3A_1618, %dma_start3A_1625] : memref<512x50xi32, #tpu.memory_space<vmem>> -> memref<1x50xi32, #tpu.memory_space<vmem>>
        %dma_start3A_1627 = tpu.memref_squeeze %dma_start3A_1626 : memref<1x50xi32, #tpu.memory_space<vmem>> -> memref<50xi32, #tpu.memory_space<vmem>>
        %dma_start3A_1628 = arith.constant 0 : i32
        %dma_start3A_1629 = arith.constant 0 : i32
        %dma_start3A_1630 = tpu.memref_slice %arg3[%dma_start3A_1628, %dma_start3A_1629] : memref<1000000x32xf32, #tpu.memory_space<hbm>> -> memref<1000000x32xf32, #tpu.memory_space<hbm>>
        %dma_start3A_1631 = tpu.memref_slice %arg10[%dma_start3A_1620] : memref<4x!tpu.dma_semaphore, #tpu.memory_space<semaphore_mem>> -> memref<1x!tpu.dma_semaphore, #tpu.memory_space<semaphore_mem>>
        %dma_start3A_1632 = tpu.memref_squeeze %dma_start3A_1631 : memref<1x!tpu.dma_semaphore, #tpu.memory_space<semaphore_mem>> -> memref<!tpu.dma_semaphore, #tpu.memory_space<semaphore_mem>>
        tpu.enqueue_indirect_dma source(%dma_start3A_1630 : memref<1000000x32xf32, #tpu.memory_space<hbm>>) target(%dma_start3A_1624 : memref<50x32xf32, #tpu.memory_space<vmem>>) offsets(%dma_start3A_1627 : memref<50xi32, #tpu.memory_space<vmem>>) semaphore(%dma_start3A_1632 : memref<!tpu.dma_semaphore, #tpu.memory_space<semaphore_mem>>)
        %mul3A_1633 = arith.constant 8 : i32
        %mul3A_1634 = arith.muli %add3A_1567, %mul3A_1633 : i32
        %add3A_1635 = arith.constant 3 : i32
        %add3A_1636 = arith.addi %mul3A_1634, %add3A_1635 : i32
        %dma_start3A_1637 = arith.constant 3 : i32
        %dma_start3A_1638 = arith.constant 3 : i32
        %dma_start3A_1639 = arith.constant 0 : i32
        %dma_start3A_1640 = arith.constant 0 : i32
        %dma_start3A_1641 = tpu.memref_slice %arg9[%dma_start3A_1637, %dma_start3A_1639, %dma_start3A_1640] : memref<8x50x32xf32, #tpu.memory_space<vmem>> -> memref<1x50x32xf32, #tpu.memory_space<vmem>>
        %dma_start3A_1642 = tpu.memref_squeeze %dma_start3A_1641 : memref<1x50x32xf32, #tpu.memory_space<vmem>> -> memref<50x32xf32, #tpu.memory_space<vmem>>
        %dma_start3A_1643 = arith.constant 0 : i32
        %dma_start3A_1644 = tpu.memref_slice %arg5[%add3A_1636, %dma_start3A_1643] : memref<512x50xi32, #tpu.memory_space<vmem>> -> memref<1x50xi32, #tpu.memory_space<vmem>>
        %dma_start3A_1645 = tpu.memref_squeeze %dma_start3A_1644 : memref<1x50xi32, #tpu.memory_space<vmem>> -> memref<50xi32, #tpu.memory_space<vmem>>
        %dma_start3A_1646 = arith.constant 0 : i32
        %dma_start3A_1647 = arith.constant 0 : i32
        %dma_start3A_1648 = tpu.memref_slice %arg3[%dma_start3A_1646, %dma_start3A_1647] : memref<1000000x32xf32, #tpu.memory_space<hbm>> -> memref<1000000x32xf32, #tpu.memory_space<hbm>>
        %dma_start3A_1649 = tpu.memref_slice %arg10[%dma_start3A_1638] : memref<4x!tpu.dma_semaphore, #tpu.memory_space<semaphore_mem>> -> memref<1x!tpu.dma_semaphore, #tpu.memory_space<semaphore_mem>>
        %dma_start3A_1650 = tpu.memref_squeeze %dma_start3A_1649 : memref<1x!tpu.dma_semaphore, #tpu.memory_space<semaphore_mem>> -> memref<!tpu.dma_semaphore, #tpu.memory_space<semaphore_mem>>
        tpu.enqueue_indirect_dma source(%dma_start3A_1648 : memref<1000000x32xf32, #tpu.memory_space<hbm>>) target(%dma_start3A_1642 : memref<50x32xf32, #tpu.memory_space<vmem>>) offsets(%dma_start3A_1645 : memref<50xi32, #tpu.memory_space<vmem>>) semaphore(%dma_start3A_1650 : memref<!tpu.dma_semaphore, #tpu.memory_space<semaphore_mem>>)
        %mul3A_1651 = arith.constant 8 : i32
        %mul3A_1652 = arith.muli %add3A_1567, %mul3A_1651 : i32
        %add3A_1653 = arith.constant 4 : i32
        %add3A_1654 = arith.addi %mul3A_1652, %add3A_1653 : i32
        %dma_start3A_1655 = arith.constant 4 : i32
        %dma_start3A_1656 = arith.constant 3 : i32
        %dma_start3A_1657 = arith.constant 0 : i32
        %dma_start3A_1658 = arith.constant 0 : i32
        %dma_start3A_1659 = tpu.memref_slice %arg9[%dma_start3A_1655, %dma_start3A_1657, %dma_start3A_1658] : memref<8x50x32xf32, #tpu.memory_space<vmem>> -> memref<1x50x32xf32, #tpu.memory_space<vmem>>
        %dma_start3A_1660 = tpu.memref_squeeze %dma_start3A_1659 : memref<1x50x32xf32, #tpu.memory_space<vmem>> -> memref<50x32xf32, #tpu.memory_space<vmem>>
        %dma_start3A_1661 = arith.constant 0 : i32
        %dma_start3A_1662 = tpu.memref_slice %arg5[%add3A_1654, %dma_start3A_1661] : memref<512x50xi32, #tpu.memory_space<vmem>> -> memref<1x50xi32, #tpu.memory_space<vmem>>
        %dma_start3A_1663 = tpu.memref_squeeze %dma_start3A_1662 : memref<1x50xi32, #tpu.memory_space<vmem>> -> memref<50xi32, #tpu.memory_space<vmem>>
        %dma_start3A_1664 = arith.constant 0 : i32
        %dma_start3A_1665 = arith.constant 0 : i32
        %dma_start3A_1666 = tpu.memref_slice %arg3[%dma_start3A_1664, %dma_start3A_1665] : memref<1000000x32xf32, #tpu.memory_space<hbm>> -> memref<1000000x32xf32, #tpu.memory_space<hbm>>
        %dma_start3A_1667 = tpu.memref_slice %arg10[%dma_start3A_1656] : memref<4x!tpu.dma_semaphore, #tpu.memory_space<semaphore_mem>> -> memref<1x!tpu.dma_semaphore, #tpu.memory_space<semaphore_mem>>
        %dma_start3A_1668 = tpu.memref_squeeze %dma_start3A_1667 : memref<1x!tpu.dma_semaphore, #tpu.memory_space<semaphore_mem>> -> memref<!tpu.dma_semaphore, #tpu.memory_space<semaphore_mem>>
        tpu.enqueue_indirect_dma source(%dma_start3A_1666 : memref<1000000x32xf32, #tpu.memory_space<hbm>>) target(%dma_start3A_1660 : memref<50x32xf32, #tpu.memory_space<vmem>>) offsets(%dma_start3A_1663 : memref<50xi32, #tpu.memory_space<vmem>>) semaphore(%dma_start3A_1668 : memref<!tpu.dma_semaphore, #tpu.memory_space<semaphore_mem>>)
        %mul3A_1669 = arith.constant 8 : i32
        %mul3A_1670 = arith.muli %add3A_1567, %mul3A_1669 : i32
        %add3A_1671 = arith.constant 5 : i32
        %add3A_1672 = arith.addi %mul3A_1670, %add3A_1671 : i32
        %dma_start3A_1673 = arith.constant 5 : i32
        %dma_start3A_1674 = arith.constant 3 : i32
        %dma_start3A_1675 = arith.constant 0 : i32
        %dma_start3A_1676 = arith.constant 0 : i32
        %dma_start3A_1677 = tpu.memref_slice %arg9[%dma_start3A_1673, %dma_start3A_1675, %dma_start3A_1676] : memref<8x50x32xf32, #tpu.memory_space<vmem>> -> memref<1x50x32xf32, #tpu.memory_space<vmem>>
        %dma_start3A_1678 = tpu.memref_squeeze %dma_start3A_1677 : memref<1x50x32xf32, #tpu.memory_space<vmem>> -> memref<50x32xf32, #tpu.memory_space<vmem>>
        %dma_start3A_1679 = arith.constant 0 : i32
        %dma_start3A_1680 = tpu.memref_slice %arg5[%add3A_1672, %dma_start3A_1679] : memref<512x50xi32, #tpu.memory_space<vmem>> -> memref<1x50xi32, #tpu.memory_space<vmem>>
        %dma_start3A_1681 = tpu.memref_squeeze %dma_start3A_1680 : memref<1x50xi32, #tpu.memory_space<vmem>> -> memref<50xi32, #tpu.memory_space<vmem>>
        %dma_start3A_1682 = arith.constant 0 : i32
        %dma_start3A_1683 = arith.constant 0 : i32
        %dma_start3A_1684 = tpu.memref_slice %arg3[%dma_start3A_1682, %dma_start3A_1683] : memref<1000000x32xf32, #tpu.memory_space<hbm>> -> memref<1000000x32xf32, #tpu.memory_space<hbm>>
        %dma_start3A_1685 = tpu.memref_slice %arg10[%dma_start3A_1674] : memref<4x!tpu.dma_semaphore, #tpu.memory_space<semaphore_mem>> -> memref<1x!tpu.dma_semaphore, #tpu.memory_space<semaphore_mem>>
        %dma_start3A_1686 = tpu.memref_squeeze %dma_start3A_1685 : memref<1x!tpu.dma_semaphore, #tpu.memory_space<semaphore_mem>> -> memref<!tpu.dma_semaphore, #tpu.memory_space<semaphore_mem>>
        tpu.enqueue_indirect_dma source(%dma_start3A_1684 : memref<1000000x32xf32, #tpu.memory_space<hbm>>) target(%dma_start3A_1678 : memref<50x32xf32, #tpu.memory_space<vmem>>) offsets(%dma_start3A_1681 : memref<50xi32, #tpu.memory_space<vmem>>) semaphore(%dma_start3A_1686 : memref<!tpu.dma_semaphore, #tpu.memory_space<semaphore_mem>>)
        %mul3A_1687 = arith.constant 8 : i32
        %mul3A_1688 = arith.muli %add3A_1567, %mul3A_1687 : i32
        %add3A_1689 = arith.constant 6 : i32
        %add3A_1690 = arith.addi %mul3A_1688, %add3A_1689 : i32
        %dma_start3A_1691 = arith.constant 6 : i32
        %dma_start3A_1692 = arith.constant 3 : i32
        %dma_start3A_1693 = arith.constant 0 : i32
        %dma_start3A_1694 = arith.constant 0 : i32
        %dma_start3A_1695 = tpu.memref_slice %arg9[%dma_start3A_1691, %dma_start3A_1693, %dma_start3A_1694] : memref<8x50x32xf32, #tpu.memory_space<vmem>> -> memref<1x50x32xf32, #tpu.memory_space<vmem>>
        %dma_start3A_1696 = tpu.memref_squeeze %dma_start3A_1695 : memref<1x50x32xf32, #tpu.memory_space<vmem>> -> memref<50x32xf32, #tpu.memory_space<vmem>>
        %dma_start3A_1697 = arith.constant 0 : i32
        %dma_start3A_1698 = tpu.memref_slice %arg5[%add3A_1690, %dma_start3A_1697] : memref<512x50xi32, #tpu.memory_space<vmem>> -> memref<1x50xi32, #tpu.memory_space<vmem>>
        %dma_start3A_1699 = tpu.memref_squeeze %dma_start3A_1698 : memref<1x50xi32, #tpu.memory_space<vmem>> -> memref<50xi32, #tpu.memory_space<vmem>>
        %dma_start3A_1700 = arith.constant 0 : i32
        %dma_start3A_1701 = arith.constant 0 : i32
        %dma_start3A_1702 = tpu.memref_slice %arg3[%dma_start3A_1700, %dma_start3A_1701] : memref<1000000x32xf32, #tpu.memory_space<hbm>> -> memref<1000000x32xf32, #tpu.memory_space<hbm>>
        %dma_start3A_1703 = tpu.memref_slice %arg10[%dma_start3A_1692] : memref<4x!tpu.dma_semaphore, #tpu.memory_space<semaphore_mem>> -> memref<1x!tpu.dma_semaphore, #tpu.memory_space<semaphore_mem>>
        %dma_start3A_1704 = tpu.memref_squeeze %dma_start3A_1703 : memref<1x!tpu.dma_semaphore, #tpu.memory_space<semaphore_mem>> -> memref<!tpu.dma_semaphore, #tpu.memory_space<semaphore_mem>>
        tpu.enqueue_indirect_dma source(%dma_start3A_1702 : memref<1000000x32xf32, #tpu.memory_space<hbm>>) target(%dma_start3A_1696 : memref<50x32xf32, #tpu.memory_space<vmem>>) offsets(%dma_start3A_1699 : memref<50xi32, #tpu.memory_space<vmem>>) semaphore(%dma_start3A_1704 : memref<!tpu.dma_semaphore, #tpu.memory_space<semaphore_mem>>)
        %mul3A_1705 = arith.constant 8 : i32
        %mul3A_1706 = arith.muli %add3A_1567, %mul3A_1705 : i32
        %add3A_1707 = arith.constant 7 : i32
        %add3A_1708 = arith.addi %mul3A_1706, %add3A_1707 : i32
        %dma_start3A_1709 = arith.constant 7 : i32
        %dma_start3A_1710 = arith.constant 3 : i32
        %dma_start3A_1711 = arith.constant 0 : i32
        %dma_start3A_1712 = arith.constant 0 : i32
        %dma_start3A_1713 = tpu.memref_slice %arg9[%dma_start3A_1709, %dma_start3A_1711, %dma_start3A_1712] : memref<8x50x32xf32, #tpu.memory_space<vmem>> -> memref<1x50x32xf32, #tpu.memory_space<vmem>>
        %dma_start3A_1714 = tpu.memref_squeeze %dma_start3A_1713 : memref<1x50x32xf32, #tpu.memory_space<vmem>> -> memref<50x32xf32, #tpu.memory_space<vmem>>
        %dma_start3A_1715 = arith.constant 0 : i32
        %dma_start3A_1716 = tpu.memref_slice %arg5[%add3A_1708, %dma_start3A_1715] : memref<512x50xi32, #tpu.memory_space<vmem>> -> memref<1x50xi32, #tpu.memory_space<vmem>>
        %dma_start3A_1717 = tpu.memref_squeeze %dma_start3A_1716 : memref<1x50xi32, #tpu.memory_space<vmem>> -> memref<50xi32, #tpu.memory_space<vmem>>
        %dma_start3A_1718 = arith.constant 0 : i32
        %dma_start3A_1719 = arith.constant 0 : i32
        %dma_start3A_1720 = tpu.memref_slice %arg3[%dma_start3A_1718, %dma_start3A_1719] : memref<1000000x32xf32, #tpu.memory_space<hbm>> -> memref<1000000x32xf32, #tpu.memory_space<hbm>>
        %dma_start3A_1721 = tpu.memref_slice %arg10[%dma_start3A_1710] : memref<4x!tpu.dma_semaphore, #tpu.memory_space<semaphore_mem>> -> memref<1x!tpu.dma_semaphore, #tpu.memory_space<semaphore_mem>>
        %dma_start3A_1722 = tpu.memref_squeeze %dma_start3A_1721 : memref<1x!tpu.dma_semaphore, #tpu.memory_space<semaphore_mem>> -> memref<!tpu.dma_semaphore, #tpu.memory_space<semaphore_mem>>
        tpu.enqueue_indirect_dma source(%dma_start3A_1720 : memref<1000000x32xf32, #tpu.memory_space<hbm>>) target(%dma_start3A_1714 : memref<50x32xf32, #tpu.memory_space<vmem>>) offsets(%dma_start3A_1717 : memref<50xi32, #tpu.memory_space<vmem>>) semaphore(%dma_start3A_1722 : memref<!tpu.dma_semaphore, #tpu.memory_space<semaphore_mem>>)
      } else {
      }
    }
    %scan3A_486 = arith.constant 16 : i32
    %add3A_487 = arith.constant 0 : i32
    %add3A_488 = arith.addi %mul3A_2, %add3A_487 : i32
    %dma_wait3A = arith.constant 0 : i32
    %dma_wait3A_489 = arith.constant 0 : i32
    %dma_wait3A_490 = arith.constant 0 : i32
    %dma_wait3A_491 = tpu.memref_slice %arg4[%add3A_488, %dma_wait3A_489, %dma_wait3A_490] : memref<16384x56x128xf32, #tpu.memory_space<hbm>> -> memref<8x50x32xf32, #tpu.memory_space<hbm>>
    %dma_wait3A_492 = tpu.memref_slice %arg11[%dma_wait3A] : memref<4x!tpu.dma_semaphore, #tpu.memory_space<semaphore_mem>> -> memref<1x!tpu.dma_semaphore, #tpu.memory_space<semaphore_mem>>
    %dma_wait3A_493 = tpu.memref_squeeze %dma_wait3A_492 : memref<1x!tpu.dma_semaphore, #tpu.memory_space<semaphore_mem>> -> memref<!tpu.dma_semaphore, #tpu.memory_space<semaphore_mem>>
    %dma_wait3A_494 = arith.constant 0 : i32
    %dma_wait3A_495 = arith.constant 0 : i32
    %dma_wait3A_496 = tpu.memref_slice %arg4[%add3A_488, %dma_wait3A_494, %dma_wait3A_495] : memref<16384x56x128xf32, #tpu.memory_space<hbm>> -> memref<8x50x32xf32, #tpu.memory_space<hbm>>
    tpu.wait_dma2 semaphore(%dma_wait3A_493 : memref<!tpu.dma_semaphore, #tpu.memory_space<semaphore_mem>>) src(%arg6 : memref<8x50x32xf32, #tpu.memory_space<vmem>>) dst(%dma_wait3A_496 : memref<8x50x32xf32, #tpu.memory_space<hbm>>)
    %add3A_497 = arith.constant 0 : i32
    %add3A_498 = arith.addi %mul3A_2, %add3A_497 : i32
    %dma_wait3A_499 = arith.constant 1 : i32
    %dma_wait3A_500 = arith.constant 0 : i32
    %dma_wait3A_501 = arith.constant 0 : i32
    %dma_wait3A_502 = tpu.memref_slice %arg4[%add3A_498, %dma_wait3A_500, %dma_wait3A_501] : memref<16384x56x128xf32, #tpu.memory_space<hbm>> -> memref<8x50x32xf32, #tpu.memory_space<hbm>>
    %dma_wait3A_503 = tpu.memref_slice %arg11[%dma_wait3A_499] : memref<4x!tpu.dma_semaphore, #tpu.memory_space<semaphore_mem>> -> memref<1x!tpu.dma_semaphore, #tpu.memory_space<semaphore_mem>>
    %dma_wait3A_504 = tpu.memref_squeeze %dma_wait3A_503 : memref<1x!tpu.dma_semaphore, #tpu.memory_space<semaphore_mem>> -> memref<!tpu.dma_semaphore, #tpu.memory_space<semaphore_mem>>
    %dma_wait3A_505 = arith.constant 0 : i32
    %dma_wait3A_506 = arith.constant 0 : i32
    %dma_wait3A_507 = tpu.memref_slice %arg4[%add3A_498, %dma_wait3A_505, %dma_wait3A_506] : memref<16384x56x128xf32, #tpu.memory_space<hbm>> -> memref<8x50x32xf32, #tpu.memory_space<hbm>>
    tpu.wait_dma2 semaphore(%dma_wait3A_504 : memref<!tpu.dma_semaphore, #tpu.memory_space<semaphore_mem>>) src(%arg7 : memref<8x50x32xf32, #tpu.memory_space<vmem>>) dst(%dma_wait3A_507 : memref<8x50x32xf32, #tpu.memory_space<hbm>>)
    %add3A_508 = arith.constant 0 : i32
    %add3A_509 = arith.addi %mul3A_2, %add3A_508 : i32
    %dma_wait3A_510 = arith.constant 2 : i32
    %dma_wait3A_511 = arith.constant 0 : i32
    %dma_wait3A_512 = arith.constant 0 : i32
    %dma_wait3A_513 = tpu.memref_slice %arg4[%add3A_509, %dma_wait3A_511, %dma_wait3A_512] : memref<16384x56x128xf32, #tpu.memory_space<hbm>> -> memref<8x50x32xf32, #tpu.memory_space<hbm>>
    %dma_wait3A_514 = tpu.memref_slice %arg11[%dma_wait3A_510] : memref<4x!tpu.dma_semaphore, #tpu.memory_space<semaphore_mem>> -> memref<1x!tpu.dma_semaphore, #tpu.memory_space<semaphore_mem>>
    %dma_wait3A_515 = tpu.memref_squeeze %dma_wait3A_514 : memref<1x!tpu.dma_semaphore, #tpu.memory_space<semaphore_mem>> -> memref<!tpu.dma_semaphore, #tpu.memory_space<semaphore_mem>>
    %dma_wait3A_516 = arith.constant 0 : i32
    %dma_wait3A_517 = arith.constant 0 : i32
    %dma_wait3A_518 = tpu.memref_slice %arg4[%add3A_509, %dma_wait3A_516, %dma_wait3A_517] : memref<16384x56x128xf32, #tpu.memory_space<hbm>> -> memref<8x50x32xf32, #tpu.memory_space<hbm>>
    tpu.wait_dma2 semaphore(%dma_wait3A_515 : memref<!tpu.dma_semaphore, #tpu.memory_space<semaphore_mem>>) src(%arg8 : memref<8x50x32xf32, #tpu.memory_space<vmem>>) dst(%dma_wait3A_518 : memref<8x50x32xf32, #tpu.memory_space<hbm>>)
    %add3A_519 = arith.constant 0 : i32
    %add3A_520 = arith.addi %mul3A_2, %add3A_519 : i32
    %dma_wait3A_521 = arith.constant 3 : i32
    %dma_wait3A_522 = arith.constant 0 : i32
    %dma_wait3A_523 = arith.constant 0 : i32
    %dma_wait3A_524 = tpu.memref_slice %arg4[%add3A_520, %dma_wait3A_522, %dma_wait3A_523] : memref<16384x56x128xf32, #tpu.memory_space<hbm>> -> memref<8x50x32xf32, #tpu.memory_space<hbm>>
    %dma_wait3A_525 = tpu.memref_slice %arg11[%dma_wait3A_521] : memref<4x!tpu.dma_semaphore, #tpu.memory_space<semaphore_mem>> -> memref<1x!tpu.dma_semaphore, #tpu.memory_space<semaphore_mem>>
    %dma_wait3A_526 = tpu.memref_squeeze %dma_wait3A_525 : memref<1x!tpu.dma_semaphore, #tpu.memory_space<semaphore_mem>> -> memref<!tpu.dma_semaphore, #tpu.memory_space<semaphore_mem>>
    %dma_wait3A_527 = arith.constant 0 : i32
    %dma_wait3A_528 = arith.constant 0 : i32
    %dma_wait3A_529 = tpu.memref_slice %arg4[%add3A_520, %dma_wait3A_527, %dma_wait3A_528] : memref<16384x56x128xf32, #tpu.memory_space<hbm>> -> memref<8x50x32xf32, #tpu.memory_space<hbm>>
    tpu.wait_dma2 semaphore(%dma_wait3A_526 : memref<!tpu.dma_semaphore, #tpu.memory_space<semaphore_mem>>) src(%arg9 : memref<8x50x32xf32, #tpu.memory_space<vmem>>) dst(%dma_wait3A_529 : memref<8x50x32xf32, #tpu.memory_space<hbm>>)
    return
  }
}

</mosaic_0001>

<sc_bundles>
// kernel: kernel.3.cloned.1.call-start
scs
__scs_entry_jumppad:
0x0: {  	(pc) =	sbr.rel $0x88, $3  }
0x1: {  	(tag) =	ssettag $0x0;
	lr =	simm.s32 $0x1  }
0x2: {  	[smem:$0x3F9F] =	sst lr;
	_ =	strace $0xD0000000  }
0x3: {  	_ = 	snop  }
0x4: {  	_ = 	snop  }
0x5: {  	_ = 	snop  }
0x6: {  	_ = 	snop  }
0x7: {  	_ = 	snop  }
__scs_overlays_trampoline_lowered:
0x8: {  	[smem:$0x3FAE] =	sst s0  }
0x9: {  	[smem:$0x3FAF] =	sst s1  }
0xa: {  	[smem:$0x3FB0] =	sst s2  }
0xb: {  	[smem:$0x3FB1] =	sst s3  }
0xc: {  	[smem:$0x3FB2] =	sst s4  }
0xd: {  	[smem:$0x3FB3] =	sst s5  }
0xe: {  	[smem:$0x3FB4] =	sst s6  }
0xf: {  	[smem:$0x3FB5] =	sst s7  }
0x10: {  	[smem:$0x3FB6] =	sst s8  }
0x11: {  	[smem:$0x3FB7] =	sst s9;
	s0 =	simm.s32 @!p0 $0x0  }
0x12: {  	s1 =	sld [smem:$0x3F9D];
	s0 =	simm.s32 @p0 $0x1  }
0x13: {  	[smem:$0x3FB8] =	sst s0;
	s0 =	simm.s32 @!p1 $0x0  }
0x14: {  	s2 =	sld [smem:$0x3F9C];
	s0 =	simm.s32 @p1 $0x1  }
0x15: {  	[smem:$0x3FB9] =	sst s0;
	s0 =	simm.s32 @!p2 $0x0  }
0x16: {  	s3 =	sld [smem:$0x3FDB];
	s0 =	simm.s32 @p2 $0x1  }
0x17: {  	s4 =	simm.s32 $0x1BF5;
	[smem:$0x3FBB] =	sst s0  }
0x18: {  	s0 =	sld [smem:$0x3F9E];
	_ =	swait.ge [sflag:s4], $0x0  }
0x19: {  	s7 =	sld [smem:$0x3F9F]  }
0x1a: {  	s8 =	sadd.s32 $0xFFFFE003, lr  }
0x1b: {  	s9 =	sadd.s32 $0xFFFFFEF7, lr;
	s5 =	simm.s32 $0xFFFFFFFF;
	p2 =	slt.u32 s8, $0xFFFFF086  }
0x1c: {  	p1 =	slt.u32 s9, $0xF7A;
	s5 =	simm.s32 @!p2 $0x0  }
0x1d: {  	s5 =	simm.s32 @p1 $0x1;
	p0 =	seq.s32 s7, s2  }
0x1e: {  	s7 =	smul.u32 @!p0 $0xF7A, s2;
	p2 =	seq.s32 @!p0 s5, $0x0  }
0x1f: {  	s9 =	smul.u32 $0xF7A, s1;
	s8 =	simm.s32 @!p0 $0x1BF5;
	p2 =	por !p2, p0  }
0x20: {  	[sflag:s8] =	ssyncset.s32 @!p0 $0xFFFFF086;
	s6 =	sadd.s32 @!p0 s3, s7;
	s7 =	simm.s32 @!p0 $0x108  }
0x21: {  	s3 =	sadd.s32 s3, s9;
	s6 =	sadd.s32 @!p0 $0x88, s6;
	s7 =	simm.s32 @p2 $0x1082  }
0x22: {  	[simem:s7], [sflag:s8] =	dma.local @!p0 [hbm:s6], $0xF7A  }
0x23: {  	s9 =	sor.u32 $0xD0000000, s2;
	s6 =	simm.s32 $0x108;
	_ =	swait.ge @!p0 [sflag:s8], $0x0  }
0x24: {  	s3 =	sadd.s32 $0x88, s3;
	s6 =	simm.s32 @!p1 $0x1082;
	[sflag:s4] =	ssyncset.s32 $0xFFFFF086  }
0x25: {  	[simem:s6], [sflag:s4] =	dma.local [hbm:s3], $0xF7A  }
0x26: {  	[smem:$0x3F9F] =	sst s1;
	(tag) =	ssettag s2;
	_ =	strace s9  }
0x27: {  	s1 =	sld [smem:$0x3FAF]  }
0x28: {  	s2 =	sld [smem:$0x3FB0]  }
0x29: {  	s4 =	sld [smem:$0x3FB2]  }
0x2a: {  	p0 =	seq.s32 s5, $0x0;
	s5 =	sld [smem:$0x3FB3]  }
0x2b: {  	s6 =	sld [smem:$0x3FB4]  }
0x2c: {  	s7 =	sld [smem:$0x3FB5]  }
0x2d: {  	s3 =	simm.s32 $0x108;
	s8 =	sld [smem:$0x3FB6]  }
0x2e: {  	s3 =	simm.s32 @!p0 $0x1082;
	s9 =	sld [smem:$0x3FB7]  }
0x2f: {  	lr =	sadd.s32 s0, s3;
	s0 =	sld [smem:$0x3FAE]  }
0x30: {  	s3 =	sld [smem:$0x3FB1]  }
0x31: {  	[smem:$0x3FBA] =	sst s10  }
0x32: {  	s10 =	sld [smem:$0x3FB8];
	_ =	sdelay $0x3  }
0x33: {  	p0 =	seq.s32 s10, $0x1;
	s10 =	sld [smem:$0x3FBA];
	_ =	sdelay $0x3  }
0x34: {  	[smem:$0x3FBA] =	sst s10  }
0x35: {  	s10 =	sld [smem:$0x3FB9];
	_ =	sdelay $0x3  }
0x36: {  	p1 =	seq.s32 s10, $0x1;
	s10 =	sld [smem:$0x3FBA];
	_ =	sdelay $0x3  }
0x37: {  	[smem:$0x3FBA] =	sst s10  }
0x38: {  	s10 =	sld [smem:$0x3FBB]  }
0x39: {  	_ = 	snop;
	(pc) =	sbr.ind lr, $3  }
0x3a: {  	_ = 	snop  }
0x3b: {  	_ = 	snop  }
0x3c: {  	p2 =	seq.s32 s10, $0x1;
	s10 =	sld [smem:$0x3FBA]  }
0x3d: {  	_ =	shalt  }
0x3e: {  	_ =	shalt  }
0x3f: {  	_ =	shalt  }
0x40: {  	_ =	shalt  }
0x41: {  	_ =	shalt  }
0x42: {  	_ =	shalt  }
0x43: {  	_ =	shalt  }
0x44: {  	_ =	shalt  }
0x45: {  	_ =	shalt  }
0x46: {  	_ =	shalt  }
0x47: {  	_ =	shalt  }
0x48: {  	_ =	shalt  }
0x49: {  	_ =	shalt  }
0x4a: {  	_ =	shalt  }
0x4b: {  	_ =	shalt  }
0x4c: {  	_ =	shalt  }
0x4d: {  	_ =	shalt  }
0x4e: {  	_ =	shalt  }
0x4f: {  	_ =	shalt  }
0x50: {  	_ =	shalt  }
0x51: {  	_ =	shalt  }
0x52: {  	_ =	shalt  }
0x53: {  	_ =	shalt  }
0x54: {  	_ =	shalt  }
0x55: {  	_ =	shalt  }
0x56: {  	_ =	shalt  }
0x57: {  	_ =	shalt  }
0x58: {  	_ =	shalt  }
0x59: {  	_ =	shalt  }
0x5a: {  	_ =	shalt  }
0x5b: {  	_ =	shalt  }
0x5c: {  	_ =	shalt  }
0x5d: {  	_ =	shalt  }
0x5e: {  	_ =	shalt  }
0x5f: {  	_ =	shalt  }
0x60: {  	_ =	shalt  }
0x61: {  	_ =	shalt  }
0x62: {  	_ =	shalt  }
0x63: {  	_ =	shalt  }
0x64: {  	_ =	shalt  }
0x65: {  	_ =	shalt  }
0x66: {  	_ =	shalt  }
0x67: {  	_ =	shalt  }
0x68: {  	_ =	shalt  }
0x69: {  	_ =	shalt  }
0x6a: {  	_ =	shalt  }
0x6b: {  	_ =	shalt  }
0x6c: {  	_ =	shalt  }
0x6d: {  	_ =	shalt  }
0x6e: {  	_ =	shalt  }
0x6f: {  	_ =	shalt  }
0x70: {  	_ =	shalt  }
0x71: {  	_ =	shalt  }
0x72: {  	_ =	shalt  }
0x73: {  	_ =	shalt  }
0x74: {  	_ =	shalt  }
0x75: {  	_ =	shalt  }
0x76: {  	_ =	shalt  }
0x77: {  	_ =	shalt  }
0x78: {  	_ =	shalt  }
0x79: {  	_ =	shalt  }
0x7a: {  	_ =	shalt  }
0x7b: {  	_ =	shalt  }
0x7c: {  	_ =	shalt  }
0x7d: {  	_ =	shalt  }
0x7e: {  	_ =	shalt  }
0x7f: {  	_ =	shalt  }
0x80: {  	_ =	shalt  }
0x81: {  	_ =	shalt  }
0x82: {  	_ =	shalt  }
0x83: {  	_ =	shalt  }
0x84: {  	_ =	shalt  }
0x85: {  	_ =	shalt  }
0x86: {  	_ =	shalt  }
0x87: {  	_ =	shalt  }
.Lfunc_end0:
.L_simem_size_0:
called_computation.1_lowered:
.L_overlay_start_0:
0x88: {  	s2 =	sld [smem:$0x3FD9]  }
0x89: {  	s3 =	sld [smem:$0x3FFE];
	_ =	sdelay $0x1  }
0x8a: {  	s1 =	srdreg.scid  }
0x8b: {  	s0 =	sand.u32 $0x1, s1  }
0x8c: {  	s17 =	sshll.u32 s0, $0xA;
	s2 =	sadd.s32 s3, s2  }
0x8d: {  	s2 =	sadd.s32 s2, s17  }
0x8e: {  	[smem:$0x3FC6] =	sst s2  }
0x8f: {  	_ = 	snop  }
0x90: {  	s2 =	sld [smem:$0x3FD0];
	(tm) =	ssettm $0x1  }
0x91: {  	s18 =	sld [smem:$0x3FFB];
	_ =	sdelay $0x3  }
0x92: {  	_ =	strace s18  }
0x93: {  	s3 =	sld [smem:$0x3FFC];
	_ =	sdelay $0x3  }
0x94: {  	_ =	strace s3  }
0x95: {  	s3 =	sld [smem:$0x3FFD];
	_ =	sdelay $0x3  }
0x96: {  	_ =	strace s3  }
0x97: {  	_ =	strace $0x8FFFFFFF  }
0x98: {  	s19 =	sld [smem:$0x3FDB];
	_ =	sdelay $0x1  }
0x99: {  	s4 =	simm.s32 $_scs_section_size  }
0x9a: {  	s5 =	simm.s32 $_size__tile_overlayer_lowered;
	s6 =	simm.s32 $_tile_overlayer_lowered  }
0x9b: {  	s22 =	simm.s32 $0x1BFF;
	s21 =	sshll.u32 s6, $0x1;
	s3 =	sadd.s32 s4, s19  }
0x9c: {  	s7 =	simm.s32 $0x0;
	s20 =	sshll.u32 s5, $0x1;
	s5 =	sadd.s32 s21, s3  }
0x9d: {  	[timem:s7], [sflag:s22] =	dma.local [hbm:s5], s20  }
0x9e: {  	_ =	swait.ge [sflag:s22], s20  }
0x9f: {  	s4 =	ssub.s32 $0x0, s20;
	[sflag:s22] =	ssyncset.done $0x0  }
0xa0: {  	[sflag:s22] =	ssyncadd.s32 s4;
	_ =	sdelay $0x1  }
0xa1: {  	s23 =	simm.s32 $0x1B8B  }
0xa2: {  	_ =	swait.ge [sflag:s23], $0x1  }
0xa3: {  	[sflag:s23] =	ssyncset.done $0x0  }
0xa4: {  	s25 =	simm.s32 $0x1B8E;
	s24 =	sld [smem:$0x3FFE];
	[sflag:s23] =	ssyncadd.s32 $0xFFFFFFFF  }
0xa5: {  	s26 =	simm.s32 $execute0_lowered;
	[smem:$0x3FD2] =	sst s25  }
0xa6: {  	s5 =	sshll.u32 s26, $0x1;
	_ =	strace $0x80000046;
	[dreg:$0x1] =	wrdreg $0xFFFFFFFF  }
0xa7: {  	s28 =	simm.s32 $_size_execute0_lowered;
	s3 =	sadd.s32 s3, s5;
	[dreg:$0x0] =	wrdreg $0x0  }
0xa8: {  	s5 =	sshll.u32 s28, $0x1;
	[dreg:$0x2] =	wrdreg s3  }
0xa9: {  	[dreg:$0x3] =	wrdreg s5  }
0xaa: {  	[dreg:$0x4] =	wrdreg $0xC0  }
0xab: {  	_ =	task [dreg:s7], $0x5FFFF  }
0xac: {  	[dreg:$0x1] =	wrdreg $0xFFFFFFFF  }
0xad: {  	[dreg:$0x0] =	wrdreg $0x60  }
0xae: {  	[dreg:$0x2] =	wrdreg s2  }
0xaf: {  	[dreg:$0x3] =	wrdreg s24  }
0xb0: {  	[dreg:$0x4] =	wrdreg $0x9  }
0xb1: {  	_ =	task.clear_ibuf [dreg:s7], $0x5FFFF;
	_ =	strace $0x90000046  }
0xb2: {  	s29 =	simm.s32 $0x9;
	_ =	strace $0x80000048  }
0xb3: {  	_ =	swait.ge [sflag:s29], $0x1  }
0xb4: {  	[sflag:s29] =	ssyncadd.s32 $0xFFFFFFFF  }
0xb5: {  	_ =	strace $0x90000048  }
0xb6: {  	_ =	sfence  }
0xb7: {  	s30 =	sld [smem:$0x0];
	_ =	sdelay $0x2  }
0xb8: {  	s31 =	sshll.u32 s1, $0xD;
	s1 =	sshrl.u32 s1, $0x2  }
0xb9: {  	s3 =	sand.u32 $0x4000, s31;
	s1 =	sadd.s32 s1, s30  }
0xba: {  	s0 =	sor.u32 s3, s0;
	s1 =	sshll.u32 s1, $0x11  }
0xbb: {  	s0 =	sor.u32 s1, s0  }
0xbc: {  	s0 =	sadd.s32 $0x8F2B, s0  }
0xbd: {  	[sflag:s0] =	ssyncadd.remote.s32 $0x1  }
0xbe: {  	_ =	sfence.sel $0xFFFF  }
0xbf: {  	[dreg:$0x0] =	wrdreg $0xFFFFFFFF;
	(pc) =	sbr.abs _section_cstart, $3  }
0xc0: {  	[dreg:$0x1] =	wrdreg $0xFFFFFFFF  }
0xc1: {  	_ =	task.clear_ibuf [dreg:s7], $0x2FFFF;
	_ =	strace $0x9FFFFFFF  }
0xc2: {  	(tm) =	ssettm $0x7FFFFFFF  }
0xc3: {  	_ =	shalt  }
tec
execute0_lowered:
.L_overlay_start_1:
0x0: {  	(tag) =	ssettag $0x1  }
0x1: {  	s0 =	rddreg [dreg:$0x0];
	s1 =	srdreg.scid  }
0x2: {  	s2 =	rddreg [dreg:$0x1];
	s5 =	stileid.u32;
	s6 =	simm.s32 $0x0  }
0x3: {  	s8 =	simm.s32 $0x32;
	s31 =	simm.s32 $0x7640;
	s12 =	simm.s32 $0x7C80  }
0x4: {  	s20 =	simm.s32 $0x82C0;
	s22 =	simm.s32 $0x8900;
	s16 =	simm.s32 $0x8F40  }
0x5: {  	s7 =	simm.s32 $0xBB00;
	s9 =	simm.s32 $0xC140;
	s11 =	simm.s32 $0xC780  }
0x6: {  	s13 =	simm.s32 $0xCDC0;
	s29 =	simm.s32 $0xD400;
	s15 =	simm.s32 $0x1  }
0x7: {  	s17 =	simm.s32 $0x20;
	s19 =	simm.s32 $0x80;
	s21 =	simm.s32 $0x2  }
0x8: {  	s28 =	simm.s32 $0x5;
	s30 =	simm.s32 $0x6;
	s10 =	simm.s32 $0x8  }
0x9: {  	s18 =	simm.s32 $0x0;
	s1 =	sand.u32 $0x1, s1;
	s3 =	sshll.u32 s5, $0xA  }
0xa: {  	s5 =	smul.u32 $0xE0000, s5;
	[smem:$0x7FF] =	sst s6;
	s6 =	simm.s32 $0xB4C0  }
0xb: {  	s4 =	sshll.u32 s1, $0x9;
	_ =	strace $0x80000047;
	s23 =	ssub.s32 $0x2, s1  }
0xc: {  	s1 =	smul.u32 $0x70000, s1;
	s3 =	sor.u32 s4, s3;
	s24 =	sshrl.u32 s23, $0x1  }
0xd: {  	s4 =	smul.u32 $0x7, s3;
	s3 =	sadd.s32 $0xF42E00, s2;
	s2 =	sadd.s32 s5, s2  }
0xe: {  	s5 =	ssub.s32 s23, s24;
	s24 =	simm.s32 $0x9BC0;
	s23 =	simm.s32 $0x3  }
.Ltmp0:
0xf: {  	s25 =	sadd.s32 s1, s2;
	s26 =	smax.u32 s5, $0x1;
	(pc) =	sbr.rel .LBB2_1-.Ltmp0, $4  }
0x10: {  	s1 =	simm.s32 $0x9580;
	s2 =	simm.s32 $0xA200;
	s5 =	simm.s32 $0xAE80  }
0x11: {  	s0 =	sadd.s32 s0, s4;
	[dreg:$0x4] =	wrdreg s26;
	s26 =	simm.s32 $0x7000  }
0x12: {  	s4 =	simm.s32 $0xA840;
	[dreg:$0x3] =	wrdreg s0;
	s0 =	sadd.s32 $0xA00, s25  }
0x13: {  	s25 =	simm.s32 $0x4;
	[dreg:$0x5] =	wrdreg s0;
	s0 =	simm.s32 $0x7  }
.LBB2_4:
0x14: {  	_ =	swait.ge [sflag:s28], $0x3200  }
0x15: {  	[sflag:s28] =	ssyncset.done $0x0  }
0x16: {  	[sflag:s28] =	ssyncadd.s32 $0xFFFFCE00  }
0x17: {  	_ =	swait.ge [sflag:s30], $0x3200  }
0x18: {  	[sflag:s30] =	ssyncset.done $0x0  }
0x19: {  	[sflag:s30] =	ssyncadd.s32 $0xFFFFCE00  }
0x1a: {  	_ =	swait.ge [sflag:s0], $0x3200  }
0x1b: {  	[sflag:s0] =	ssyncset.done $0x0  }
0x1c: {  	[sflag:s0] =	ssyncadd.s32 $0xFFFFCE00  }
0x1d: {  	_ =	swait.ge [sflag:s10], $0x3200  }
0x1e: {  	s18 =	rddreg [dreg:$0x6]  }
0x1f: {  	s12 =	simm.s32 $0x7C80;
	s14 =	rddreg [dreg:$0x4];
	s18 =	sadd.s32 $0x1, s18  }
0x20: {  	s20 =	simm.s32 $0x82C0;
	s22 =	simm.s32 $0x8900;
	p0 =	sne.s32 s18, s14  }
.Ltmp1:
0x21: {  	s16 =	simm.s32 $0x8F40;
	s1 =	simm.s32 $0x9580;
	(pc) =	sbr.rel @!p0 .LBB2_5-.Ltmp1, $4  }
0x22: {  	s24 =	simm.s32 $0x9BC0;
	s2 =	simm.s32 $0xA200;
	s4 =	simm.s32 $0xA840  }
0x23: {  	s5 =	simm.s32 $0xAE80;
	s6 =	simm.s32 $0xB4C0;
	s7 =	simm.s32 $0xBB00  }
0x24: {  	s9 =	simm.s32 $0xC140;
	s11 =	simm.s32 $0xC780;
	[sflag:s10] =	ssyncset.done $0x0  }
0x25: {  	s13 =	simm.s32 $0xCDC0;
	s29 =	simm.s32 $0xD400;
	[sflag:s10] =	ssyncadd.s32 $0xFFFFCE00  }
.LBB2_1:
0x26: {  	[dreg:$0x6] =	wrdreg s18  }
0x27: {  	s14 =	simm.s32 $0x0;
	s18 =	rddreg [dreg:$0x3]  }
0x28: {  	[tilespmem:s14], [sflag:$0x9] =	stream.linear.gather [hbm4b:s18+s14], $0x7000, $0x38;
	[tilespmem:$0x13800] =	vst v63  }
0x29: {  	s18 =	simm.s32 $0x9  }
0x2a: {  	_ =	swait.ge [sflag:s18], $0x7000  }
0x2b: {  	[sflag:s18] =	ssyncset.done $0x0  }
0x2c: {  	[sflag:s18] =	ssyncadd.s32 $0xFFFF9000  }
0x2d: {  	[tilespmem:s26], [sflag:$0x1] =	stream.indirect.gather [hbm4b:s3+s8], $0x20, s14, s8, $0xb8;
	[tilespmem:$0x13800] =	vst v63  }
0x2e: {  	s18 =	simm.s32 $0x38  }
0x2f: {  	[tilespmem:s31], [sflag:$0x1] =	stream.indirect.gather [hbm4b:s3+s8], $0x20, s18, s8, $0xb8;
	[tilespmem:$0x13800] =	vst v63  }
0x30: {  	s18 =	simm.s32 $0x70  }
0x31: {  	[tilespmem:s12], [sflag:$0x1] =	stream.indirect.gather [hbm4b:s3+s8], $0x20, s18, s8, $0xb8;
	[tilespmem:$0x13800] =	vst v63  }
0x32: {  	s14 =	simm.s32 $0xA8  }
0x33: {  	[tilespmem:s20], [sflag:$0x1] =	stream.indirect.gather [hbm4b:s3+s8], $0x20, s14, s8, $0xb8;
	[tilespmem:$0x13800] =	vst v63  }
0x34: {  	s18 =	simm.s32 $0xE0  }
0x35: {  	[tilespmem:s22], [sflag:$0x1] =	stream.indirect.gather [hbm4b:s3+s8], $0x20, s18, s8, $0xb8;
	[tilespmem:$0x13800] =	vst v63  }
0x36: {  	s20 =	simm.s32 $0x118  }
0x37: {  	[tilespmem:s16], [sflag:$0x1] =	stream.indirect.gather [hbm4b:s3+s8], $0x20, s20, s8, $0xb8;
	[tilespmem:$0x13800] =	vst v63  }
0x38: {  	s22 =	simm.s32 $0x150  }
0x39: {  	[tilespmem:s1], [sflag:$0x1] =	stream.indirect.gather [hbm4b:s3+s8], $0x20, s22, s8, $0xb8;
	[tilespmem:$0x13800] =	vst v63  }
0x3a: {  	s12 =	simm.s32 $0x188  }
0x3b: {  	[tilespmem:s24], [sflag:$0x1] =	stream.indirect.gather [hbm4b:s3+s8], $0x20, s12, s8, $0xb8;
	[tilespmem:$0x13800] =	vst v63  }
0x3c: {  	s14 =	simm.s32 $0x1C0  }
0x3d: {  	[tilespmem:s2], [sflag:$0x2] =	stream.indirect.gather [hbm4b:s3+s8], $0x20, s14, s8, $0xb8;
	[tilespmem:$0x13800] =	vst v63  }
0x3e: {  	s16 =	simm.s32 $0x1F8  }
0x3f: {  	[tilespmem:s4], [sflag:$0x2] =	stream.indirect.gather [hbm4b:s3+s8], $0x20, s16, s8, $0xb8;
	[tilespmem:$0x13800] =	vst v63  }
0x40: {  	s18 =	simm.s32 $0x230  }
0x41: {  	[tilespmem:s5], [sflag:$0x2] =	stream.indirect.gather [hbm4b:s3+s8], $0x20, s18, s8, $0xb8;
	[tilespmem:$0x13800] =	vst v63  }
0x42: {  	s20 =	simm.s32 $0x268  }
0x43: {  	[tilespmem:s6], [sflag:$0x2] =	stream.indirect.gather [hbm4b:s3+s8], $0x20, s20, s8, $0xb8;
	[tilespmem:$0x13800] =	vst v63  }
0x44: {  	s22 =	simm.s32 $0x2A0  }
0x45: {  	[tilespmem:s7], [sflag:$0x2] =	stream.indirect.gather [hbm4b:s3+s8], $0x20, s22, s8, $0xb8;
	[tilespmem:$0x13800] =	vst v63  }
0x46: {  	s24 =	simm.s32 $0x2D8  }
0x47: {  	[tilespmem:s9], [sflag:$0x2] =	stream.indirect.gather [hbm4b:s3+s8], $0x20, s24, s8, $0xb8;
	[tilespmem:$0x13800] =	vst v63  }
0x48: {  	s2 =	simm.s32 $0x310  }
0x49: {  	[tilespmem:s11], [sflag:$0x2] =	stream.indirect.gather [hbm4b:s3+s8], $0x20, s2, s8, $0xb8;
	[tilespmem:$0x13800] =	vst v63  }
0x4a: {  	s4 =	simm.s32 $0x348  }
0x4b: {  	[tilespmem:s13], [sflag:$0x2] =	stream.indirect.gather [hbm4b:s3+s8], $0x20, s4, s8, $0xb8;
	[tilespmem:$0x13800] =	vst v63  }
0x4c: {  	s5 =	simm.s32 $0x380  }
0x4d: {  	[tilespmem:s29], [sflag:$0x3] =	stream.indirect.gather [hbm4b:s3+s8], $0x20, s5, s8, $0xb8;
	[tilespmem:$0x13800] =	vst v63  }
0x4e: {  	s6 =	simm.s32 $0x3B8;
	s7 =	simm.s32 $0xDA40  }
0x4f: {  	[tilespmem:s7], [sflag:$0x3] =	stream.indirect.gather [hbm4b:s3+s8], $0x20, s6, s8, $0xb8;
	[tilespmem:$0x13800] =	vst v63  }
0x50: {  	s9 =	simm.s32 $0x3F0;
	s11 =	simm.s32 $0xE080  }
0x51: {  	[tilespmem:s11], [sflag:$0x3] =	stream.indirect.gather [hbm4b:s3+s8], $0x20, s9, s8, $0xb8;
	[tilespmem:$0x13800] =	vst v63  }
0x52: {  	s12 =	simm.s32 $0x428;
	s13 =	simm.s32 $0xE6C0  }
0x53: {  	[tilespmem:s13], [sflag:$0x3] =	stream.indirect.gather [hbm4b:s3+s8], $0x20, s12, s8, $0xb8;
	[tilespmem:$0x13800] =	vst v63  }
0x54: {  	s14 =	simm.s32 $0x460;
	s16 =	simm.s32 $0xED00  }
0x55: {  	[tilespmem:s16], [sflag:$0x3] =	stream.indirect.gather [hbm4b:s3+s8], $0x20, s14, s8, $0xb8;
	[tilespmem:$0x13800] =	vst v63  }
0x56: {  	s1 =	simm.s32 $0x12B80;
	s18 =	simm.s32 $0x498;
	s20 =	simm.s32 $0xF340  }
0x57: {  	[tilespmem:s20], [sflag:$0x3] =	stream.indirect.gather [hbm4b:s3+s8], $0x20, s18, s8, $0xb8;
	[tilespmem:$0x13800] =	vst v63  }
0x58: {  	s22 =	simm.s32 $0x4D0;
	s24 =	simm.s32 $0xF980;
	s2 =	simm.s32 $0xA200  }
0x59: {  	[tilespmem:s24], [sflag:$0x3] =	stream.indirect.gather [hbm4b:s3+s8], $0x20, s22, s8, $0xb8;
	[tilespmem:$0x13800] =	vst v63  }
0x5a: {  	s4 =	simm.s32 $0x508;
	s5 =	simm.s32 $0xFFC0;
	s29 =	simm.s32 $0x12540  }
0x5b: {  	[tilespmem:s5], [sflag:$0x3] =	stream.indirect.gather [hbm4b:s3+s8], $0x20, s4, s8, $0xb8;
	[tilespmem:$0x13800] =	vst v63  }
0x5c: {  	s6 =	simm.s32 $0x10600;
	s7 =	simm.s32 $0x540;
	s9 =	simm.s32 $0x10C40  }
0x5d: {  	[tilespmem:s6], [sflag:$0x4] =	stream.indirect.gather [hbm4b:s3+s8], $0x20, s7, s8, $0xb8;
	[tilespmem:$0x13800] =	vst v63  }
0x5e: {  	s11 =	simm.s32 $0x578;
	s12 =	simm.s32 $0x11280;
	s13 =	simm.s32 $0x5B0  }
0x5f: {  	[tilespmem:s9], [sflag:$0x4] =	stream.indirect.gather [hbm4b:s3+s8], $0x20, s11, s8, $0xb8;
	[tilespmem:$0x13800] =	vst v63  }
0x60: {  	s14 =	simm.s32 $0x118C0;
	s16 =	simm.s32 $0x5E8;
	s18 =	simm.s32 $0x620  }
0x61: {  	[tilespmem:s12], [sflag:$0x4] =	stream.indirect.gather [hbm4b:s3+s8], $0x20, s13, s8, $0xb8;
	[tilespmem:$0x13800] =	vst v63  }
0x62: {  	s20 =	simm.s32 $0x658;
	s22 =	simm.s32 $0x690;
	s24 =	simm.s32 $0x6C8  }
0x63: {  	[tilespmem:s14], [sflag:$0x4] =	stream.indirect.gather [hbm4b:s3+s8], $0x20, s16, s8, $0xb8;
	[tilespmem:$0x13800] =	vst v63  }
0x64: {  	s4 =	simm.s32 $0xA840;
	s5 =	simm.s32 $0xAE80;
	s16 =	simm.s32 $0x11F00  }
0x65: {  	[tilespmem:s16], [sflag:$0x4] =	stream.indirect.gather [hbm4b:s3+s8], $0x20, s18, s8, $0xb8;
	[tilespmem:$0x13800] =	vst v63  }
0x66: {  	s6 =	simm.s32 $0xB4C0;
	s7 =	simm.s32 $0xBB00;
	s9 =	simm.s32 $0xC140  }
0x67: {  	[tilespmem:s29], [sflag:$0x4] =	stream.indirect.gather [hbm4b:s3+s8], $0x20, s20, s8, $0xb8;
	[tilespmem:$0x13800] =	vst v63  }
0x68: {  	s11 =	simm.s32 $0xC780;
	s13 =	simm.s32 $0xCDC0;
	s12 =	simm.s32 $0xD400  }
0x69: {  	[tilespmem:s1], [sflag:$0x4] =	stream.indirect.gather [hbm4b:s3+s8], $0x20, s22, s8, $0xb8;
	[tilespmem:$0x13800] =	vst v63  }
0x6a: {  	s14 =	rddreg [dreg:$0x5];
	s18 =	simm.s32 $0x0;
	s20 =	simm.s32 $0x131C0  }
0x6b: {  	[tilespmem:s20], [sflag:$0x4] =	stream.indirect.gather [hbm4b:s3+s8], $0x20, s24, s8, $0xb8;
	[tilespmem:$0x13800] =	vst v63  }
.LBB2_2:
0x6c: {  	_ =	swait.ge [sflag:s15], $0x640  }
0x6d: {  	[sflag:s15] =	ssyncset.done $0x0  }
0x6e: {  	[sflag:s15] =	ssyncadd.s32 $0xFFFFF9C0  }
0x6f: {  	_ =	swait.ge [sflag:s15], $0x640  }
0x70: {  	[sflag:s15] =	ssyncset.done $0x0  }
0x71: {  	[sflag:s15] =	ssyncadd.s32 $0xFFFFF9C0  }
0x72: {  	_ =	swait.ge [sflag:s15], $0x640  }
0x73: {  	[sflag:s15] =	ssyncset.done $0x0  }
0x74: {  	[sflag:s15] =	ssyncadd.s32 $0xFFFFF9C0  }
0x75: {  	_ =	swait.ge [sflag:s15], $0x640  }
0x76: {  	[sflag:s15] =	ssyncset.done $0x0  }
0x77: {  	[sflag:s15] =	ssyncadd.s32 $0xFFFFF9C0  }
0x78: {  	_ =	swait.ge [sflag:s15], $0x640  }
0x79: {  	[sflag:s15] =	ssyncset.done $0x0  }
0x7a: {  	[sflag:s15] =	ssyncadd.s32 $0xFFFFF9C0  }
0x7b: {  	_ =	swait.ge [sflag:s15], $0x640  }
0x7c: {  	[sflag:s15] =	ssyncset.done $0x0  }
0x7d: {  	[sflag:s15] =	ssyncadd.s32 $0xFFFFF9C0  }
0x7e: {  	_ =	swait.ge [sflag:s15], $0x640  }
0x7f: {  	[sflag:s15] =	ssyncset.done $0x0  }
0x80: {  	[sflag:s15] =	ssyncadd.s32 $0xFFFFF9C0  }
0x81: {  	_ =	swait.ge [sflag:s15], $0x640  }
0x82: {  	[sflag:s15] =	ssyncset.done $0x0  }
0x83: {  	[sflag:s15] =	ssyncadd.s32 $0xFFFFF9C0  }
0x84: {  	[hbm4b:s14+s17] =	stream.strided.scatter [tilespmem:s26], [sflag:$0x5], $0x640, s19, s17, $0x38;
	[tilespmem:$0x13800] =	vst v63  }
0x85: {  	s22 =	sadd.s32 $0x380, s14  }
0x86: {  	[hbm4b:s22+s17] =	stream.strided.scatter [tilespmem:s31], [sflag:$0x5], $0x640, s19, s17, $0x38;
	[tilespmem:$0x13800] =	vst v63  }
0x87: {  	s24 =	simm.s32 $0x7C80;
	s22 =	sadd.s32 $0x700, s14  }
0x88: {  	[hbm4b:s22+s17] =	stream.strided.scatter [tilespmem:s24], [sflag:$0x5], $0x640, s19, s17, $0x38;
	[tilespmem:$0x13800] =	vst v63  }
0x89: {  	s22 =	sadd.s32 $0xA80, s14;
	s24 =	simm.s32 $0x82C0  }
0x8a: {  	[hbm4b:s22+s17] =	stream.strided.scatter [tilespmem:s24], [sflag:$0x5], $0x640, s19, s17, $0x38;
	[tilespmem:$0x13800] =	vst v63  }
0x8b: {  	s22 =	sadd.s32 $0xE00, s14;
	s24 =	simm.s32 $0x8900  }
0x8c: {  	[hbm4b:s22+s17] =	stream.strided.scatter [tilespmem:s24], [sflag:$0x5], $0x640, s19, s17, $0x38;
	[tilespmem:$0x13800] =	vst v63  }
0x8d: {  	s22 =	sadd.s32 $0x1180, s14;
	s24 =	simm.s32 $0x8F40  }
0x8e: {  	[hbm4b:s22+s17] =	stream.strided.scatter [tilespmem:s24], [sflag:$0x5], $0x640, s19, s17, $0x38;
	[tilespmem:$0x13800] =	vst v63  }
0x8f: {  	s22 =	sadd.s32 $0x1500, s14;
	s24 =	simm.s32 $0x9580  }
0x90: {  	[hbm4b:s22+s17] =	stream.strided.scatter [tilespmem:s24], [sflag:$0x5], $0x640, s19, s17, $0x38;
	[tilespmem:$0x13800] =	vst v63  }
0x91: {  	s22 =	sadd.s32 $0x1880, s14;
	s24 =	simm.s32 $0x9BC0  }
0x92: {  	[hbm4b:s22+s17] =	stream.strided.scatter [tilespmem:s24], [sflag:$0x5], $0x640, s19, s17, $0x38;
	[tilespmem:$0x13800] =	vst v63  }
0x93: {  	_ =	swait.ge [sflag:s21], $0x640  }
0x94: {  	[sflag:s21] =	ssyncset.done $0x0  }
0x95: {  	[sflag:s21] =	ssyncadd.s32 $0xFFFFF9C0  }
0x96: {  	_ =	swait.ge [sflag:s21], $0x640  }
0x97: {  	[sflag:s21] =	ssyncset.done $0x0  }
0x98: {  	[sflag:s21] =	ssyncadd.s32 $0xFFFFF9C0  }
0x99: {  	_ =	swait.ge [sflag:s21], $0x640  }
0x9a: {  	[sflag:s21] =	ssyncset.done $0x0  }
0x9b: {  	[sflag:s21] =	ssyncadd.s32 $0xFFFFF9C0  }
0x9c: {  	_ =	swait.ge [sflag:s21], $0x640  }
0x9d: {  	[sflag:s21] =	ssyncset.done $0x0  }
0x9e: {  	[sflag:s21] =	ssyncadd.s32 $0xFFFFF9C0  }
0x9f: {  	_ =	swait.ge [sflag:s21], $0x640  }
0xa0: {  	[sflag:s21] =	ssyncset.done $0x0  }
0xa1: {  	[sflag:s21] =	ssyncadd.s32 $0xFFFFF9C0  }
0xa2: {  	_ =	swait.ge [sflag:s21], $0x640  }
0xa3: {  	[sflag:s21] =	ssyncset.done $0x0  }
0xa4: {  	[sflag:s21] =	ssyncadd.s32 $0xFFFFF9C0  }
0xa5: {  	_ =	swait.ge [sflag:s21], $0x640  }
0xa6: {  	[sflag:s21] =	ssyncset.done $0x0  }
0xa7: {  	[sflag:s21] =	ssyncadd.s32 $0xFFFFF9C0  }
0xa8: {  	_ =	swait.ge [sflag:s21], $0x640  }
0xa9: {  	[sflag:s21] =	ssyncset.done $0x0  }
0xaa: {  	s24 =	sadd.s32 $0x1C00, s14;
	[sflag:s21] =	ssyncadd.s32 $0xFFFFF9C0  }
0xab: {  	[hbm4b:s24+s17] =	stream.strided.scatter [tilespmem:s2], [sflag:$0x6], $0x640, s19, s17, $0x38;
	[tilespmem:$0x13800] =	vst v63  }
0xac: {  	s24 =	sadd.s32 $0x1F80, s14  }
0xad: {  	[hbm4b:s24+s17] =	stream.strided.scatter [tilespmem:s4], [sflag:$0x6], $0x640, s19, s17, $0x38;
	[tilespmem:$0x13800] =	vst v63  }
0xae: {  	s24 =	sadd.s32 $0x2300, s14  }
0xaf: {  	[hbm4b:s24+s17] =	stream.strided.scatter [tilespmem:s5], [sflag:$0x6], $0x640, s19, s17, $0x38;
	[tilespmem:$0x13800] =	vst v63  }
0xb0: {  	s24 =	sadd.s32 $0x2680, s14  }
0xb1: {  	[hbm4b:s24+s17] =	stream.strided.scatter [tilespmem:s6], [sflag:$0x6], $0x640, s19, s17, $0x38;
	[tilespmem:$0x13800] =	vst v63  }
0xb2: {  	s24 =	sadd.s32 $0x2A00, s14  }
0xb3: {  	[hbm4b:s24+s17] =	stream.strided.scatter [tilespmem:s7], [sflag:$0x6], $0x640, s19, s17, $0x38;
	[tilespmem:$0x13800] =	vst v63  }
0xb4: {  	s24 =	sadd.s32 $0x2D80, s14  }
0xb5: {  	[hbm4b:s24+s17] =	stream.strided.scatter [tilespmem:s9], [sflag:$0x6], $0x640, s19, s17, $0x38;
	[tilespmem:$0x13800] =	vst v63  }
0xb6: {  	s24 =	sadd.s32 $0x3100, s14  }
0xb7: {  	[hbm4b:s24+s17] =	stream.strided.scatter [tilespmem:s11], [sflag:$0x6], $0x640, s19, s17, $0x38;
	[tilespmem:$0x13800] =	vst v63  }
0xb8: {  	s24 =	sadd.s32 $0x3480, s14  }
0xb9: {  	[hbm4b:s24+s17] =	stream.strided.scatter [tilespmem:s13], [sflag:$0x6], $0x640, s19, s17, $0x38;
	[tilespmem:$0x13800] =	vst v63  }
0xba: {  	_ =	swait.ge [sflag:s23], $0x640  }
0xbb: {  	[sflag:s23] =	ssyncset.done $0x0  }
0xbc: {  	[sflag:s23] =	ssyncadd.s32 $0xFFFFF9C0  }
0xbd: {  	_ =	swait.ge [sflag:s23], $0x640  }
0xbe: {  	[sflag:s23] =	ssyncset.done $0x0  }
0xbf: {  	[sflag:s23] =	ssyncadd.s32 $0xFFFFF9C0  }
0xc0: {  	_ =	swait.ge [sflag:s23], $0x640  }
0xc1: {  	[sflag:s23] =	ssyncset.done $0x0  }
0xc2: {  	[sflag:s23] =	ssyncadd.s32 $0xFFFFF9C0  }
0xc3: {  	_ =	swait.ge [sflag:s23], $0x640  }
0xc4: {  	[sflag:s23] =	ssyncset.done $0x0  }
0xc5: {  	[sflag:s23] =	ssyncadd.s32 $0xFFFFF9C0  }
0xc6: {  	_ =	swait.ge [sflag:s23], $0x640  }
0xc7: {  	[sflag:s23] =	ssyncset.done $0x0  }
0xc8: {  	[sflag:s23] =	ssyncadd.s32 $0xFFFFF9C0  }
0xc9: {  	_ =	swait.ge [sflag:s23], $0x640  }
0xca: {  	[sflag:s23] =	ssyncset.done $0x0  }
0xcb: {  	[sflag:s23] =	ssyncadd.s32 $0xFFFFF9C0  }
0xcc: {  	_ =	swait.ge [sflag:s23], $0x640  }
0xcd: {  	[sflag:s23] =	ssyncset.done $0x0  }
0xce: {  	[sflag:s23] =	ssyncadd.s32 $0xFFFFF9C0  }
0xcf: {  	_ =	swait.ge [sflag:s23], $0x640  }
0xd0: {  	[sflag:s23] =	ssyncset.done $0x0  }
0xd1: {  	s24 =	sadd.s32 $0x3800, s14;
	[sflag:s23] =	ssyncadd.s32 $0xFFFFF9C0  }
0xd2: {  	[hbm4b:s24+s17] =	stream.strided.scatter [tilespmem:s12], [sflag:$0x7], $0x640, s19, s17, $0x38;
	[tilespmem:$0x13800] =	vst v63  }
0xd3: {  	s22 =	sadd.s32 $0x3B80, s14;
	s24 =	simm.s32 $0xDA40  }
0xd4: {  	[hbm4b:s22+s17] =	stream.strided.scatter [tilespmem:s24], [sflag:$0x7], $0x640, s19, s17, $0x38;
	[tilespmem:$0x13800] =	vst v63  }
0xd5: {  	s22 =	sadd.s32 $0x3F00, s14;
	s24 =	simm.s32 $0xE080  }
0xd6: {  	[hbm4b:s22+s17] =	stream.strided.scatter [tilespmem:s24], [sflag:$0x7], $0x640, s19, s17, $0x38;
	[tilespmem:$0x13800] =	vst v63  }
0xd7: {  	s22 =	sadd.s32 $0x4280, s14;
	s24 =	simm.s32 $0xE6C0  }
0xd8: {  	[hbm4b:s22+s17] =	stream.strided.scatter [tilespmem:s24], [sflag:$0x7], $0x640, s19, s17, $0x38;
	[tilespmem:$0x13800] =	vst v63  }
0xd9: {  	s22 =	sadd.s32 $0x4600, s14;
	s24 =	simm.s32 $0xED00  }
0xda: {  	[hbm4b:s22+s17] =	stream.strided.scatter [tilespmem:s24], [sflag:$0x7], $0x640, s19, s17, $0x38;
	[tilespmem:$0x13800] =	vst v63  }
0xdb: {  	s22 =	sadd.s32 $0x4980, s14;
	s24 =	simm.s32 $0xF340  }
0xdc: {  	[hbm4b:s22+s17] =	stream.strided.scatter [tilespmem:s24], [sflag:$0x7], $0x640, s19, s17, $0x38;
	[tilespmem:$0x13800] =	vst v63  }
0xdd: {  	s22 =	sadd.s32 $0x4D00, s14;
	s24 =	simm.s32 $0xF980  }
0xde: {  	[hbm4b:s22+s17] =	stream.strided.scatter [tilespmem:s24], [sflag:$0x7], $0x640, s19, s17, $0x38;
	[tilespmem:$0x13800] =	vst v63  }
0xdf: {  	s22 =	sadd.s32 $0x5080, s14;
	s24 =	simm.s32 $0xFFC0  }
0xe0: {  	[hbm4b:s22+s17] =	stream.strided.scatter [tilespmem:s24], [sflag:$0x7], $0x640, s19, s17, $0x38;
	[tilespmem:$0x13800] =	vst v63  }
0xe1: {  	_ =	swait.ge [sflag:s25], $0x640  }
0xe2: {  	[sflag:s25] =	ssyncset.done $0x0  }
0xe3: {  	[sflag:s25] =	ssyncadd.s32 $0xFFFFF9C0  }
0xe4: {  	_ =	swait.ge [sflag:s25], $0x640  }
0xe5: {  	[sflag:s25] =	ssyncset.done $0x0  }
0xe6: {  	[sflag:s25] =	ssyncadd.s32 $0xFFFFF9C0  }
0xe7: {  	_ =	swait.ge [sflag:s25], $0x640  }
0xe8: {  	[sflag:s25] =	ssyncset.done $0x0  }
0xe9: {  	[sflag:s25] =	ssyncadd.s32 $0xFFFFF9C0  }
0xea: {  	_ =	swait.ge [sflag:s25], $0x640  }
0xeb: {  	[sflag:s25] =	ssyncset.done $0x0  }
0xec: {  	[sflag:s25] =	ssyncadd.s32 $0xFFFFF9C0  }
0xed: {  	_ =	swait.ge [sflag:s25], $0x640  }
0xee: {  	[sflag:s25] =	ssyncset.done $0x0  }
0xef: {  	[sflag:s25] =	ssyncadd.s32 $0xFFFFF9C0  }
0xf0: {  	_ =	swait.ge [sflag:s25], $0x640  }
0xf1: {  	[sflag:s25] =	ssyncset.done $0x0  }
0xf2: {  	[sflag:s25] =	ssyncadd.s32 $0xFFFFF9C0  }
0xf3: {  	_ =	swait.ge [sflag:s25], $0x640  }
0xf4: {  	[sflag:s25] =	ssyncset.done $0x0  }
0xf5: {  	[sflag:s25] =	ssyncadd.s32 $0xFFFFF9C0  }
0xf6: {  	_ =	swait.ge [sflag:s25], $0x640  }
0xf7: {  	[sflag:s25] =	ssyncset.done $0x0  }
0xf8: {  	s22 =	sadd.s32 $0x5400, s14;
	s24 =	simm.s32 $0x10600;
	[sflag:s25] =	ssyncadd.s32 $0xFFFFF9C0  }
0xf9: {  	[hbm4b:s22+s17] =	stream.strided.scatter [tilespmem:s24], [sflag:$0x8], $0x640, s19, s17, $0x38;
	[tilespmem:$0x13800] =	vst v63  }
0xfa: {  	s22 =	sadd.s32 $0x5780, s14;
	s24 =	simm.s32 $0x10C40  }
0xfb: {  	[hbm4b:s22+s17] =	stream.strided.scatter [tilespmem:s24], [sflag:$0x8], $0x640, s19, s17, $0x38;
	[tilespmem:$0x13800] =	vst v63  }
0xfc: {  	s22 =	sadd.s32 $0x5B00, s14;
	s24 =	simm.s32 $0x11280  }
0xfd: {  	[hbm4b:s22+s17] =	stream.strided.scatter [tilespmem:s24], [sflag:$0x8], $0x640, s19, s17, $0x38;
	[tilespmem:$0x13800] =	vst v63  }
0xfe: {  	s22 =	sadd.s32 $0x5E80, s14;
	s24 =	simm.s32 $0x118C0  }
0xff: {  	[hbm4b:s22+s17] =	stream.strided.scatter [tilespmem:s24], [sflag:$0x8], $0x640, s19, s17, $0x38;
	[tilespmem:$0x13800] =	vst v63  }
0x100: {  	s24 =	sadd.s32 $0x6200, s14  }
0x101: {  	[hbm4b:s24+s17] =	stream.strided.scatter [tilespmem:s16], [sflag:$0x8], $0x640, s19, s17, $0x38;
	[tilespmem:$0x13800] =	vst v63  }
0x102: {  	p0 =	seq.s32 s18, $0x1A400;
	s24 =	sadd.s32 $0x6580, s14  }
0x103: {  	[hbm4b:s24+s17] =	stream.strided.scatter [tilespmem:s29], [sflag:$0x8], $0x640, s19, s17, $0x38;
	[tilespmem:$0x13800] =	vst v63  }
.Ltmp2:
0x104: {  	_ = 	snop;
	(pc) =	sbr.rel @p0 .LBB2_4-.Ltmp2, $4  }
0x105: {  	s24 =	sadd.s32 $0x6900, s14  }
0x106: {  	[hbm4b:s24+s17] =	stream.strided.scatter [tilespmem:s1], [sflag:$0x8], $0x640, s19, s17, $0x38;
	[tilespmem:$0x13800] =	vst v63  }
0x107: {  	s24 =	sadd.s32 $0x6C80, s14  }
0x108: {  	[hbm4b:s24+s17] =	stream.strided.scatter [tilespmem:s20], [sflag:$0x8], $0x640, s19, s17, $0x38;
	[tilespmem:$0x13800] =	vst v63  }
0x109: {  	_ =	swait.ge [sflag:s28], $0x3200  }
0x10a: {  	s22 =	sshra.s32 s18, $0x2;
	[sflag:s28] =	ssyncset.done $0x0  }
0x10b: {  	s31 =	simm.s32 $0x7000;
	s26 =	sadd.s32 $0x700, s22;
	[sflag:s28] =	ssyncadd.s32 $0xFFFFCE00  }
0x10c: {  	[tilespmem:s31], [sflag:$0x1] =	stream.indirect.gather [hbm4b:s3+s8], $0x20, s26, s8, $0xb8;
	[tilespmem:$0x13800] =	vst v63  }
0x10d: {  	s24 =	sadd.s32 $0x738, s22;
	s31 =	simm.s32 $0x7640  }
0x10e: {  	[tilespmem:s31], [sflag:$0x1] =	stream.indirect.gather [hbm4b:s3+s8], $0x20, s24, s8, $0xb8;
	[tilespmem:$0x13800] =	vst v63  }
0x10f: {  	s26 =	sadd.s32 $0x770, s22;
	s24 =	simm.s32 $0x7C80  }
0x110: {  	[tilespmem:s24], [sflag:$0x1] =	stream.indirect.gather [hbm4b:s3+s8], $0x20, s26, s8, $0xb8;
	[tilespmem:$0x13800] =	vst v63  }
0x111: {  	s26 =	sadd.s32 $0x7A8, s22;
	s24 =	simm.s32 $0x82C0  }
0x112: {  	[tilespmem:s24], [sflag:$0x1] =	stream.indirect.gather [hbm4b:s3+s8], $0x20, s26, s8, $0xb8;
	[tilespmem:$0x13800] =	vst v63  }
0x113: {  	s26 =	sadd.s32 $0x7E0, s22;
	s24 =	simm.s32 $0x8900  }
0x114: {  	[tilespmem:s24], [sflag:$0x1] =	stream.indirect.gather [hbm4b:s3+s8], $0x20, s26, s8, $0xb8;
	[tilespmem:$0x13800] =	vst v63  }
0x115: {  	s26 =	sadd.s32 $0x818, s22;
	s24 =	simm.s32 $0x8F40  }
0x116: {  	[tilespmem:s24], [sflag:$0x1] =	stream.indirect.gather [hbm4b:s3+s8], $0x20, s26, s8, $0xb8;
	[tilespmem:$0x13800] =	vst v63  }
0x117: {  	s26 =	sadd.s32 $0x850, s22;
	s24 =	simm.s32 $0x9580  }
0x118: {  	[tilespmem:s24], [sflag:$0x1] =	stream.indirect.gather [hbm4b:s3+s8], $0x20, s26, s8, $0xb8;
	[tilespmem:$0x13800] =	vst v63  }
0x119: {  	s26 =	sadd.s32 $0x888, s22;
	s24 =	simm.s32 $0x9BC0  }
0x11a: {  	[tilespmem:s24], [sflag:$0x1] =	stream.indirect.gather [hbm4b:s3+s8], $0x20, s26, s8, $0xb8;
	[tilespmem:$0x13800] =	vst v63  }
0x11b: {  	_ =	swait.ge [sflag:s30], $0x3200  }
0x11c: {  	[sflag:s30] =	ssyncset.done $0x0  }
0x11d: {  	s24 =	sadd.s32 $0x8C0, s22;
	[sflag:s30] =	ssyncadd.s32 $0xFFFFCE00  }
0x11e: {  	[tilespmem:s2], [sflag:$0x2] =	stream.indirect.gather [hbm4b:s3+s8], $0x20, s24, s8, $0xb8;
	[tilespmem:$0x13800] =	vst v63  }
0x11f: {  	s24 =	sadd.s32 $0x8F8, s22  }
0x120: {  	[tilespmem:s4], [sflag:$0x2] =	stream.indirect.gather [hbm4b:s3+s8], $0x20, s24, s8, $0xb8;
	[tilespmem:$0x13800] =	vst v63  }
0x121: {  	s24 =	sadd.s32 $0x930, s22  }
0x122: {  	[tilespmem:s5], [sflag:$0x2] =	stream.indirect.gather [hbm4b:s3+s8], $0x20, s24, s8, $0xb8;
	[tilespmem:$0x13800] =	vst v63  }
0x123: {  	s24 =	sadd.s32 $0x968, s22  }
0x124: {  	[tilespmem:s6], [sflag:$0x2] =	stream.indirect.gather [hbm4b:s3+s8], $0x20, s24, s8, $0xb8;
	[tilespmem:$0x13800] =	vst v63  }
0x125: {  	s24 =	sadd.s32 $0x9A0, s22  }
0x126: {  	[tilespmem:s7], [sflag:$0x2] =	stream.indirect.gather [hbm4b:s3+s8], $0x20, s24, s8, $0xb8;
	[tilespmem:$0x13800] =	vst v63  }
0x127: {  	s24 =	sadd.s32 $0x9D8, s22  }
0x128: {  	[tilespmem:s9], [sflag:$0x2] =	stream.indirect.gather [hbm4b:s3+s8], $0x20, s24, s8, $0xb8;
	[tilespmem:$0x13800] =	vst v63  }
0x129: {  	s24 =	sadd.s32 $0xA10, s22  }
0x12a: {  	[tilespmem:s11], [sflag:$0x2] =	stream.indirect.gather [hbm4b:s3+s8], $0x20, s24, s8, $0xb8;
	[tilespmem:$0x13800] =	vst v63  }
0x12b: {  	s24 =	sadd.s32 $0xA48, s22  }
0x12c: {  	[tilespmem:s13], [sflag:$0x2] =	stream.indirect.gather [hbm4b:s3+s8], $0x20, s24, s8, $0xb8;
	[tilespmem:$0x13800] =	vst v63  }
0x12d: {  	_ =	swait.ge [sflag:s0], $0x3200  }
0x12e: {  	[sflag:s0] =	ssyncset.done $0x0  }
0x12f: {  	s24 =	sadd.s32 $0xA80, s22;
	[sflag:s0] =	ssyncadd.s32 $0xFFFFCE00  }
0x130: {  	[tilespmem:s12], [sflag:$0x3] =	stream.indirect.gather [hbm4b:s3+s8], $0x20, s24, s8, $0xb8;
	[tilespmem:$0x13800] =	vst v63  }
0x131: {  	s26 =	sadd.s32 $0xAB8, s22;
	s24 =	simm.s32 $0xDA40  }
0x132: {  	[tilespmem:s24], [sflag:$0x3] =	stream.indirect.gather [hbm4b:s3+s8], $0x20, s26, s8, $0xb8;
	[tilespmem:$0x13800] =	vst v63  }
0x133: {  	s26 =	sadd.s32 $0xAF0, s22;
	s24 =	simm.s32 $0xE080  }
0x134: {  	[tilespmem:s24], [sflag:$0x3] =	stream.indirect.gather [hbm4b:s3+s8], $0x20, s26, s8, $0xb8;
	[tilespmem:$0x13800] =	vst v63  }
0x135: {  	s26 =	sadd.s32 $0xB28, s22;
	s24 =	simm.s32 $0xE6C0  }
0x136: {  	[tilespmem:s24], [sflag:$0x3] =	stream.indirect.gather [hbm4b:s3+s8], $0x20, s26, s8, $0xb8;
	[tilespmem:$0x13800] =	vst v63  }
0x137: {  	s26 =	sadd.s32 $0xB60, s22;
	s24 =	simm.s32 $0xED00  }
0x138: {  	[tilespmem:s24], [sflag:$0x3] =	stream.indirect.gather [hbm4b:s3+s8], $0x20, s26, s8, $0xb8;
	[tilespmem:$0x13800] =	vst v63  }
0x139: {  	s26 =	sadd.s32 $0xB98, s22;
	s24 =	simm.s32 $0xF340  }
0x13a: {  	[tilespmem:s24], [sflag:$0x3] =	stream.indirect.gather [hbm4b:s3+s8], $0x20, s26, s8, $0xb8;
	[tilespmem:$0x13800] =	vst v63  }
0x13b: {  	s26 =	sadd.s32 $0xBD0, s22;
	s24 =	simm.s32 $0xF980  }
0x13c: {  	[tilespmem:s24], [sflag:$0x3] =	stream.indirect.gather [hbm4b:s3+s8], $0x20, s26, s8, $0xb8;
	[tilespmem:$0x13800] =	vst v63  }
0x13d: {  	s26 =	sadd.s32 $0xC08, s22;
	s24 =	simm.s32 $0xFFC0  }
0x13e: {  	[tilespmem:s24], [sflag:$0x3] =	stream.indirect.gather [hbm4b:s3+s8], $0x20, s26, s8, $0xb8;
	[tilespmem:$0x13800] =	vst v63  }
0x13f: {  	_ =	swait.ge [sflag:s10], $0x3200  }
0x140: {  	[sflag:s10] =	ssyncset.done $0x0  }
0x141: {  	s26 =	sadd.s32 $0xC40, s22;
	s24 =	simm.s32 $0x10600;
	[sflag:s10] =	ssyncadd.s32 $0xFFFFCE00  }
0x142: {  	[tilespmem:s24], [sflag:$0x4] =	stream.indirect.gather [hbm4b:s3+s8], $0x20, s26, s8, $0xb8;
	[tilespmem:$0x13800] =	vst v63  }
0x143: {  	s26 =	sadd.s32 $0xC78, s22;
	s24 =	simm.s32 $0x10C40  }
0x144: {  	[tilespmem:s24], [sflag:$0x4] =	stream.indirect.gather [hbm4b:s3+s8], $0x20, s26, s8, $0xb8;
	[tilespmem:$0x13800] =	vst v63  }
0x145: {  	s26 =	sadd.s32 $0xCB0, s22;
	s24 =	simm.s32 $0x11280  }
0x146: {  	[tilespmem:s24], [sflag:$0x4] =	stream.indirect.gather [hbm4b:s3+s8], $0x20, s26, s8, $0xb8;
	[tilespmem:$0x13800] =	vst v63  }
0x147: {  	s26 =	sadd.s32 $0xCE8, s22;
	s24 =	simm.s32 $0x118C0  }
0x148: {  	[tilespmem:s24], [sflag:$0x4] =	stream.indirect.gather [hbm4b:s3+s8], $0x20, s26, s8, $0xb8;
	[tilespmem:$0x13800] =	vst v63  }
0x149: {  	s18 =	sadd.s32 $0x1C00, s18;
	s24 =	sadd.s32 $0xD20, s22  }
0x14a: {  	[tilespmem:s16], [sflag:$0x4] =	stream.indirect.gather [hbm4b:s3+s8], $0x20, s24, s8, $0xb8;
	[tilespmem:$0x13800] =	vst v63  }
0x14b: {  	p0 =	sne.s32 s18, $0x1C000;
	s24 =	sadd.s32 $0xD58, s22  }
0x14c: {  	[tilespmem:s29], [sflag:$0x4] =	stream.indirect.gather [hbm4b:s3+s8], $0x20, s24, s8, $0xb8;
	[tilespmem:$0x13800] =	vst v63  }
.Ltmp3:
0x14d: {  	_ = 	snop;
	(pc) =	sbr.rel @p0 .LBB2_2-.Ltmp3, $4  }
.Ltmp4:
0x14e: {  	s24 =	sadd.s32 $0xD90, s22;
	(pc) =	sbr.rel @!p0 .LBB2_4-.Ltmp4, $4  }
0x14f: {  	[tilespmem:s1], [sflag:$0x4] =	stream.indirect.gather [hbm4b:s3+s8], $0x20, s24, s8, $0xb8;
	[tilespmem:$0x13800] =	vst v63  }
0x150: {  	s14 =	sadd.s32 $0x7000, s14;
	s26 =	simm.s32 $0x7000;
	s22 =	sadd.s32 $0xDC8, s22  }
0x151: {  	[tilespmem:s20], [sflag:$0x4] =	stream.indirect.gather [hbm4b:s3+s8], $0x20, s22, s8, $0xb8;
	[tilespmem:$0x13800] =	vst v63  }
0x152: {  	_ = 	snop  }
.LBB2_5:
0x153: {  	_ =	sfence.sel $0x180000  }
0x154: {  	[bflag:$0x0] =	sbarrier.arrive $0xFFFF  }
0x155: {  	_ =	strace $0x90000047  }
0x156: {  	s0 =	stileid.u32;
	[bflag:$0x2] =	sbarrier.arrive $0xFFFF  }
0x157: {  	p0 =	sne.s32 s0, $0x0;
	s0 =	rddreg [dreg:$0x2]  }
0x158: {  	s0 =	sadd.s32 @!p0 $0x100000, s0  }
0x159: {  	[sflag:s0] =	ssyncadd.tile.s32 @!p0 $0x1;
	_ =	shalt  }
.Lfunc_end2:
_tile_overlayer_lowered:
.L_overlay_start_2:
0x15a: {  	(tag) =	ssettag $0x2  }
0x15b: {  	s0 =	rddreg [dreg:$0x0];
	s2 =	stileid.u32  }
0x15c: {  	s1 =	rddreg [dreg:$0x1];
	p0 =	sne.s32 s2, $0x0  }
0x15d: {  	s3 =	rddreg [dreg:$0x2];
	[bflag:$0x3] =	sbarrier.arrive $0xFFFF;
	s2 =	simm.s32 @!p0 $0x1C09  }
0x15e: {  	[timem:s3], [sflag:s2] =	dma.local @!p0 [hbm:s0], s1  }
0x15f: {  	s0 =	simm.s32 @!p0 $0x9  }
0x160: {  	_ =	swait.ge @!p0 [sflag:s0], s1  }
0x161: {  	s1 =	ssub.s32 @!p0 $0x0, s1;
	[sflag:s0] =	ssyncset.done @!p0 $0x0  }
0x162: {  	[sflag:s0] =	ssyncadd.s32 @!p0 s1  }
0x163: {  	[bflag:$0x3] =	sbarrier.arrive $0xFFFF  }
0x164: {  	_ =	shalt  }

// kernel: sparse-core-data-format-call.cloned.1.call-start
scs
called_computation_lowered:
.L_overlay_start_0:
0x0: {  	s2 =	sld [smem:$0x3FD9]  }
0x1: {  	s3 =	sld [smem:$0x3FFE];
	_ =	sdelay $0x1  }
0x2: {  	s1 =	srdreg.scid  }
0x3: {  	s0 =	sand.u32 $0x1, s1  }
0x4: {  	s18 =	sshll.u32 s0, $0xA;
	s2 =	sadd.s32 s3, s2  }
0x5: {  	s2 =	sadd.s32 s2, s18  }
0x6: {  	[smem:$0x3FC6] =	sst s2  }
0x7: {  	_ = 	snop  }
0x8: {  	s2 =	sld [smem:$0x3FD0];
	(tm) =	ssettm $0x1  }
0x9: {  	s19 =	sld [smem:$0x3FFB];
	_ =	sdelay $0x3  }
0xa: {  	_ =	strace s19  }
0xb: {  	s3 =	sld [smem:$0x3FFC];
	_ =	sdelay $0x3  }
0xc: {  	_ =	strace s3  }
0xd: {  	s3 =	sld [smem:$0x3FFD];
	_ =	sdelay $0x3  }
0xe: {  	_ =	strace s3  }
0xf: {  	_ =	strace $0x8FFFFFFF  }
0x10: {  	s20 =	sld [smem:$0x3FDB];
	_ =	sdelay $0x1  }
0x11: {  	s4 =	simm.s32 $_scs_section_size  }
0x12: {  	s5 =	simm.s32 $_size__tile_overlayer_lowered;
	s6 =	simm.s32 $_tile_overlayer_lowered  }
0x13: {  	s23 =	simm.s32 $0x1BFF;
	s22 =	sshll.u32 s6, $0x1;
	s3 =	sadd.s32 s4, s20  }
0x14: {  	s7 =	simm.s32 $0x0;
	s21 =	sshll.u32 s5, $0x1;
	s5 =	sadd.s32 s22, s3  }
0x15: {  	[timem:s7], [sflag:s23] =	dma.local [hbm:s5], s21  }
0x16: {  	_ =	swait.ge [sflag:s23], s21  }
0x17: {  	s4 =	ssub.s32 $0x0, s21;
	[sflag:s23] =	ssyncset.done $0x0  }
0x18: {  	[sflag:s23] =	ssyncadd.s32 s4;
	_ =	sdelay $0x1  }
0x19: {  	s24 =	simm.s32 $0x1B8B  }
0x1a: {  	_ =	swait.ge [sflag:s24], $0x1  }
0x1b: {  	[sflag:s24] =	ssyncset.done $0x0  }
0x1c: {  	s26 =	simm.s32 $0x1B8E;
	s25 =	sld [smem:$0x3FFE];
	[sflag:s24] =	ssyncadd.s32 $0xFFFFFFFF  }
0x1d: {  	s27 =	simm.s32 $execute0_lowered;
	[smem:$0x3FD2] =	sst s26  }
0x1e: {  	s5 =	sshll.u32 s27, $0x1;
	_ =	strace $0x80000049;
	[dreg:$0x1] =	wrdreg $0xFFFFFFFF  }
0x1f: {  	s28 =	simm.s32 $_size_execute0_lowered;
	s3 =	sadd.s32 s3, s5;
	[dreg:$0x0] =	wrdreg $0x0  }
0x20: {  	s5 =	sshll.u32 s28, $0x1;
	[dreg:$0x2] =	wrdreg s3  }
0x21: {  	[dreg:$0x3] =	wrdreg s5  }
0x22: {  	[dreg:$0x4] =	wrdreg $0xC0  }
0x23: {  	_ =	task [dreg:s7], $0x5FFFF  }
0x24: {  	[dreg:$0x1] =	wrdreg $0xFFFFFFFF  }
0x25: {  	[dreg:$0x0] =	wrdreg $0x60  }
0x26: {  	[dreg:$0x2] =	wrdreg s25  }
0x27: {  	[dreg:$0x3] =	wrdreg s2  }
0x28: {  	[dreg:$0x4] =	wrdreg $0x9  }
0x29: {  	_ =	task.clear_ibuf [dreg:s7], $0x5FFFF;
	_ =	strace $0x90000049  }
0x2a: {  	s29 =	simm.s32 $0x9;
	_ =	strace $0x8000004B  }
0x2b: {  	_ =	swait.ge [sflag:s29], $0x1  }
0x2c: {  	[sflag:s29] =	ssyncadd.s32 $0xFFFFFFFF  }
0x2d: {  	_ =	strace $0x9000004B  }
0x2e: {  	_ =	sfence  }
0x2f: {  	s30 =	sld [smem:$0x0];
	_ =	sdelay $0x2  }
0x30: {  	s31 =	sshll.u32 s1, $0xD;
	s1 =	sshrl.u32 s1, $0x2  }
0x31: {  	s3 =	sand.u32 $0x4000, s31;
	s1 =	sadd.s32 s1, s30  }
0x32: {  	s0 =	sor.u32 s3, s0;
	s1 =	sshll.u32 s1, $0x11  }
0x33: {  	s0 =	sor.u32 s1, s0  }
0x34: {  	s0 =	sadd.s32 $0x8F2B, s0  }
0x35: {  	[sflag:s0] =	ssyncadd.remote.s32 $0x1  }
0x36: {  	_ =	sfence.sel $0xFFFF  }
0x37: {  	[dreg:$0x0] =	wrdreg $0xFFFFFFFF;
	(pc) =	sbr.abs _section_cstart, $3  }
0x38: {  	[dreg:$0x1] =	wrdreg $0xFFFFFFFF  }
0x39: {  	_ =	task.clear_ibuf [dreg:s7], $0x2FFFF;
	_ =	strace $0x9FFFFFFF  }
0x3a: {  	(tm) =	ssettm $0x7FFFFFFF  }
0x3b: {  	_ =	shalt  }
tec
execute0_lowered:
.L_overlay_start_1:
0x0: {  	(tag) =	ssettag $0x1  }
0x1: {  	s0 =	srdreg.scid  }
0x2: {  	s1 =	sshll.u32 s0, $0x4  }
0x3: {  	s0 =	stileid.u32;
	s1 =	sand.u32 $0x10, s1  }
0x4: {  	s1 =	sor.u32 s0, s1  }
0x5: {  	s6 =	rddreg [dreg:$0x0];
	s4 =	simm.s32 $0x1;
	s2 =	sshll.u32 s1, $0x7  }
0x6: {  	s7 =	simm.s32 $0x2;
	s12 =	simm.s32 $0x0;
	s1 =	ssub.s32 $0x4000, s2  }
0x7: {  	s8 =	simm.s32 $0x20000;
	s13 =	simm.s32 $0x0;
	s3 =	sand.u32 $0xF80, s1  }
0x8: {  	s9 =	simm.s32 $0x0;
	s5 =	sshrl.u32 s1, $0xC;
	p0 =	sne.s32 s3, $0x0  }
.Ltmp0:
0x9: {  	s1 =	rddreg [dreg:$0x2];
	s4 =	simm.s32 @!p0 $0x0;
	(pc) =	sbr.rel .LBB1_1-.Ltmp0, $4  }
0xa: {  	s11 =	simm.s32 $0x0;
	s3 =	rddreg [dreg:$0x1];
	s5 =	sadd.s32 s4, s5  }
0xb: {  	_ =	strace $0x8000004A;
	s4 =	simm.s32 $0x1;
	s5 =	smul.u32 $0x32, s5  }
0xc: {  	s6 =	sadd.s32 $0xA00, s6;
	s10 =	smov.u32 s2;
	[sflag:s4] =	ssyncpa.u1 $0x0  }
0xd: {  	p0 =	por $0x0, $0x0;
	[sflag:s7] =	ssyncpa.u1 $0x0;
	s7 =	sor.u32 $0x1, s5  }
.LBB1_4:
0xe: {  	s16 =	sshll.u32 s13, $0x3;
	s17 =	sand.u32 $0x78, s13  }
0xf: {  	s30 =	sand.u32 $0xF800, s13;
	s12 =	sshll.u32 s12, $0x10;
	s16 =	sand.u32 $0x3C00, s16  }
0x10: {  	s31 =	sand.u32 $0x7, s13;
	s16 =	sor.u32 s17, s16;
	s17 =	sadd.s32 s3, s30  }
0x11: {  	s13 =	sshll.u32 s31, $0x12;
	s16 =	sshrl.u32 s16, $0x3;
	s12 =	sadd.s32 s12, s17  }
0x12: {  	[tilespmem:s15+$0x0 ss:$0x81] =	vst.msk $0xffff, v0;
	s13 =	sor.u32 $0x400, s13;
	s12 =	sadd.s32 s16, s12  }
0x13: {  	[hbm4b:s12+s13] =	stream.strided.scatter [tilespmem:s14], [sflag:$0x2], $0x1000, s8, s13, $0x20;
	[tilespmem:$0x4040] =	vst v63  }
.LBB1_5:
0x14: {  	s14 =	sadd.s32 $0x1, s9  }
0x15: {  	s12 =	sadd.s32 $0x1000, s10;
	s16 =	smov.u32 s10;
	p2 =	sgt.s32 s14, $0x31  }
0x16: {  	s16 =	smov.u32 @p2 s12  }
0x17: {  	s14 =	simm.s32 @p2 $0x0;
	p2 =	sgt.s32 s16, $0x3FFF  }
0x18: {  	s16 =	smov.u32 @p2 s2;
	p2 =	sne.s32 s11, s7  }
.Ltmp1:
0x19: {  	p1 =	slt.u32 s11, $0x2;
	(pc) =	sbr.rel @!p2 .LBB1_6-.Ltmp1, $4  }
0x1a: {  	s15 =	simm.s32 @!p1 $0x2  }
0x1b: {  	s13 =	smov.u32 s10;
	p0 =	por !p0, !p0;
	_ =	swait.ge @!p1 [sflag:s15], $0x1000  }
0x1c: {  	s12 =	smov.u32 s9;
	[sflag:s15] =	ssyncset.done @!p1 $0x0;
	s9 =	smov.u32 s14  }
0x1d: {  	s11 =	sadd.s32 $0x1, s11;
	[sflag:s15] =	ssyncadd.s32 @!p1 $0xFFFFF000;
	s10 =	smov.u32 s16  }
.LBB1_1:
0x1e: {  	p1 =	sge.u32 s11, s5  }
0x1f: {  	s14 =	sand.u32 @!p1 $0x1FFFFFF, s9  }
0x20: {  	s15 =	smulhi.u32 @!p1 $0x4924925, s14;
	_ =	sdelay $0x1  }
0x21: {  	s15 =	smul.u32 @!p1 $0x38, s15  }
0x22: {  	s16 =	sxor.u32 @!p1 $0xFFFFFFFF, s11;
	s17 =	smul.u32 @!p1 $0x380, s10  }
0x23: {  	s31 =	sadd.s32 $0xFFFFFFFF, s11;
	s16 =	sshll.u32 @!p1 s16, $0xC;
	s14 =	ssub.s32 @!p1 s14, s15  }
0x24: {  	s15 =	sand.u32 @!p1 $0x1000, s16;
	s16 =	sadd.s32 @!p1 s6, s17;
	s14 =	sshll.u32 @!p1 s14, $0x4  }
0x25: {  	s17 =	simm.s32 @!p1 $0x1C00;
	s14 =	sadd.s32 @!p1 s14, s16;
	s16 =	simm.s32 @!p1 $0x20  }
0x26: {  	[tilespmem:s15], [sflag:$0x1] =	stream.strided.gather @!p1 [hbm4b:s14+s16], $0x1000, s17, s16, $0x38;
	[tilespmem:$0x4040] =	vst v63  }
0x27: {  	p1 =	sge.u32 s31, s5  }
.Ltmp2:
0x28: {  	_ = 	snop;
	(pc) =	sbr.rel @p1 .LBB1_5-.Ltmp2, $1  }
0x29: {  	_ =	sdelay $0x3  }
0x2a: {  	s14 =	simm.s32 $0x1  }
0x2b: {  	_ =	swait.ge [sflag:s4], $0x1000;
	s14 =	simm.s32 @!p0 $0x0  }
0x2c: {  	[sflag:s4] =	ssyncset.done $0x0;
	s15 =	sshll.u32 s14, $0xC  }
0x2d: {  	[sflag:s4] =	ssyncadd.s32 $0xFFFFF000;
	s18 =	sor.u32 $0x10, s15  }
0x2e: {  	s14 =	smul.u32 $0x4080, s14;
	v1 =	vld [tilespmem:s18+$0x0]  }
0x2f: {  	s30 =	sand.u32 $0x1, s11;
	v0 =	vld [tilespmem:s18+$0xFFFFFFF0]  }
0x30: {  	s15 =	smul.u32 $0x4080, s30;
	s14 =	sshrl.u32 s14, $0x2  }
0x31: {  	s16 =	sor.u32 $0x2000, s14  }
0x32: {  	s31 =	sshrl.u32 s15, $0x2;
	s15 =	sadd.s32 $0x0, s16  }
0x33: {  	s17 =	simm.s32 $0x4;
	s18 =	sadd.s32 $0x20, s18;
	s14 =	sor.u32 $0x2000, s31;
	[tilespmem:s15+$0x810 ss:$0x81] =	vst.msk $0xffff, v1  }
.LBB1_3:
0x34: {  	v1 =	vld [tilespmem:s18+$0x0];
	p1 =	sne.s32 s17, $0x1FC;
	[tilespmem:s15+$0x0 ss:$0x81] =	vst.msk $0xffff, v0;
	s15 =	smov.u32 s17;
	s17 =	sadd.s32 $0x4, s17  }
.Ltmp3:
0x35: {  	v0 =	vld [tilespmem:s18+$0xFFFFFFF0];
	(pc) =	sbr.rel @p1 .LBB1_3-.Ltmp3, $4  }
0x36: {  	_ = 	snop  }
0x37: {  	s15 =	sshra.s32 s15, $0x2  }
0x38: {  	s15 =	sadd.s32 s15, s16  }
0x39: {  	s18 =	sadd.s32 $0x20, s18;
	[tilespmem:s15+$0x810 ss:$0x81] =	vst.msk $0xffff, v1  }
.Ltmp4:
0x3a: {  	_ = 	snop;
	(pc) =	sbr.rel .LBB1_4-.Ltmp4, $1  }
0x3b: {  	_ =	sdelay $0x3  }
.LBB1_6:
0x3c: {  	_ =	sfence.sel $0x180000  }
0x3d: {  	s2 =	simm.s32 $0x1;
	[bflag:$0x0] =	sbarrier.arrive $0xFFFF  }
0x3e: {  	s31 =	simm.s32 $0x2;
	[sflag:s2] =	ssyncpa.u1 $0x1  }
0x3f: {  	[sflag:s31] =	ssyncpa.u1 $0x1  }
0x40: {  	p0 =	sne.s32 s0, $0x0;
	_ =	strace $0x9000004A  }
0x41: {  	s0 =	sadd.s32 @!p0 $0x100000, s1;
	[bflag:$0x2] =	sbarrier.arrive $0xFFFF  }
0x42: {  	[sflag:s0] =	ssyncadd.tile.s32 @!p0 $0x1;
	_ =	shalt  }
.Lfunc_end1:
_tile_overlayer_lowered:
.L_overlay_start_2:
0x43: {  	(tag) =	ssettag $0x2  }
0x44: {  	s0 =	rddreg [dreg:$0x0];
	s2 =	stileid.u32  }
0x45: {  	s1 =	rddreg [dreg:$0x1];
	p0 =	sne.s32 s2, $0x0  }
0x46: {  	s3 =	rddreg [dreg:$0x2];
	[bflag:$0x3] =	sbarrier.arrive $0xFFFF;
	s2 =	simm.s32 @!p0 $0x1C01  }
0x47: {  	[timem:s3], [sflag:s2] =	dma.local @!p0 [hbm:s0], s1  }
0x48: {  	s0 =	simm.s32 @!p0 $0x1  }
0x49: {  	_ =	swait.ge @!p0 [sflag:s0], s1  }
0x4a: {  	s1 =	ssub.s32 @!p0 $0x0, s1;
	[sflag:s0] =	ssyncset.done @!p0 $0x0  }
0x4b: {  	[sflag:s0] =	ssyncadd.s32 @!p0 s1  }
0x4c: {  	[bflag:$0x3] =	sbarrier.arrive $0xFFFF  }
0x4d: {  	_ =	shalt  }

</sc_bundles>
